<compile_context>
chip_gen: v7x
topology: tpu7x:2x2x1
jax: 0.10.2.dev20260603
libtpu: 0.0.44.dev20260713+nightly
codegen_flags: <defaults>
</compile_context>

<pallas_src>
import functools

import jax
import jax.numpy as jnp
from jax import lax
from jax.experimental import pallas as pl
from jax.experimental.pallas import tpu as pltpu
from jax.experimental.pallas import tpu_sc as plsc

_NUM_LABELS = 1000
_D = 128
_L = 16
_NC, _NS = 2, 16
_NW = _NC * _NS
_CHUNK = 128


def kernel(vertex_ids, labels, degrees, vertex_embed, label_embed, deg_W, deg_b):
    n = vertex_ids.shape[0]
    b_per_w = n // _NW
    n_chunks = b_per_w // _CHUNK
    gpc = _CHUNK // _L
    qn = _D // _L
    qh = qn // 2

    vertex_ids = vertex_ids.astype(jnp.int32)
    labels = labels.astype(jnp.int32)

    mesh = plsc.VectorSubcoreMesh(
        core_axis_name="c", subcore_axis_name="s",
        num_cores=_NC, num_subcores=_NS,
    )

    @functools.partial(
        pl.kernel,
        out_type=jax.ShapeDtypeStruct((n, _D), jnp.float32),
        mesh=mesh,
        scratch_types=[
            pltpu.VMEM((b_per_w,), jnp.int32),
            pltpu.VMEM((b_per_w,), jnp.int32),
            pltpu.VMEM((b_per_w,), jnp.float32),
            pltpu.VMEM((_D,), jnp.float32),
            pltpu.VMEM((_D,), jnp.float32),
            pltpu.VMEM((b_per_w, _D), jnp.float32),
            pltpu.SemaphoreType.DMA,
            pltpu.SemaphoreType.DMA,
        ],
    )
    def run(vid_hbm, lbl_hbm, deg_hbm, vtab_hbm, ltab_hbm, w_hbm, b_hbm,
            out_hbm, vidx, lidx, degv, wv, bv, rows, sem_in, sem_add):
        wid = lax.axis_index("s") * _NC + lax.axis_index("c")
        base = wid * b_per_w

        ins = [
            pltpu.async_copy(vid_hbm.at[pl.ds(base, b_per_w)], vidx, sem_in),
            pltpu.async_copy(lbl_hbm.at[pl.ds(base, b_per_w)], lidx, sem_in),
            pltpu.async_copy(deg_hbm.at[pl.ds(base, b_per_w)], degv, sem_in),
            pltpu.async_copy(w_hbm, wv, sem_in),
            pltpu.async_copy(b_hbm, bv, sem_in),
        ]
        for c in ins:
            c.wait()

        def fix_labels(i, _):
            lab = lidx[pl.ds(i * _L, _L)]
            lab = jnp.where((lab >= _NUM_LABELS) | (lab == -1),
                            _NUM_LABELS, lab)
            lidx[pl.ds(i * _L, _L)] = jnp.clip(lab, 0, _NUM_LABELS)
            return 0

        lax.fori_loop(0, b_per_w // _L, fix_labels, 0)

        ws = [wv[pl.ds(q * _L, _L)] for q in range(qn)]
        bs = [bv[pl.ds(q * _L, _L)] for q in range(qn)]

        def make_pass(q0):
            def half_pass(g, _):
                d16 = degv[pl.ds(g * _L, _L)]
                d16 = jnp.where(d16 * 0.0 == 0.0, d16, 1.0)
                d16 = jnp.maximum(d16, 1.0)
                for k in range(_L):
                    d = jnp.full((_L,), d16[k], jnp.float32)
                    i = g * _L + k
                    for q in range(q0, q0 + qh):
                        rows[i, pl.ds(q * _L, _L)] = d * ws[q] + bs[q]
                return 0
            return half_pass

        pass_lo = make_pass(0)
        pass_hi = make_pass(qh)

        def chunk_body(j, _):
            lax.fori_loop(j * gpc, (j + 1) * gpc, pass_lo, 0)
            lax.fori_loop(j * gpc, (j + 1) * gpc, pass_hi, 0)
            dst = rows.at[pl.ds(j * _CHUNK, _CHUNK)]
            vsl = vidx.at[pl.ds(j * _CHUNK, _CHUNK)]
            lsl = lidx.at[pl.ds(j * _CHUNK, _CHUNK)]
            pltpu.async_copy(vtab_hbm.at[vsl], dst, sem_add, add=True)
            pltpu.async_copy(ltab_hbm.at[lsl], dst, sem_add, add=True)
            return 0

        lax.fori_loop(0, n_chunks, chunk_body, 0)

        def drain_body(j, _):
            dst = rows.at[pl.ds(j * _CHUNK, _CHUNK)]
            vsl = vidx.at[pl.ds(j * _CHUNK, _CHUNK)]
            lsl = lidx.at[pl.ds(j * _CHUNK, _CHUNK)]
            pltpu.make_async_copy(vtab_hbm.at[vsl], dst, sem_add).wait()
            pltpu.make_async_copy(ltab_hbm.at[lsl], dst, sem_add).wait()
            return 0

        lax.fori_loop(0, n_chunks, drain_body, 0)

        pltpu.sync_copy(rows, out_hbm.at[pl.ds(base, b_per_w)])

    return run(vertex_ids, labels, degrees, vertex_embed, label_embed,
               deg_W, deg_b)

# --- scband reference (transcript-rebuilt; emitter-appended) ---
"""Pipeline reference for scband-graph-embedding-19636590478043 (READ-ONLY COPY).

The authoritative reference and input builder live on the scoring server;
editing this copy changes nothing except your own understanding.
"""

import jax, jax.numpy as jnp
import numpy as np

NUM_VERTICES = 100000
NUM_LABELS = 1000
EMBED_DIM = 128
N = 16384
WILDCARD_IDX = NUM_LABELS  # 1000


def setup_inputs(seed: int = 0) -> dict:
    key = jax.random.key(seed)
    k1, k2, k3, k4, k5, k6, k7 = jax.random.split(key, 7)
    vertex_ids = jax.random.randint(k1, (N,), 0, NUM_VERTICES)
    labels = jax.random.randint(k2, (N,), 0, NUM_LABELS)
    degrees = jax.random.normal(k3, (N,), dtype=jnp.float32)
    # learned parameters
    vertex_embed = jax.random.normal(k4, (NUM_VERTICES, EMBED_DIM), dtype=jnp.float32) * 0.02
    label_embed = jax.random.normal(k5, (NUM_LABELS + 1, EMBED_DIM), dtype=jnp.float32) * 0.02
    deg_W = jax.random.normal(k6, (EMBED_DIM,), dtype=jnp.float32) * 0.02  # nn.Linear(1, D) weight, squeezed
    deg_b = jax.random.normal(k7, (EMBED_DIM,), dtype=jnp.float32) * 0.02
    return {
        "vertex_ids": vertex_ids,
        "labels": labels,
        "degrees": degrees,
        "vertex_embed": vertex_embed,
        "label_embed": label_embed,
        "deg_W": deg_W,
        "deg_b": deg_b,
    }


def _sanitize_degrees(degrees):
    d = degrees.astype(jnp.float32)
    d = jnp.where(jnp.isfinite(d), d, 1.0)
    d = jnp.maximum(d, 1.0)
    return d


def reference(vertex_ids, labels, degrees, vertex_embed, label_embed, deg_W, deg_b):
    # sanitize (mirrors _sanitize_inputs under no_grad)
    labels = jnp.where((labels >= NUM_LABELS) & (labels != -1), -1, labels)
    degrees = _sanitize_degrees(degrees)
    # forward_data
    vid_feat = jnp.take(vertex_embed, vertex_ids, axis=0)            # [N, D] gather
    mapped = jnp.where(labels == -1, jnp.full_like(labels, WILDCARD_IDX), labels)
    lbl_feat = jnp.take(label_embed, mapped, axis=0)                 # [N, D] gather
    deg_feat = degrees[:, None] * deg_W[None, :] + deg_b[None, :]    # Linear(1, D)
    return vid_feat + lbl_feat + deg_feat

if __name__ == "__main__":
    import jax
    _d = setup_inputs()
    print(jax.jit(kernel)(*tuple(_d.values())))

</pallas_src>

<mosaic_0001>
#map = affine_map<(d0, d1) -> (0)>
#map1 = affine_map<(d0, d1) -> (0, 0)>
module attributes {stable_mosaic.version = 14 : i64} {
  func.func @run(%arg0: i32, %arg1: i32, %arg2: memref<16384xi32, #tpu.memory_space<hbm>>, %arg3: memref<16384xi32, #tpu.memory_space<hbm>>, %arg4: memref<16384xf32, #tpu.memory_space<hbm>>, %arg5: memref<100000x128xf32, #tpu.memory_space<hbm>>, %arg6: memref<1001x128xf32, #tpu.memory_space<hbm>>, %arg7: memref<128xf32, #tpu.memory_space<hbm>>, %arg8: memref<128xf32, #tpu.memory_space<hbm>>, %arg9: memref<16384x128xf32, #tpu.memory_space<hbm>>, %arg10: memref<512xi32, #tpu.memory_space<vmem>>, %arg11: memref<512xi32, #tpu.memory_space<vmem>>, %arg12: memref<512xf32, #tpu.memory_space<vmem>>, %arg13: memref<128xf32, #tpu.memory_space<vmem>>, %arg14: memref<128xf32, #tpu.memory_space<vmem>>, %arg15: memref<512x128xf32, #tpu.memory_space<vmem>>, %arg16: memref<!tpu.dma_semaphore, #tpu.memory_space<semaphore_mem>>, %arg17: memref<!tpu.dma_semaphore, #tpu.memory_space<semaphore_mem>>) attributes {dimension_semantics = [#tpu.dimension_semantics<core_parallel>, #tpu.dimension_semantics<subcore_parallel>], iteration_bounds = array<i64: 2, 16>, scalar_prefetch = 0 : i64, scratch_operands = 8 : i64, tpu.core_type = #tpu.core_type<sc_vector_subcore>, window_params = [{transform_indices = #map}, {transform_indices = #map}, {transform_indices = #map}, {transform_indices = #map1}, {transform_indices = #map1}, {transform_indices = #map}, {transform_indices = #map}, {transform_indices = #map1}]} {
    %mul3A = arith.constant 2 : i32
    %mul3A_0 = arith.muli %arg1, %mul3A : i32
    %add3A = arith.addi %mul3A_0, %arg0 : i32
    %mul3A_1 = arith.constant 512 : i32
    %mul3A_2 = arith.muli %add3A, %mul3A_1 : i32
    %dma_start3A = tpu.memref_slice %arg2[%mul3A_2] : memref<16384xi32, #tpu.memory_space<hbm>> -> memref<512xi32, #tpu.memory_space<hbm>>
    %dma_start3A_3 = tpu.memref_slice %arg2[%mul3A_2] : memref<16384xi32, #tpu.memory_space<hbm>> -> memref<512xi32, #tpu.memory_space<hbm>>
    tpu.enqueue_dma source(%dma_start3A_3 : memref<512xi32, #tpu.memory_space<hbm>>) target(%arg10 : memref<512xi32, #tpu.memory_space<vmem>>) target_semaphore(%arg16 : memref<!tpu.dma_semaphore, #tpu.memory_space<semaphore_mem>>)
    %dma_start3A_4 = tpu.memref_slice %arg3[%mul3A_2] : memref<16384xi32, #tpu.memory_space<hbm>> -> memref<512xi32, #tpu.memory_space<hbm>>
    %dma_start3A_5 = tpu.memref_slice %arg3[%mul3A_2] : memref<16384xi32, #tpu.memory_space<hbm>> -> memref<512xi32, #tpu.memory_space<hbm>>
    tpu.enqueue_dma source(%dma_start3A_5 : memref<512xi32, #tpu.memory_space<hbm>>) target(%arg11 : memref<512xi32, #tpu.memory_space<vmem>>) target_semaphore(%arg16 : memref<!tpu.dma_semaphore, #tpu.memory_space<semaphore_mem>>)
    %dma_start3A_6 = tpu.memref_slice %arg4[%mul3A_2] : memref<16384xf32, #tpu.memory_space<hbm>> -> memref<512xf32, #tpu.memory_space<hbm>>
    %dma_start3A_7 = tpu.memref_slice %arg4[%mul3A_2] : memref<16384xf32, #tpu.memory_space<hbm>> -> memref<512xf32, #tpu.memory_space<hbm>>
    tpu.enqueue_dma source(%dma_start3A_7 : memref<512xf32, #tpu.memory_space<hbm>>) target(%arg12 : memref<512xf32, #tpu.memory_space<vmem>>) target_semaphore(%arg16 : memref<!tpu.dma_semaphore, #tpu.memory_space<semaphore_mem>>)
    tpu.enqueue_dma source(%arg7 : memref<128xf32, #tpu.memory_space<hbm>>) target(%arg13 : memref<128xf32, #tpu.memory_space<vmem>>) target_semaphore(%arg16 : memref<!tpu.dma_semaphore, #tpu.memory_space<semaphore_mem>>)
    tpu.enqueue_dma source(%arg8 : memref<128xf32, #tpu.memory_space<hbm>>) target(%arg14 : memref<128xf32, #tpu.memory_space<vmem>>) target_semaphore(%arg16 : memref<!tpu.dma_semaphore, #tpu.memory_space<semaphore_mem>>)
    %dma_wait3A = tpu.memref_slice %arg2[%mul3A_2] : memref<16384xi32, #tpu.memory_space<hbm>> -> memref<512xi32, #tpu.memory_space<hbm>>
    %dma_wait3A_8 = tpu.memref_slice %arg2[%mul3A_2] : memref<16384xi32, #tpu.memory_space<hbm>> -> memref<512xi32, #tpu.memory_space<hbm>>
    tpu.wait_dma2 semaphore(%arg16 : memref<!tpu.dma_semaphore, #tpu.memory_space<semaphore_mem>>) src(%dma_wait3A_8 : memref<512xi32, #tpu.memory_space<hbm>>) dst(%arg10 : memref<512xi32, #tpu.memory_space<vmem>>)
    %dma_wait3A_9 = tpu.memref_slice %arg3[%mul3A_2] : memref<16384xi32, #tpu.memory_space<hbm>> -> memref<512xi32, #tpu.memory_space<hbm>>
    %dma_wait3A_10 = tpu.memref_slice %arg3[%mul3A_2] : memref<16384xi32, #tpu.memory_space<hbm>> -> memref<512xi32, #tpu.memory_space<hbm>>
    tpu.wait_dma2 semaphore(%arg16 : memref<!tpu.dma_semaphore, #tpu.memory_space<semaphore_mem>>) src(%dma_wait3A_10 : memref<512xi32, #tpu.memory_space<hbm>>) dst(%arg11 : memref<512xi32, #tpu.memory_space<vmem>>)
    %dma_wait3A_11 = tpu.memref_slice %arg4[%mul3A_2] : memref<16384xf32, #tpu.memory_space<hbm>> -> memref<512xf32, #tpu.memory_space<hbm>>
    %dma_wait3A_12 = tpu.memref_slice %arg4[%mul3A_2] : memref<16384xf32, #tpu.memory_space<hbm>> -> memref<512xf32, #tpu.memory_space<hbm>>
    tpu.wait_dma2 semaphore(%arg16 : memref<!tpu.dma_semaphore, #tpu.memory_space<semaphore_mem>>) src(%dma_wait3A_12 : memref<512xf32, #tpu.memory_space<hbm>>) dst(%arg12 : memref<512xf32, #tpu.memory_space<vmem>>)
    tpu.wait_dma2 semaphore(%arg16 : memref<!tpu.dma_semaphore, #tpu.memory_space<semaphore_mem>>) src(%arg7 : memref<128xf32, #tpu.memory_space<hbm>>) dst(%arg13 : memref<128xf32, #tpu.memory_space<vmem>>)
    tpu.wait_dma2 semaphore(%arg16 : memref<!tpu.dma_semaphore, #tpu.memory_space<semaphore_mem>>) src(%arg8 : memref<128xf32, #tpu.memory_space<hbm>>) dst(%arg14 : memref<128xf32, #tpu.memory_space<vmem>>)
    %scan3A = arith.constant 0 : i32
    %scan3A_13 = arith.constant 0 : i32
    %scan3A_14 = arith.constant 32 : i32
    %scan3A_15 = arith.addi %scan3A_13, %scan3A_14 : i32
    %scan3A_16 = arith.constant 1 : i32
    %scan3A_17 = scf.for %scan3A_80 = %scan3A_13 to %scan3A_15 step %scan3A_16 iter_args(%scan3A_81 = %scan3A) -> (i32)  : i32 {
      %mul3A_82 = arith.constant 16 : i32
      %mul3A_83 = arith.muli %scan3A_80, %mul3A_82 : i32
      %get3A_84 = arith.index_cast %mul3A_83 : i32 to index
      %get3A_85 = tpu.vector_load %arg11[%get3A_84] {strides = array<i32>} : memref<512xi32, #tpu.memory_space<vmem>>, vector<16xi32>,
      %get3A_86 = vector.shape_cast %get3A_85 : vector<16xi32> to vector<16xi32>
      %ge3A = arith.constant 1000 : i32
      %ge3A_87 = vector.broadcast %ge3A : i32 to vector<16xi32>
      %ge3A_88 = arith.cmpi sge, %get3A_86, %ge3A_87 : vector<16xi32>
      %eq3A = arith.constant -1 : i32
      %eq3A_89 = vector.broadcast %eq3A : i32 to vector<16xi32>
      %eq3A_90 = arith.cmpi eq, %get3A_86, %eq3A_89 : vector<16xi32>
      %or3A = arith.ori %ge3A_88, %eq3A_90 : vector<16xi1>
      %jit3A = arith.constant 1000 : i32
      %broadcast_in_dim3A = vector.broadcast %jit3A : i32 to vector<16xi32>
      %select_n3A = arith.select %or3A, %broadcast_in_dim3A, %get3A_86 : vector<16xi1>, vector<16xi32>
      %jit3A_91 = arith.constant 0 : i32
      %jit3A_92 = arith.constant 1000 : i32
      %max3A = vector.broadcast %jit3A_91 : i32 to vector<16xi32>
      %max3A_93 = arith.maxsi %max3A, %select_n3A : vector<16xi32>
      %min3A = vector.broadcast %jit3A_92 : i32 to vector<16xi32>
      %min3A_94 = arith.minsi %min3A, %max3A_93 : vector<16xi32>
      %mul3A_95 = arith.constant 16 : i32
      %mul3A_96 = arith.muli %scan3A_80, %mul3A_95 : i32
      %swap3A = arith.index_cast %mul3A_96 : i32 to index
      %swap3A_97 = tpu.vector_load %arg11[%swap3A] {strides = array<i32>} : memref<512xi32, #tpu.memory_space<vmem>>, vector<16xi32>,
      %swap3A_98 = vector.shape_cast %swap3A_97 : vector<16xi32> to vector<16xi32>
      %swap3A_99 = vector.shape_cast %min3A_94 : vector<16xi32> to vector<16xi32>
      tpu.vector_store %arg11[%swap3A], %swap3A_99 {strides = array<i32>} : memref<512xi32, #tpu.memory_space<vmem>>, vector<16xi32>,
      %scan3A_100 = arith.constant 0 : i32
      scf.yield %scan3A_100 : i32
    }
    %scan3A_18 = arith.constant 32 : i32
    %get3A = arith.constant 0 : index
    %get3A_19 = tpu.vector_load %arg13[%get3A] {strides = array<i32>} : memref<128xf32, #tpu.memory_space<vmem>>, vector<16xf32>,
    %get3A_20 = vector.shape_cast %get3A_19 : vector<16xf32> to vector<16xf32>
    %get3A_21 = arith.constant 16 : index
    %get3A_22 = tpu.vector_load %arg13[%get3A_21] {strides = array<i32>} : memref<128xf32, #tpu.memory_space<vmem>>, vector<16xf32>,
    %get3A_23 = vector.shape_cast %get3A_22 : vector<16xf32> to vector<16xf32>
    %get3A_24 = arith.constant 32 : index
    %get3A_25 = tpu.vector_load %arg13[%get3A_24] {strides = array<i32>} : memref<128xf32, #tpu.memory_space<vmem>>, vector<16xf32>,
    %get3A_26 = vector.shape_cast %get3A_25 : vector<16xf32> to vector<16xf32>
    %get3A_27 = arith.constant 48 : index
    %get3A_28 = tpu.vector_load %arg13[%get3A_27] {strides = array<i32>} : memref<128xf32, #tpu.memory_space<vmem>>, vector<16xf32>,
    %get3A_29 = vector.shape_cast %get3A_28 : vector<16xf32> to vector<16xf32>
    %get3A_30 = arith.constant 64 : index
    %get3A_31 = tpu.vector_load %arg13[%get3A_30] {strides = array<i32>} : memref<128xf32, #tpu.memory_space<vmem>>, vector<16xf32>,
    %get3A_32 = vector.shape_cast %get3A_31 : vector<16xf32> to vector<16xf32>
    %get3A_33 = arith.constant 80 : index
    %get3A_34 = tpu.vector_load %arg13[%get3A_33] {strides = array<i32>} : memref<128xf32, #tpu.memory_space<vmem>>, vector<16xf32>,
    %get3A_35 = vector.shape_cast %get3A_34 : vector<16xf32> to vector<16xf32>
    %get3A_36 = arith.constant 96 : index
    %get3A_37 = tpu.vector_load %arg13[%get3A_36] {strides = array<i32>} : memref<128xf32, #tpu.memory_space<vmem>>, vector<16xf32>,
    %get3A_38 = vector.shape_cast %get3A_37 : vector<16xf32> to vector<16xf32>
    %get3A_39 = arith.constant 112 : index
    %get3A_40 = tpu.vector_load %arg13[%get3A_39] {strides = array<i32>} : memref<128xf32, #tpu.memory_space<vmem>>, vector<16xf32>,
    %get3A_41 = vector.shape_cast %get3A_40 : vector<16xf32> to vector<16xf32>
    %get3A_42 = arith.constant 0 : index
    %get3A_43 = tpu.vector_load %arg14[%get3A_42] {strides = array<i32>} : memref<128xf32, #tpu.memory_space<vmem>>, vector<16xf32>,
    %get3A_44 = vector.shape_cast %get3A_43 : vector<16xf32> to vector<16xf32>
    %get3A_45 = arith.constant 16 : index
    %get3A_46 = tpu.vector_load %arg14[%get3A_45] {strides = array<i32>} : memref<128xf32, #tpu.memory_space<vmem>>, vector<16xf32>,
    %get3A_47 = vector.shape_cast %get3A_46 : vector<16xf32> to vector<16xf32>
    %get3A_48 = arith.constant 32 : index
    %get3A_49 = tpu.vector_load %arg14[%get3A_48] {strides = array<i32>} : memref<128xf32, #tpu.memory_space<vmem>>, vector<16xf32>,
    %get3A_50 = vector.shape_cast %get3A_49 : vector<16xf32> to vector<16xf32>
    %get3A_51 = arith.constant 48 : index
    %get3A_52 = tpu.vector_load %arg14[%get3A_51] {strides = array<i32>} : memref<128xf32, #tpu.memory_space<vmem>>, vector<16xf32>,
    %get3A_53 = vector.shape_cast %get3A_52 : vector<16xf32> to vector<16xf32>
    %get3A_54 = arith.constant 64 : index
    %get3A_55 = tpu.vector_load %arg14[%get3A_54] {strides = array<i32>} : memref<128xf32, #tpu.memory_space<vmem>>, vector<16xf32>,
    %get3A_56 = vector.shape_cast %get3A_55 : vector<16xf32> to vector<16xf32>
    %get3A_57 = arith.constant 80 : index
    %get3A_58 = tpu.vector_load %arg14[%get3A_57] {strides = array<i32>} : memref<128xf32, #tpu.memory_space<vmem>>, vector<16xf32>,
    %get3A_59 = vector.shape_cast %get3A_58 : vector<16xf32> to vector<16xf32>
    %get3A_60 = arith.constant 96 : index
    %get3A_61 = tpu.vector_load %arg14[%get3A_60] {strides = array<i32>} : memref<128xf32, #tpu.memory_space<vmem>>, vector<16xf32>,
    %get3A_62 = vector.shape_cast %get3A_61 : vector<16xf32> to vector<16xf32>
    %get3A_63 = arith.constant 112 : index
    %get3A_64 = tpu.vector_load %arg14[%get3A_63] {strides = array<i32>} : memref<128xf32, #tpu.memory_space<vmem>>, vector<16xf32>,
    %get3A_65 = vector.shape_cast %get3A_64 : vector<16xf32> to vector<16xf32>
    %scan3A_66 = arith.constant 0 : i32
    %scan3A_67 = arith.constant 0 : i32
    %scan3A_68 = arith.constant 4 : i32
    %scan3A_69 = arith.addi %scan3A_67, %scan3A_68 : i32
    %scan3A_70 = arith.constant 1 : i32
    %scan3A_71 = scf.for %scan3A_80 = %scan3A_67 to %scan3A_69 step %scan3A_70 iter_args(%scan3A_81 = %scan3A_66) -> (i32)  : i32 {
      %mul3A_82 = arith.constant 8 : i32
      %mul3A_83 = arith.muli %scan3A_80, %mul3A_82 : i32
      %add3A_84 = arith.constant 1 : i32
      %add3A_85 = arith.addi %scan3A_80, %add3A_84 : i32
      %mul3A_86 = arith.constant 8 : i32
      %mul3A_87 = arith.muli %add3A_85, %mul3A_86 : i32
      %while3A = arith.constant 0 : i32
      %while3A_88 = arith.subi %mul3A_87, %mul3A_83 : i32
      %while3A_89 = arith.addi %mul3A_83, %while3A_88 : i32
      %while3A_90 = arith.constant 1 : i32
      %while3A_91 = arith.divsi %while3A_88, %while3A_90 : i32
      %while3A_92 = arith.muli %while3A_91, %while3A_90 : i32
      %while3A_93 = arith.addi %mul3A_83, %while3A_92 : i32
      %while3A_94 = arith.constant 1 : i32
      %while3A_95 = scf.for %while3A_134 = %mul3A_83 to %while3A_93 step %while3A_94 iter_args(%while3A_135 = %while3A) -> (i32)  : i32 {
        %mul3A_136 = arith.constant 16 : i32
        %mul3A_137 = arith.muli %while3A_134, %mul3A_136 : i32
        %get3A_138 = arith.index_cast %mul3A_137 : i32 to index
        %get3A_139 = tpu.vector_load %arg12[%get3A_138] {strides = array<i32>} : memref<512xf32, #tpu.memory_space<vmem>>, vector<16xf32>,
        %get3A_140 = vector.shape_cast %get3A_139 : vector<16xf32> to vector<16xf32>
        %mul3A_141 = arith.constant 0.000000e+00 : f32
        %mul3A_142 = vector.broadcast %mul3A_141 : f32 to vector<16xf32>
        %mul3A_143 = arith.mulf %get3A_140, %mul3A_142 : vector<16xf32>
        %eq3A = arith.constant 0.000000e+00 : f32
        %eq3A_144 = vector.broadcast %eq3A : f32 to vector<16xf32>
        %eq3A_145 = arith.cmpf oeq, %mul3A_143, %eq3A_144 : vector<16xf32>
        %jit3A = arith.constant 1.000000e+00 : f32
        %broadcast_in_dim3A = vector.broadcast %jit3A : f32 to vector<16xf32>
        %select_n3A = arith.select %eq3A_145, %get3A_140, %broadcast_in_dim3A : vector<16xi1>, vector<16xf32>
        %max3A = arith.constant 1.000000e+00 : f32
        %max3A_146 = vector.broadcast %max3A : f32 to vector<16xf32>
        %max3A_147 = arith.maximumf %select_n3A, %max3A_146 : vector<16xf32>
        %slice3A = vector.extract_strided_slice %max3A_147 {offsets = [0], sizes = [1], strides = [1]} : vector<16xf32> to vector<1xf32>
        %squeeze3A = vector.extract %slice3A[0] : f32 from vector<1xf32>
        %broadcast_in_dim3A_148 = vector.broadcast %squeeze3A : f32 to vector<16xf32>
        %mul3A_149 = arith.constant 16 : i32
        %mul3A_150 = arith.muli %while3A_134, %mul3A_149 : i32
        %add3A_151 = arith.constant 0 : i32
        %add3A_152 = arith.addi %mul3A_150, %add3A_151 : i32
        %mul3A_153 = arith.mulf %broadcast_in_dim3A_148, %get3A_20 : vector<16xf32>
        %add3A_154 = arith.addf %mul3A_153, %get3A_44 : vector<16xf32>
        %swap3A = arith.index_cast %add3A_152 : i32 to index
        %swap3A_155 = arith.constant 0 : index
        %swap3A_156 = tpu.vector_load %arg15[%swap3A, %swap3A_155] {strides = array<i32>} : memref<512x128xf32, #tpu.memory_space<vmem>>, vector<1x16xf32>,
        %swap3A_157 = vector.shape_cast %swap3A_156 : vector<1x16xf32> to vector<16xf32>
        %swap3A_158 = vector.shape_cast %add3A_154 : vector<16xf32> to vector<1x16xf32>
        tpu.vector_store %arg15[%swap3A, %swap3A_155], %swap3A_158 {strides = array<i32>} : memref<512x128xf32, #tpu.memory_space<vmem>>, vector<1x16xf32>,
        %mul3A_159 = arith.mulf %broadcast_in_dim3A_148, %get3A_23 : vector<16xf32>
        %add3A_160 = arith.addf %mul3A_159, %get3A_47 : vector<16xf32>
        %swap3A_161 = arith.index_cast %add3A_152 : i32 to index
        %swap3A_162 = arith.constant 16 : index
        %swap3A_163 = tpu.vector_load %arg15[%swap3A_161, %swap3A_162] {strides = array<i32>} : memref<512x128xf32, #tpu.memory_space<vmem>>, vector<1x16xf32>,
        %swap3A_164 = vector.shape_cast %swap3A_163 : vector<1x16xf32> to vector<16xf32>
        %swap3A_165 = vector.shape_cast %add3A_160 : vector<16xf32> to vector<1x16xf32>
        tpu.vector_store %arg15[%swap3A_161, %swap3A_162], %swap3A_165 {strides = array<i32>} : memref<512x128xf32, #tpu.memory_space<vmem>>, vector<1x16xf32>,
        %mul3A_166 = arith.mulf %broadcast_in_dim3A_148, %get3A_26 : vector<16xf32>
        %add3A_167 = arith.addf %mul3A_166, %get3A_50 : vector<16xf32>
        %swap3A_168 = arith.index_cast %add3A_152 : i32 to index
        %swap3A_169 = arith.constant 32 : index
        %swap3A_170 = tpu.vector_load %arg15[%swap3A_168, %swap3A_169] {strides = array<i32>} : memref<512x128xf32, #tpu.memory_space<vmem>>, vector<1x16xf32>,
        %swap3A_171 = vector.shape_cast %swap3A_170 : vector<1x16xf32> to vector<16xf32>
        %swap3A_172 = vector.shape_cast %add3A_167 : vector<16xf32> to vector<1x16xf32>
        tpu.vector_store %arg15[%swap3A_168, %swap3A_169], %swap3A_172 {strides = array<i32>} : memref<512x128xf32, #tpu.memory_space<vmem>>, vector<1x16xf32>,
        %mul3A_173 = arith.mulf %broadcast_in_dim3A_148, %get3A_29 : vector<16xf32>
        %add3A_174 = arith.addf %mul3A_173, %get3A_53 : vector<16xf32>
        %swap3A_175 = arith.index_cast %add3A_152 : i32 to index
        %swap3A_176 = arith.constant 48 : index
        %swap3A_177 = tpu.vector_load %arg15[%swap3A_175, %swap3A_176] {strides = array<i32>} : memref<512x128xf32, #tpu.memory_space<vmem>>, vector<1x16xf32>,
        %swap3A_178 = vector.shape_cast %swap3A_177 : vector<1x16xf32> to vector<16xf32>
        %swap3A_179 = vector.shape_cast %add3A_174 : vector<16xf32> to vector<1x16xf32>
        tpu.vector_store %arg15[%swap3A_175, %swap3A_176], %swap3A_179 {strides = array<i32>} : memref<512x128xf32, #tpu.memory_space<vmem>>, vector<1x16xf32>,
        %slice3A_180 = vector.extract_strided_slice %max3A_147 {offsets = [1], sizes = [1], strides = [1]} : vector<16xf32> to vector<1xf32>
        %squeeze3A_181 = vector.extract %slice3A_180[0] : f32 from vector<1xf32>
        %broadcast_in_dim3A_182 = vector.broadcast %squeeze3A_181 : f32 to vector<16xf32>
        %mul3A_183 = arith.constant 16 : i32
        %mul3A_184 = arith.muli %while3A_134, %mul3A_183 : i32
        %add3A_185 = arith.constant 1 : i32
        %add3A_186 = arith.addi %mul3A_184, %add3A_185 : i32
        %mul3A_187 = arith.mulf %broadcast_in_dim3A_182, %get3A_20 : vector<16xf32>
        %add3A_188 = arith.addf %mul3A_187, %get3A_44 : vector<16xf32>
        %swap3A_189 = arith.index_cast %add3A_186 : i32 to index
        %swap3A_190 = arith.constant 0 : index
        %swap3A_191 = tpu.vector_load %arg15[%swap3A_189, %swap3A_190] {strides = array<i32>} : memref<512x128xf32, #tpu.memory_space<vmem>>, vector<1x16xf32>,
        %swap3A_192 = vector.shape_cast %swap3A_191 : vector<1x16xf32> to vector<16xf32>
        %swap3A_193 = vector.shape_cast %add3A_188 : vector<16xf32> to vector<1x16xf32>
        tpu.vector_store %arg15[%swap3A_189, %swap3A_190], %swap3A_193 {strides = array<i32>} : memref<512x128xf32, #tpu.memory_space<vmem>>, vector<1x16xf32>,
        %mul3A_194 = arith.mulf %broadcast_in_dim3A_182, %get3A_23 : vector<16xf32>
        %add3A_195 = arith.addf %mul3A_194, %get3A_47 : vector<16xf32>
        %swap3A_196 = arith.index_cast %add3A_186 : i32 to index
        %swap3A_197 = arith.constant 16 : index
        %swap3A_198 = tpu.vector_load %arg15[%swap3A_196, %swap3A_197] {strides = array<i32>} : memref<512x128xf32, #tpu.memory_space<vmem>>, vector<1x16xf32>,
        %swap3A_199 = vector.shape_cast %swap3A_198 : vector<1x16xf32> to vector<16xf32>
        %swap3A_200 = vector.shape_cast %add3A_195 : vector<16xf32> to vector<1x16xf32>
        tpu.vector_store %arg15[%swap3A_196, %swap3A_197], %swap3A_200 {strides = array<i32>} : memref<512x128xf32, #tpu.memory_space<vmem>>, vector<1x16xf32>,
        %mul3A_201 = arith.mulf %broadcast_in_dim3A_182, %get3A_26 : vector<16xf32>
        %add3A_202 = arith.addf %mul3A_201, %get3A_50 : vector<16xf32>
        %swap3A_203 = arith.index_cast %add3A_186 : i32 to index
        %swap3A_204 = arith.constant 32 : index
        %swap3A_205 = tpu.vector_load %arg15[%swap3A_203, %swap3A_204] {strides = array<i32>} : memref<512x128xf32, #tpu.memory_space<vmem>>, vector<1x16xf32>,
        %swap3A_206 = vector.shape_cast %swap3A_205 : vector<1x16xf32> to vector<16xf32>
        %swap3A_207 = vector.shape_cast %add3A_202 : vector<16xf32> to vector<1x16xf32>
        tpu.vector_store %arg15[%swap3A_203, %swap3A_204], %swap3A_207 {strides = array<i32>} : memref<512x128xf32, #tpu.memory_space<vmem>>, vector<1x16xf32>,
        %mul3A_208 = arith.mulf %broadcast_in_dim3A_182, %get3A_29 : vector<16xf32>
        %add3A_209 = arith.addf %mul3A_208, %get3A_53 : vector<16xf32>
        %swap3A_210 = arith.index_cast %add3A_186 : i32 to index
        %swap3A_211 = arith.constant 48 : index
        %swap3A_212 = tpu.vector_load %arg15[%swap3A_210, %swap3A_211] {strides = array<i32>} : memref<512x128xf32, #tpu.memory_space<vmem>>, vector<1x16xf32>,
        %swap3A_213 = vector.shape_cast %swap3A_212 : vector<1x16xf32> to vector<16xf32>
        %swap3A_214 = vector.shape_cast %add3A_209 : vector<16xf32> to vector<1x16xf32>
        tpu.vector_store %arg15[%swap3A_210, %swap3A_211], %swap3A_214 {strides = array<i32>} : memref<512x128xf32, #tpu.memory_space<vmem>>, vector<1x16xf32>,
        %slice3A_215 = vector.extract_strided_slice %max3A_147 {offsets = [2], sizes = [1], strides = [1]} : vector<16xf32> to vector<1xf32>
        %squeeze3A_216 = vector.extract %slice3A_215[0] : f32 from vector<1xf32>
        %broadcast_in_dim3A_217 = vector.broadcast %squeeze3A_216 : f32 to vector<16xf32>
        %mul3A_218 = arith.constant 16 : i32
        %mul3A_219 = arith.muli %while3A_134, %mul3A_218 : i32
        %add3A_220 = arith.constant 2 : i32
        %add3A_221 = arith.addi %mul3A_219, %add3A_220 : i32
        %mul3A_222 = arith.mulf %broadcast_in_dim3A_217, %get3A_20 : vector<16xf32>
        %add3A_223 = arith.addf %mul3A_222, %get3A_44 : vector<16xf32>
        %swap3A_224 = arith.index_cast %add3A_221 : i32 to index
        %swap3A_225 = arith.constant 0 : index
        %swap3A_226 = tpu.vector_load %arg15[%swap3A_224, %swap3A_225] {strides = array<i32>} : memref<512x128xf32, #tpu.memory_space<vmem>>, vector<1x16xf32>,
        %swap3A_227 = vector.shape_cast %swap3A_226 : vector<1x16xf32> to vector<16xf32>
        %swap3A_228 = vector.shape_cast %add3A_223 : vector<16xf32> to vector<1x16xf32>
        tpu.vector_store %arg15[%swap3A_224, %swap3A_225], %swap3A_228 {strides = array<i32>} : memref<512x128xf32, #tpu.memory_space<vmem>>, vector<1x16xf32>,
        %mul3A_229 = arith.mulf %broadcast_in_dim3A_217, %get3A_23 : vector<16xf32>
        %add3A_230 = arith.addf %mul3A_229, %get3A_47 : vector<16xf32>
        %swap3A_231 = arith.index_cast %add3A_221 : i32 to index
        %swap3A_232 = arith.constant 16 : index
        %swap3A_233 = tpu.vector_load %arg15[%swap3A_231, %swap3A_232] {strides = array<i32>} : memref<512x128xf32, #tpu.memory_space<vmem>>, vector<1x16xf32>,
        %swap3A_234 = vector.shape_cast %swap3A_233 : vector<1x16xf32> to vector<16xf32>
        %swap3A_235 = vector.shape_cast %add3A_230 : vector<16xf32> to vector<1x16xf32>
        tpu.vector_store %arg15[%swap3A_231, %swap3A_232], %swap3A_235 {strides = array<i32>} : memref<512x128xf32, #tpu.memory_space<vmem>>, vector<1x16xf32>,
        %mul3A_236 = arith.mulf %broadcast_in_dim3A_217, %get3A_26 : vector<16xf32>
        %add3A_237 = arith.addf %mul3A_236, %get3A_50 : vector<16xf32>
        %swap3A_238 = arith.index_cast %add3A_221 : i32 to index
        %swap3A_239 = arith.constant 32 : index
        %swap3A_240 = tpu.vector_load %arg15[%swap3A_238, %swap3A_239] {strides = array<i32>} : memref<512x128xf32, #tpu.memory_space<vmem>>, vector<1x16xf32>,
        %swap3A_241 = vector.shape_cast %swap3A_240 : vector<1x16xf32> to vector<16xf32>
        %swap3A_242 = vector.shape_cast %add3A_237 : vector<16xf32> to vector<1x16xf32>
        tpu.vector_store %arg15[%swap3A_238, %swap3A_239], %swap3A_242 {strides = array<i32>} : memref<512x128xf32, #tpu.memory_space<vmem>>, vector<1x16xf32>,
        %mul3A_243 = arith.mulf %broadcast_in_dim3A_217, %get3A_29 : vector<16xf32>
        %add3A_244 = arith.addf %mul3A_243, %get3A_53 : vector<16xf32>
        %swap3A_245 = arith.index_cast %add3A_221 : i32 to index
        %swap3A_246 = arith.constant 48 : index
        %swap3A_247 = tpu.vector_load %arg15[%swap3A_245, %swap3A_246] {strides = array<i32>} : memref<512x128xf32, #tpu.memory_space<vmem>>, vector<1x16xf32>,
        %swap3A_248 = vector.shape_cast %swap3A_247 : vector<1x16xf32> to vector<16xf32>
        %swap3A_249 = vector.shape_cast %add3A_244 : vector<16xf32> to vector<1x16xf32>
        tpu.vector_store %arg15[%swap3A_245, %swap3A_246], %swap3A_249 {strides = array<i32>} : memref<512x128xf32, #tpu.memory_space<vmem>>, vector<1x16xf32>,
        %slice3A_250 = vector.extract_strided_slice %max3A_147 {offsets = [3], sizes = [1], strides = [1]} : vector<16xf32> to vector<1xf32>
        %squeeze3A_251 = vector.extract %slice3A_250[0] : f32 from vector<1xf32>
        %broadcast_in_dim3A_252 = vector.broadcast %squeeze3A_251 : f32 to vector<16xf32>
        %mul3A_253 = arith.constant 16 : i32
        %mul3A_254 = arith.muli %while3A_134, %mul3A_253 : i32
        %add3A_255 = arith.constant 3 : i32
        %add3A_256 = arith.addi %mul3A_254, %add3A_255 : i32
        %mul3A_257 = arith.mulf %broadcast_in_dim3A_252, %get3A_20 : vector<16xf32>
        %add3A_258 = arith.addf %mul3A_257, %get3A_44 : vector<16xf32>
        %swap3A_259 = arith.index_cast %add3A_256 : i32 to index
        %swap3A_260 = arith.constant 0 : index
        %swap3A_261 = tpu.vector_load %arg15[%swap3A_259, %swap3A_260] {strides = array<i32>} : memref<512x128xf32, #tpu.memory_space<vmem>>, vector<1x16xf32>,
        %swap3A_262 = vector.shape_cast %swap3A_261 : vector<1x16xf32> to vector<16xf32>
        %swap3A_263 = vector.shape_cast %add3A_258 : vector<16xf32> to vector<1x16xf32>
        tpu.vector_store %arg15[%swap3A_259, %swap3A_260], %swap3A_263 {strides = array<i32>} : memref<512x128xf32, #tpu.memory_space<vmem>>, vector<1x16xf32>,
        %mul3A_264 = arith.mulf %broadcast_in_dim3A_252, %get3A_23 : vector<16xf32>
        %add3A_265 = arith.addf %mul3A_264, %get3A_47 : vector<16xf32>
        %swap3A_266 = arith.index_cast %add3A_256 : i32 to index
        %swap3A_267 = arith.constant 16 : index
        %swap3A_268 = tpu.vector_load %arg15[%swap3A_266, %swap3A_267] {strides = array<i32>} : memref<512x128xf32, #tpu.memory_space<vmem>>, vector<1x16xf32>,
        %swap3A_269 = vector.shape_cast %swap3A_268 : vector<1x16xf32> to vector<16xf32>
        %swap3A_270 = vector.shape_cast %add3A_265 : vector<16xf32> to vector<1x16xf32>
        tpu.vector_store %arg15[%swap3A_266, %swap3A_267], %swap3A_270 {strides = array<i32>} : memref<512x128xf32, #tpu.memory_space<vmem>>, vector<1x16xf32>,
        %mul3A_271 = arith.mulf %broadcast_in_dim3A_252, %get3A_26 : vector<16xf32>
        %add3A_272 = arith.addf %mul3A_271, %get3A_50 : vector<16xf32>
        %swap3A_273 = arith.index_cast %add3A_256 : i32 to index
        %swap3A_274 = arith.constant 32 : index
        %swap3A_275 = tpu.vector_load %arg15[%swap3A_273, %swap3A_274] {strides = array<i32>} : memref<512x128xf32, #tpu.memory_space<vmem>>, vector<1x16xf32>,
        %swap3A_276 = vector.shape_cast %swap3A_275 : vector<1x16xf32> to vector<16xf32>
        %swap3A_277 = vector.shape_cast %add3A_272 : vector<16xf32> to vector<1x16xf32>
        tpu.vector_store %arg15[%swap3A_273, %swap3A_274], %swap3A_277 {strides = array<i32>} : memref<512x128xf32, #tpu.memory_space<vmem>>, vector<1x16xf32>,
        %mul3A_278 = arith.mulf %broadcast_in_dim3A_252, %get3A_29 : vector<16xf32>
        %add3A_279 = arith.addf %mul3A_278, %get3A_53 : vector<16xf32>
        %swap3A_280 = arith.index_cast %add3A_256 : i32 to index
        %swap3A_281 = arith.constant 48 : index
        %swap3A_282 = tpu.vector_load %arg15[%swap3A_280, %swap3A_281] {strides = array<i32>} : memref<512x128xf32, #tpu.memory_space<vmem>>, vector<1x16xf32>,
        %swap3A_283 = vector.shape_cast %swap3A_282 : vector<1x16xf32> to vector<16xf32>
        %swap3A_284 = vector.shape_cast %add3A_279 : vector<16xf32> to vector<1x16xf32>
        tpu.vector_store %arg15[%swap3A_280, %swap3A_281], %swap3A_284 {strides = array<i32>} : memref<512x128xf32, #tpu.memory_space<vmem>>, vector<1x16xf32>,
        %slice3A_285 = vector.extract_strided_slice %max3A_147 {offsets = [4], sizes = [1], strides = [1]} : vector<16xf32> to vector<1xf32>
        %squeeze3A_286 = vector.extract %slice3A_285[0] : f32 from vector<1xf32>
        %broadcast_in_dim3A_287 = vector.broadcast %squeeze3A_286 : f32 to vector<16xf32>
        %mul3A_288 = arith.constant 16 : i32
        %mul3A_289 = arith.muli %while3A_134, %mul3A_288 : i32
        %add3A_290 = arith.constant 4 : i32
        %add3A_291 = arith.addi %mul3A_289, %add3A_290 : i32
        %mul3A_292 = arith.mulf %broadcast_in_dim3A_287, %get3A_20 : vector<16xf32>
        %add3A_293 = arith.addf %mul3A_292, %get3A_44 : vector<16xf32>
        %swap3A_294 = arith.index_cast %add3A_291 : i32 to index
        %swap3A_295 = arith.constant 0 : index
        %swap3A_296 = tpu.vector_load %arg15[%swap3A_294, %swap3A_295] {strides = array<i32>} : memref<512x128xf32, #tpu.memory_space<vmem>>, vector<1x16xf32>,
        %swap3A_297 = vector.shape_cast %swap3A_296 : vector<1x16xf32> to vector<16xf32>
        %swap3A_298 = vector.shape_cast %add3A_293 : vector<16xf32> to vector<1x16xf32>
        tpu.vector_store %arg15[%swap3A_294, %swap3A_295], %swap3A_298 {strides = array<i32>} : memref<512x128xf32, #tpu.memory_space<vmem>>, vector<1x16xf32>,
        %mul3A_299 = arith.mulf %broadcast_in_dim3A_287, %get3A_23 : vector<16xf32>
        %add3A_300 = arith.addf %mul3A_299, %get3A_47 : vector<16xf32>
        %swap3A_301 = arith.index_cast %add3A_291 : i32 to index
        %swap3A_302 = arith.constant 16 : index
        %swap3A_303 = tpu.vector_load %arg15[%swap3A_301, %swap3A_302] {strides = array<i32>} : memref<512x128xf32, #tpu.memory_space<vmem>>, vector<1x16xf32>,
        %swap3A_304 = vector.shape_cast %swap3A_303 : vector<1x16xf32> to vector<16xf32>
        %swap3A_305 = vector.shape_cast %add3A_300 : vector<16xf32> to vector<1x16xf32>
        tpu.vector_store %arg15[%swap3A_301, %swap3A_302], %swap3A_305 {strides = array<i32>} : memref<512x128xf32, #tpu.memory_space<vmem>>, vector<1x16xf32>,
        %mul3A_306 = arith.mulf %broadcast_in_dim3A_287, %get3A_26 : vector<16xf32>
        %add3A_307 = arith.addf %mul3A_306, %get3A_50 : vector<16xf32>
        %swap3A_308 = arith.index_cast %add3A_291 : i32 to index
        %swap3A_309 = arith.constant 32 : index
        %swap3A_310 = tpu.vector_load %arg15[%swap3A_308, %swap3A_309] {strides = array<i32>} : memref<512x128xf32, #tpu.memory_space<vmem>>, vector<1x16xf32>,
        %swap3A_311 = vector.shape_cast %swap3A_310 : vector<1x16xf32> to vector<16xf32>
        %swap3A_312 = vector.shape_cast %add3A_307 : vector<16xf32> to vector<1x16xf32>
        tpu.vector_store %arg15[%swap3A_308, %swap3A_309], %swap3A_312 {strides = array<i32>} : memref<512x128xf32, #tpu.memory_space<vmem>>, vector<1x16xf32>,
        %mul3A_313 = arith.mulf %broadcast_in_dim3A_287, %get3A_29 : vector<16xf32>
        %add3A_314 = arith.addf %mul3A_313, %get3A_53 : vector<16xf32>
        %swap3A_315 = arith.index_cast %add3A_291 : i32 to index
        %swap3A_316 = arith.constant 48 : index
        %swap3A_317 = tpu.vector_load %arg15[%swap3A_315, %swap3A_316] {strides = array<i32>} : memref<512x128xf32, #tpu.memory_space<vmem>>, vector<1x16xf32>,
        %swap3A_318 = vector.shape_cast %swap3A_317 : vector<1x16xf32> to vector<16xf32>
        %swap3A_319 = vector.shape_cast %add3A_314 : vector<16xf32> to vector<1x16xf32>
        tpu.vector_store %arg15[%swap3A_315, %swap3A_316], %swap3A_319 {strides = array<i32>} : memref<512x128xf32, #tpu.memory_space<vmem>>, vector<1x16xf32>,
        %slice3A_320 = vector.extract_strided_slice %max3A_147 {offsets = [5], sizes = [1], strides = [1]} : vector<16xf32> to vector<1xf32>
        %squeeze3A_321 = vector.extract %slice3A_320[0] : f32 from vector<1xf32>
        %broadcast_in_dim3A_322 = vector.broadcast %squeeze3A_321 : f32 to vector<16xf32>
        %mul3A_323 = arith.constant 16 : i32
        %mul3A_324 = arith.muli %while3A_134, %mul3A_323 : i32
        %add3A_325 = arith.constant 5 : i32
        %add3A_326 = arith.addi %mul3A_324, %add3A_325 : i32
        %mul3A_327 = arith.mulf %broadcast_in_dim3A_322, %get3A_20 : vector<16xf32>
        %add3A_328 = arith.addf %mul3A_327, %get3A_44 : vector<16xf32>
        %swap3A_329 = arith.index_cast %add3A_326 : i32 to index
        %swap3A_330 = arith.constant 0 : index
        %swap3A_331 = tpu.vector_load %arg15[%swap3A_329, %swap3A_330] {strides = array<i32>} : memref<512x128xf32, #tpu.memory_space<vmem>>, vector<1x16xf32>,
        %swap3A_332 = vector.shape_cast %swap3A_331 : vector<1x16xf32> to vector<16xf32>
        %swap3A_333 = vector.shape_cast %add3A_328 : vector<16xf32> to vector<1x16xf32>
        tpu.vector_store %arg15[%swap3A_329, %swap3A_330], %swap3A_333 {strides = array<i32>} : memref<512x128xf32, #tpu.memory_space<vmem>>, vector<1x16xf32>,
        %mul3A_334 = arith.mulf %broadcast_in_dim3A_322, %get3A_23 : vector<16xf32>
        %add3A_335 = arith.addf %mul3A_334, %get3A_47 : vector<16xf32>
        %swap3A_336 = arith.index_cast %add3A_326 : i32 to index
        %swap3A_337 = arith.constant 16 : index
        %swap3A_338 = tpu.vector_load %arg15[%swap3A_336, %swap3A_337] {strides = array<i32>} : memref<512x128xf32, #tpu.memory_space<vmem>>, vector<1x16xf32>,
        %swap3A_339 = vector.shape_cast %swap3A_338 : vector<1x16xf32> to vector<16xf32>
        %swap3A_340 = vector.shape_cast %add3A_335 : vector<16xf32> to vector<1x16xf32>
        tpu.vector_store %arg15[%swap3A_336, %swap3A_337], %swap3A_340 {strides = array<i32>} : memref<512x128xf32, #tpu.memory_space<vmem>>, vector<1x16xf32>,
        %mul3A_341 = arith.mulf %broadcast_in_dim3A_322, %get3A_26 : vector<16xf32>
        %add3A_342 = arith.addf %mul3A_341, %get3A_50 : vector<16xf32>
        %swap3A_343 = arith.index_cast %add3A_326 : i32 to index
        %swap3A_344 = arith.constant 32 : index
        %swap3A_345 = tpu.vector_load %arg15[%swap3A_343, %swap3A_344] {strides = array<i32>} : memref<512x128xf32, #tpu.memory_space<vmem>>, vector<1x16xf32>,
        %swap3A_346 = vector.shape_cast %swap3A_345 : vector<1x16xf32> to vector<16xf32>
        %swap3A_347 = vector.shape_cast %add3A_342 : vector<16xf32> to vector<1x16xf32>
        tpu.vector_store %arg15[%swap3A_343, %swap3A_344], %swap3A_347 {strides = array<i32>} : memref<512x128xf32, #tpu.memory_space<vmem>>, vector<1x16xf32>,
        %mul3A_348 = arith.mulf %broadcast_in_dim3A_322, %get3A_29 : vector<16xf32>
        %add3A_349 = arith.addf %mul3A_348, %get3A_53 : vector<16xf32>
        %swap3A_350 = arith.index_cast %add3A_326 : i32 to index
        %swap3A_351 = arith.constant 48 : index
        %swap3A_352 = tpu.vector_load %arg15[%swap3A_350, %swap3A_351] {strides = array<i32>} : memref<512x128xf32, #tpu.memory_space<vmem>>, vector<1x16xf32>,
        %swap3A_353 = vector.shape_cast %swap3A_352 : vector<1x16xf32> to vector<16xf32>
        %swap3A_354 = vector.shape_cast %add3A_349 : vector<16xf32> to vector<1x16xf32>
        tpu.vector_store %arg15[%swap3A_350, %swap3A_351], %swap3A_354 {strides = array<i32>} : memref<512x128xf32, #tpu.memory_space<vmem>>, vector<1x16xf32>,
        %slice3A_355 = vector.extract_strided_slice %max3A_147 {offsets = [6], sizes = [1], strides = [1]} : vector<16xf32> to vector<1xf32>
        %squeeze3A_356 = vector.extract %slice3A_355[0] : f32 from vector<1xf32>
        %broadcast_in_dim3A_357 = vector.broadcast %squeeze3A_356 : f32 to vector<16xf32>
        %mul3A_358 = arith.constant 16 : i32
        %mul3A_359 = arith.muli %while3A_134, %mul3A_358 : i32
        %add3A_360 = arith.constant 6 : i32
        %add3A_361 = arith.addi %mul3A_359, %add3A_360 : i32
        %mul3A_362 = arith.mulf %broadcast_in_dim3A_357, %get3A_20 : vector<16xf32>
        %add3A_363 = arith.addf %mul3A_362, %get3A_44 : vector<16xf32>
        %swap3A_364 = arith.index_cast %add3A_361 : i32 to index
        %swap3A_365 = arith.constant 0 : index
        %swap3A_366 = tpu.vector_load %arg15[%swap3A_364, %swap3A_365] {strides = array<i32>} : memref<512x128xf32, #tpu.memory_space<vmem>>, vector<1x16xf32>,
        %swap3A_367 = vector.shape_cast %swap3A_366 : vector<1x16xf32> to vector<16xf32>
        %swap3A_368 = vector.shape_cast %add3A_363 : vector<16xf32> to vector<1x16xf32>
        tpu.vector_store %arg15[%swap3A_364, %swap3A_365], %swap3A_368 {strides = array<i32>} : memref<512x128xf32, #tpu.memory_space<vmem>>, vector<1x16xf32>,
        %mul3A_369 = arith.mulf %broadcast_in_dim3A_357, %get3A_23 : vector<16xf32>
        %add3A_370 = arith.addf %mul3A_369, %get3A_47 : vector<16xf32>
        %swap3A_371 = arith.index_cast %add3A_361 : i32 to index
        %swap3A_372 = arith.constant 16 : index
        %swap3A_373 = tpu.vector_load %arg15[%swap3A_371, %swap3A_372] {strides = array<i32>} : memref<512x128xf32, #tpu.memory_space<vmem>>, vector<1x16xf32>,
        %swap3A_374 = vector.shape_cast %swap3A_373 : vector<1x16xf32> to vector<16xf32>
        %swap3A_375 = vector.shape_cast %add3A_370 : vector<16xf32> to vector<1x16xf32>
        tpu.vector_store %arg15[%swap3A_371, %swap3A_372], %swap3A_375 {strides = array<i32>} : memref<512x128xf32, #tpu.memory_space<vmem>>, vector<1x16xf32>,
        %mul3A_376 = arith.mulf %broadcast_in_dim3A_357, %get3A_26 : vector<16xf32>
        %add3A_377 = arith.addf %mul3A_376, %get3A_50 : vector<16xf32>
        %swap3A_378 = arith.index_cast %add3A_361 : i32 to index
        %swap3A_379 = arith.constant 32 : index
        %swap3A_380 = tpu.vector_load %arg15[%swap3A_378, %swap3A_379] {strides = array<i32>} : memref<512x128xf32, #tpu.memory_space<vmem>>, vector<1x16xf32>,
        %swap3A_381 = vector.shape_cast %swap3A_380 : vector<1x16xf32> to vector<16xf32>
        %swap3A_382 = vector.shape_cast %add3A_377 : vector<16xf32> to vector<1x16xf32>
        tpu.vector_store %arg15[%swap3A_378, %swap3A_379], %swap3A_382 {strides = array<i32>} : memref<512x128xf32, #tpu.memory_space<vmem>>, vector<1x16xf32>,
        %mul3A_383 = arith.mulf %broadcast_in_dim3A_357, %get3A_29 : vector<16xf32>
        %add3A_384 = arith.addf %mul3A_383, %get3A_53 : vector<16xf32>
        %swap3A_385 = arith.index_cast %add3A_361 : i32 to index
        %swap3A_386 = arith.constant 48 : index
        %swap3A_387 = tpu.vector_load %arg15[%swap3A_385, %swap3A_386] {strides = array<i32>} : memref<512x128xf32, #tpu.memory_space<vmem>>, vector<1x16xf32>,
        %swap3A_388 = vector.shape_cast %swap3A_387 : vector<1x16xf32> to vector<16xf32>
        %swap3A_389 = vector.shape_cast %add3A_384 : vector<16xf32> to vector<1x16xf32>
        tpu.vector_store %arg15[%swap3A_385, %swap3A_386], %swap3A_389 {strides = array<i32>} : memref<512x128xf32, #tpu.memory_space<vmem>>, vector<1x16xf32>,
        %slice3A_390 = vector.extract_strided_slice %max3A_147 {offsets = [7], sizes = [1], strides = [1]} : vector<16xf32> to vector<1xf32>
        %squeeze3A_391 = vector.extract %slice3A_390[0] : f32 from vector<1xf32>
        %broadcast_in_dim3A_392 = vector.broadcast %squeeze3A_391 : f32 to vector<16xf32>
        %mul3A_393 = arith.constant 16 : i32
        %mul3A_394 = arith.muli %while3A_134, %mul3A_393 : i32
        %add3A_395 = arith.constant 7 : i32
        %add3A_396 = arith.addi %mul3A_394, %add3A_395 : i32
        %mul3A_397 = arith.mulf %broadcast_in_dim3A_392, %get3A_20 : vector<16xf32>
        %add3A_398 = arith.addf %mul3A_397, %get3A_44 : vector<16xf32>
        %swap3A_399 = arith.index_cast %add3A_396 : i32 to index
        %swap3A_400 = arith.constant 0 : index
        %swap3A_401 = tpu.vector_load %arg15[%swap3A_399, %swap3A_400] {strides = array<i32>} : memref<512x128xf32, #tpu.memory_space<vmem>>, vector<1x16xf32>,
        %swap3A_402 = vector.shape_cast %swap3A_401 : vector<1x16xf32> to vector<16xf32>
        %swap3A_403 = vector.shape_cast %add3A_398 : vector<16xf32> to vector<1x16xf32>
        tpu.vector_store %arg15[%swap3A_399, %swap3A_400], %swap3A_403 {strides = array<i32>} : memref<512x128xf32, #tpu.memory_space<vmem>>, vector<1x16xf32>,
        %mul3A_404 = arith.mulf %broadcast_in_dim3A_392, %get3A_23 : vector<16xf32>
        %add3A_405 = arith.addf %mul3A_404, %get3A_47 : vector<16xf32>
        %swap3A_406 = arith.index_cast %add3A_396 : i32 to index
        %swap3A_407 = arith.constant 16 : index
        %swap3A_408 = tpu.vector_load %arg15[%swap3A_406, %swap3A_407] {strides = array<i32>} : memref<512x128xf32, #tpu.memory_space<vmem>>, vector<1x16xf32>,
        %swap3A_409 = vector.shape_cast %swap3A_408 : vector<1x16xf32> to vector<16xf32>
        %swap3A_410 = vector.shape_cast %add3A_405 : vector<16xf32> to vector<1x16xf32>
        tpu.vector_store %arg15[%swap3A_406, %swap3A_407], %swap3A_410 {strides = array<i32>} : memref<512x128xf32, #tpu.memory_space<vmem>>, vector<1x16xf32>,
        %mul3A_411 = arith.mulf %broadcast_in_dim3A_392, %get3A_26 : vector<16xf32>
        %add3A_412 = arith.addf %mul3A_411, %get3A_50 : vector<16xf32>
        %swap3A_413 = arith.index_cast %add3A_396 : i32 to index
        %swap3A_414 = arith.constant 32 : index
        %swap3A_415 = tpu.vector_load %arg15[%swap3A_413, %swap3A_414] {strides = array<i32>} : memref<512x128xf32, #tpu.memory_space<vmem>>, vector<1x16xf32>,
        %swap3A_416 = vector.shape_cast %swap3A_415 : vector<1x16xf32> to vector<16xf32>
        %swap3A_417 = vector.shape_cast %add3A_412 : vector<16xf32> to vector<1x16xf32>
        tpu.vector_store %arg15[%swap3A_413, %swap3A_414], %swap3A_417 {strides = array<i32>} : memref<512x128xf32, #tpu.memory_space<vmem>>, vector<1x16xf32>,
        %mul3A_418 = arith.mulf %broadcast_in_dim3A_392, %get3A_29 : vector<16xf32>
        %add3A_419 = arith.addf %mul3A_418, %get3A_53 : vector<16xf32>
        %swap3A_420 = arith.index_cast %add3A_396 : i32 to index
        %swap3A_421 = arith.constant 48 : index
        %swap3A_422 = tpu.vector_load %arg15[%swap3A_420, %swap3A_421] {strides = array<i32>} : memref<512x128xf32, #tpu.memory_space<vmem>>, vector<1x16xf32>,
        %swap3A_423 = vector.shape_cast %swap3A_422 : vector<1x16xf32> to vector<16xf32>
        %swap3A_424 = vector.shape_cast %add3A_419 : vector<16xf32> to vector<1x16xf32>
        tpu.vector_store %arg15[%swap3A_420, %swap3A_421], %swap3A_424 {strides = array<i32>} : memref<512x128xf32, #tpu.memory_space<vmem>>, vector<1x16xf32>,
        %slice3A_425 = vector.extract_strided_slice %max3A_147 {offsets = [8], sizes = [1], strides = [1]} : vector<16xf32> to vector<1xf32>
        %squeeze3A_426 = vector.extract %slice3A_425[0] : f32 from vector<1xf32>
        %broadcast_in_dim3A_427 = vector.broadcast %squeeze3A_426 : f32 to vector<16xf32>
        %mul3A_428 = arith.constant 16 : i32
        %mul3A_429 = arith.muli %while3A_134, %mul3A_428 : i32
        %add3A_430 = arith.constant 8 : i32
        %add3A_431 = arith.addi %mul3A_429, %add3A_430 : i32
        %mul3A_432 = arith.mulf %broadcast_in_dim3A_427, %get3A_20 : vector<16xf32>
        %add3A_433 = arith.addf %mul3A_432, %get3A_44 : vector<16xf32>
        %swap3A_434 = arith.index_cast %add3A_431 : i32 to index
        %swap3A_435 = arith.constant 0 : index
        %swap3A_436 = tpu.vector_load %arg15[%swap3A_434, %swap3A_435] {strides = array<i32>} : memref<512x128xf32, #tpu.memory_space<vmem>>, vector<1x16xf32>,
        %swap3A_437 = vector.shape_cast %swap3A_436 : vector<1x16xf32> to vector<16xf32>
        %swap3A_438 = vector.shape_cast %add3A_433 : vector<16xf32> to vector<1x16xf32>
        tpu.vector_store %arg15[%swap3A_434, %swap3A_435], %swap3A_438 {strides = array<i32>} : memref<512x128xf32, #tpu.memory_space<vmem>>, vector<1x16xf32>,
        %mul3A_439 = arith.mulf %broadcast_in_dim3A_427, %get3A_23 : vector<16xf32>
        %add3A_440 = arith.addf %mul3A_439, %get3A_47 : vector<16xf32>
        %swap3A_441 = arith.index_cast %add3A_431 : i32 to index
        %swap3A_442 = arith.constant 16 : index
        %swap3A_443 = tpu.vector_load %arg15[%swap3A_441, %swap3A_442] {strides = array<i32>} : memref<512x128xf32, #tpu.memory_space<vmem>>, vector<1x16xf32>,
        %swap3A_444 = vector.shape_cast %swap3A_443 : vector<1x16xf32> to vector<16xf32>
        %swap3A_445 = vector.shape_cast %add3A_440 : vector<16xf32> to vector<1x16xf32>
        tpu.vector_store %arg15[%swap3A_441, %swap3A_442], %swap3A_445 {strides = array<i32>} : memref<512x128xf32, #tpu.memory_space<vmem>>, vector<1x16xf32>,
        %mul3A_446 = arith.mulf %broadcast_in_dim3A_427, %get3A_26 : vector<16xf32>
        %add3A_447 = arith.addf %mul3A_446, %get3A_50 : vector<16xf32>
        %swap3A_448 = arith.index_cast %add3A_431 : i32 to index
        %swap3A_449 = arith.constant 32 : index
        %swap3A_450 = tpu.vector_load %arg15[%swap3A_448, %swap3A_449] {strides = array<i32>} : memref<512x128xf32, #tpu.memory_space<vmem>>, vector<1x16xf32>,
        %swap3A_451 = vector.shape_cast %swap3A_450 : vector<1x16xf32> to vector<16xf32>
        %swap3A_452 = vector.shape_cast %add3A_447 : vector<16xf32> to vector<1x16xf32>
        tpu.vector_store %arg15[%swap3A_448, %swap3A_449], %swap3A_452 {strides = array<i32>} : memref<512x128xf32, #tpu.memory_space<vmem>>, vector<1x16xf32>,
        %mul3A_453 = arith.mulf %broadcast_in_dim3A_427, %get3A_29 : vector<16xf32>
        %add3A_454 = arith.addf %mul3A_453, %get3A_53 : vector<16xf32>
        %swap3A_455 = arith.index_cast %add3A_431 : i32 to index
        %swap3A_456 = arith.constant 48 : index
        %swap3A_457 = tpu.vector_load %arg15[%swap3A_455, %swap3A_456] {strides = array<i32>} : memref<512x128xf32, #tpu.memory_space<vmem>>, vector<1x16xf32>,
        %swap3A_458 = vector.shape_cast %swap3A_457 : vector<1x16xf32> to vector<16xf32>
        %swap3A_459 = vector.shape_cast %add3A_454 : vector<16xf32> to vector<1x16xf32>
        tpu.vector_store %arg15[%swap3A_455, %swap3A_456], %swap3A_459 {strides = array<i32>} : memref<512x128xf32, #tpu.memory_space<vmem>>, vector<1x16xf32>,
        %slice3A_460 = vector.extract_strided_slice %max3A_147 {offsets = [9], sizes = [1], strides = [1]} : vector<16xf32> to vector<1xf32>
        %squeeze3A_461 = vector.extract %slice3A_460[0] : f32 from vector<1xf32>
        %broadcast_in_dim3A_462 = vector.broadcast %squeeze3A_461 : f32 to vector<16xf32>
        %mul3A_463 = arith.constant 16 : i32
        %mul3A_464 = arith.muli %while3A_134, %mul3A_463 : i32
        %add3A_465 = arith.constant 9 : i32
        %add3A_466 = arith.addi %mul3A_464, %add3A_465 : i32
        %mul3A_467 = arith.mulf %broadcast_in_dim3A_462, %get3A_20 : vector<16xf32>
        %add3A_468 = arith.addf %mul3A_467, %get3A_44 : vector<16xf32>
        %swap3A_469 = arith.index_cast %add3A_466 : i32 to index
        %swap3A_470 = arith.constant 0 : index
        %swap3A_471 = tpu.vector_load %arg15[%swap3A_469, %swap3A_470] {strides = array<i32>} : memref<512x128xf32, #tpu.memory_space<vmem>>, vector<1x16xf32>,
        %swap3A_472 = vector.shape_cast %swap3A_471 : vector<1x16xf32> to vector<16xf32>
        %swap3A_473 = vector.shape_cast %add3A_468 : vector<16xf32> to vector<1x16xf32>
        tpu.vector_store %arg15[%swap3A_469, %swap3A_470], %swap3A_473 {strides = array<i32>} : memref<512x128xf32, #tpu.memory_space<vmem>>, vector<1x16xf32>,
        %mul3A_474 = arith.mulf %broadcast_in_dim3A_462, %get3A_23 : vector<16xf32>
        %add3A_475 = arith.addf %mul3A_474, %get3A_47 : vector<16xf32>
        %swap3A_476 = arith.index_cast %add3A_466 : i32 to index
        %swap3A_477 = arith.constant 16 : index
        %swap3A_478 = tpu.vector_load %arg15[%swap3A_476, %swap3A_477] {strides = array<i32>} : memref<512x128xf32, #tpu.memory_space<vmem>>, vector<1x16xf32>,
        %swap3A_479 = vector.shape_cast %swap3A_478 : vector<1x16xf32> to vector<16xf32>
        %swap3A_480 = vector.shape_cast %add3A_475 : vector<16xf32> to vector<1x16xf32>
        tpu.vector_store %arg15[%swap3A_476, %swap3A_477], %swap3A_480 {strides = array<i32>} : memref<512x128xf32, #tpu.memory_space<vmem>>, vector<1x16xf32>,
        %mul3A_481 = arith.mulf %broadcast_in_dim3A_462, %get3A_26 : vector<16xf32>
        %add3A_482 = arith.addf %mul3A_481, %get3A_50 : vector<16xf32>
        %swap3A_483 = arith.index_cast %add3A_466 : i32 to index
        %swap3A_484 = arith.constant 32 : index
        %swap3A_485 = tpu.vector_load %arg15[%swap3A_483, %swap3A_484] {strides = array<i32>} : memref<512x128xf32, #tpu.memory_space<vmem>>, vector<1x16xf32>,
        %swap3A_486 = vector.shape_cast %swap3A_485 : vector<1x16xf32> to vector<16xf32>
        %swap3A_487 = vector.shape_cast %add3A_482 : vector<16xf32> to vector<1x16xf32>
        tpu.vector_store %arg15[%swap3A_483, %swap3A_484], %swap3A_487 {strides = array<i32>} : memref<512x128xf32, #tpu.memory_space<vmem>>, vector<1x16xf32>,
        %mul3A_488 = arith.mulf %broadcast_in_dim3A_462, %get3A_29 : vector<16xf32>
        %add3A_489 = arith.addf %mul3A_488, %get3A_53 : vector<16xf32>
        %swap3A_490 = arith.index_cast %add3A_466 : i32 to index
        %swap3A_491 = arith.constant 48 : index
        %swap3A_492 = tpu.vector_load %arg15[%swap3A_490, %swap3A_491] {strides = array<i32>} : memref<512x128xf32, #tpu.memory_space<vmem>>, vector<1x16xf32>,
        %swap3A_493 = vector.shape_cast %swap3A_492 : vector<1x16xf32> to vector<16xf32>
        %swap3A_494 = vector.shape_cast %add3A_489 : vector<16xf32> to vector<1x16xf32>
        tpu.vector_store %arg15[%swap3A_490, %swap3A_491], %swap3A_494 {strides = array<i32>} : memref<512x128xf32, #tpu.memory_space<vmem>>, vector<1x16xf32>,
        %slice3A_495 = vector.extract_strided_slice %max3A_147 {offsets = [10], sizes = [1], strides = [1]} : vector<16xf32> to vector<1xf32>
        %squeeze3A_496 = vector.extract %slice3A_495[0] : f32 from vector<1xf32>
        %broadcast_in_dim3A_497 = vector.broadcast %squeeze3A_496 : f32 to vector<16xf32>
        %mul3A_498 = arith.constant 16 : i32
        %mul3A_499 = arith.muli %while3A_134, %mul3A_498 : i32
        %add3A_500 = arith.constant 10 : i32
        %add3A_501 = arith.addi %mul3A_499, %add3A_500 : i32
        %mul3A_502 = arith.mulf %broadcast_in_dim3A_497, %get3A_20 : vector<16xf32>
        %add3A_503 = arith.addf %mul3A_502, %get3A_44 : vector<16xf32>
        %swap3A_504 = arith.index_cast %add3A_501 : i32 to index
        %swap3A_505 = arith.constant 0 : index
        %swap3A_506 = tpu.vector_load %arg15[%swap3A_504, %swap3A_505] {strides = array<i32>} : memref<512x128xf32, #tpu.memory_space<vmem>>, vector<1x16xf32>,
        %swap3A_507 = vector.shape_cast %swap3A_506 : vector<1x16xf32> to vector<16xf32>
        %swap3A_508 = vector.shape_cast %add3A_503 : vector<16xf32> to vector<1x16xf32>
        tpu.vector_store %arg15[%swap3A_504, %swap3A_505], %swap3A_508 {strides = array<i32>} : memref<512x128xf32, #tpu.memory_space<vmem>>, vector<1x16xf32>,
        %mul3A_509 = arith.mulf %broadcast_in_dim3A_497, %get3A_23 : vector<16xf32>
        %add3A_510 = arith.addf %mul3A_509, %get3A_47 : vector<16xf32>
        %swap3A_511 = arith.index_cast %add3A_501 : i32 to index
        %swap3A_512 = arith.constant 16 : index
        %swap3A_513 = tpu.vector_load %arg15[%swap3A_511, %swap3A_512] {strides = array<i32>} : memref<512x128xf32, #tpu.memory_space<vmem>>, vector<1x16xf32>,
        %swap3A_514 = vector.shape_cast %swap3A_513 : vector<1x16xf32> to vector<16xf32>
        %swap3A_515 = vector.shape_cast %add3A_510 : vector<16xf32> to vector<1x16xf32>
        tpu.vector_store %arg15[%swap3A_511, %swap3A_512], %swap3A_515 {strides = array<i32>} : memref<512x128xf32, #tpu.memory_space<vmem>>, vector<1x16xf32>,
        %mul3A_516 = arith.mulf %broadcast_in_dim3A_497, %get3A_26 : vector<16xf32>
        %add3A_517 = arith.addf %mul3A_516, %get3A_50 : vector<16xf32>
        %swap3A_518 = arith.index_cast %add3A_501 : i32 to index
        %swap3A_519 = arith.constant 32 : index
        %swap3A_520 = tpu.vector_load %arg15[%swap3A_518, %swap3A_519] {strides = array<i32>} : memref<512x128xf32, #tpu.memory_space<vmem>>, vector<1x16xf32>,
        %swap3A_521 = vector.shape_cast %swap3A_520 : vector<1x16xf32> to vector<16xf32>
        %swap3A_522 = vector.shape_cast %add3A_517 : vector<16xf32> to vector<1x16xf32>
        tpu.vector_store %arg15[%swap3A_518, %swap3A_519], %swap3A_522 {strides = array<i32>} : memref<512x128xf32, #tpu.memory_space<vmem>>, vector<1x16xf32>,
        %mul3A_523 = arith.mulf %broadcast_in_dim3A_497, %get3A_29 : vector<16xf32>
        %add3A_524 = arith.addf %mul3A_523, %get3A_53 : vector<16xf32>
        %swap3A_525 = arith.index_cast %add3A_501 : i32 to index
        %swap3A_526 = arith.constant 48 : index
        %swap3A_527 = tpu.vector_load %arg15[%swap3A_525, %swap3A_526] {strides = array<i32>} : memref<512x128xf32, #tpu.memory_space<vmem>>, vector<1x16xf32>,
        %swap3A_528 = vector.shape_cast %swap3A_527 : vector<1x16xf32> to vector<16xf32>
        %swap3A_529 = vector.shape_cast %add3A_524 : vector<16xf32> to vector<1x16xf32>
        tpu.vector_store %arg15[%swap3A_525, %swap3A_526], %swap3A_529 {strides = array<i32>} : memref<512x128xf32, #tpu.memory_space<vmem>>, vector<1x16xf32>,
        %slice3A_530 = vector.extract_strided_slice %max3A_147 {offsets = [11], sizes = [1], strides = [1]} : vector<16xf32> to vector<1xf32>
        %squeeze3A_531 = vector.extract %slice3A_530[0] : f32 from vector<1xf32>
        %broadcast_in_dim3A_532 = vector.broadcast %squeeze3A_531 : f32 to vector<16xf32>
        %mul3A_533 = arith.constant 16 : i32
        %mul3A_534 = arith.muli %while3A_134, %mul3A_533 : i32
        %add3A_535 = arith.constant 11 : i32
        %add3A_536 = arith.addi %mul3A_534, %add3A_535 : i32
        %mul3A_537 = arith.mulf %broadcast_in_dim3A_532, %get3A_20 : vector<16xf32>
        %add3A_538 = arith.addf %mul3A_537, %get3A_44 : vector<16xf32>
        %swap3A_539 = arith.index_cast %add3A_536 : i32 to index
        %swap3A_540 = arith.constant 0 : index
        %swap3A_541 = tpu.vector_load %arg15[%swap3A_539, %swap3A_540] {strides = array<i32>} : memref<512x128xf32, #tpu.memory_space<vmem>>, vector<1x16xf32>,
        %swap3A_542 = vector.shape_cast %swap3A_541 : vector<1x16xf32> to vector<16xf32>
        %swap3A_543 = vector.shape_cast %add3A_538 : vector<16xf32> to vector<1x16xf32>
        tpu.vector_store %arg15[%swap3A_539, %swap3A_540], %swap3A_543 {strides = array<i32>} : memref<512x128xf32, #tpu.memory_space<vmem>>, vector<1x16xf32>,
        %mul3A_544 = arith.mulf %broadcast_in_dim3A_532, %get3A_23 : vector<16xf32>
        %add3A_545 = arith.addf %mul3A_544, %get3A_47 : vector<16xf32>
        %swap3A_546 = arith.index_cast %add3A_536 : i32 to index
        %swap3A_547 = arith.constant 16 : index
        %swap3A_548 = tpu.vector_load %arg15[%swap3A_546, %swap3A_547] {strides = array<i32>} : memref<512x128xf32, #tpu.memory_space<vmem>>, vector<1x16xf32>,
        %swap3A_549 = vector.shape_cast %swap3A_548 : vector<1x16xf32> to vector<16xf32>
        %swap3A_550 = vector.shape_cast %add3A_545 : vector<16xf32> to vector<1x16xf32>
        tpu.vector_store %arg15[%swap3A_546, %swap3A_547], %swap3A_550 {strides = array<i32>} : memref<512x128xf32, #tpu.memory_space<vmem>>, vector<1x16xf32>,
        %mul3A_551 = arith.mulf %broadcast_in_dim3A_532, %get3A_26 : vector<16xf32>
        %add3A_552 = arith.addf %mul3A_551, %get3A_50 : vector<16xf32>
        %swap3A_553 = arith.index_cast %add3A_536 : i32 to index
        %swap3A_554 = arith.constant 32 : index
        %swap3A_555 = tpu.vector_load %arg15[%swap3A_553, %swap3A_554] {strides = array<i32>} : memref<512x128xf32, #tpu.memory_space<vmem>>, vector<1x16xf32>,
        %swap3A_556 = vector.shape_cast %swap3A_555 : vector<1x16xf32> to vector<16xf32>
        %swap3A_557 = vector.shape_cast %add3A_552 : vector<16xf32> to vector<1x16xf32>
        tpu.vector_store %arg15[%swap3A_553, %swap3A_554], %swap3A_557 {strides = array<i32>} : memref<512x128xf32, #tpu.memory_space<vmem>>, vector<1x16xf32>,
        %mul3A_558 = arith.mulf %broadcast_in_dim3A_532, %get3A_29 : vector<16xf32>
        %add3A_559 = arith.addf %mul3A_558, %get3A_53 : vector<16xf32>
        %swap3A_560 = arith.index_cast %add3A_536 : i32 to index
        %swap3A_561 = arith.constant 48 : index
        %swap3A_562 = tpu.vector_load %arg15[%swap3A_560, %swap3A_561] {strides = array<i32>} : memref<512x128xf32, #tpu.memory_space<vmem>>, vector<1x16xf32>,
        %swap3A_563 = vector.shape_cast %swap3A_562 : vector<1x16xf32> to vector<16xf32>
        %swap3A_564 = vector.shape_cast %add3A_559 : vector<16xf32> to vector<1x16xf32>
        tpu.vector_store %arg15[%swap3A_560, %swap3A_561], %swap3A_564 {strides = array<i32>} : memref<512x128xf32, #tpu.memory_space<vmem>>, vector<1x16xf32>,
        %slice3A_565 = vector.extract_strided_slice %max3A_147 {offsets = [12], sizes = [1], strides = [1]} : vector<16xf32> to vector<1xf32>
        %squeeze3A_566 = vector.extract %slice3A_565[0] : f32 from vector<1xf32>
        %broadcast_in_dim3A_567 = vector.broadcast %squeeze3A_566 : f32 to vector<16xf32>
        %mul3A_568 = arith.constant 16 : i32
        %mul3A_569 = arith.muli %while3A_134, %mul3A_568 : i32
        %add3A_570 = arith.constant 12 : i32
        %add3A_571 = arith.addi %mul3A_569, %add3A_570 : i32
        %mul3A_572 = arith.mulf %broadcast_in_dim3A_567, %get3A_20 : vector<16xf32>
        %add3A_573 = arith.addf %mul3A_572, %get3A_44 : vector<16xf32>
        %swap3A_574 = arith.index_cast %add3A_571 : i32 to index
        %swap3A_575 = arith.constant 0 : index
        %swap3A_576 = tpu.vector_load %arg15[%swap3A_574, %swap3A_575] {strides = array<i32>} : memref<512x128xf32, #tpu.memory_space<vmem>>, vector<1x16xf32>,
        %swap3A_577 = vector.shape_cast %swap3A_576 : vector<1x16xf32> to vector<16xf32>
        %swap3A_578 = vector.shape_cast %add3A_573 : vector<16xf32> to vector<1x16xf32>
        tpu.vector_store %arg15[%swap3A_574, %swap3A_575], %swap3A_578 {strides = array<i32>} : memref<512x128xf32, #tpu.memory_space<vmem>>, vector<1x16xf32>,
        %mul3A_579 = arith.mulf %broadcast_in_dim3A_567, %get3A_23 : vector<16xf32>
        %add3A_580 = arith.addf %mul3A_579, %get3A_47 : vector<16xf32>
        %swap3A_581 = arith.index_cast %add3A_571 : i32 to index
        %swap3A_582 = arith.constant 16 : index
        %swap3A_583 = tpu.vector_load %arg15[%swap3A_581, %swap3A_582] {strides = array<i32>} : memref<512x128xf32, #tpu.memory_space<vmem>>, vector<1x16xf32>,
        %swap3A_584 = vector.shape_cast %swap3A_583 : vector<1x16xf32> to vector<16xf32>
        %swap3A_585 = vector.shape_cast %add3A_580 : vector<16xf32> to vector<1x16xf32>
        tpu.vector_store %arg15[%swap3A_581, %swap3A_582], %swap3A_585 {strides = array<i32>} : memref<512x128xf32, #tpu.memory_space<vmem>>, vector<1x16xf32>,
        %mul3A_586 = arith.mulf %broadcast_in_dim3A_567, %get3A_26 : vector<16xf32>
        %add3A_587 = arith.addf %mul3A_586, %get3A_50 : vector<16xf32>
        %swap3A_588 = arith.index_cast %add3A_571 : i32 to index
        %swap3A_589 = arith.constant 32 : index
        %swap3A_590 = tpu.vector_load %arg15[%swap3A_588, %swap3A_589] {strides = array<i32>} : memref<512x128xf32, #tpu.memory_space<vmem>>, vector<1x16xf32>,
        %swap3A_591 = vector.shape_cast %swap3A_590 : vector<1x16xf32> to vector<16xf32>
        %swap3A_592 = vector.shape_cast %add3A_587 : vector<16xf32> to vector<1x16xf32>
        tpu.vector_store %arg15[%swap3A_588, %swap3A_589], %swap3A_592 {strides = array<i32>} : memref<512x128xf32, #tpu.memory_space<vmem>>, vector<1x16xf32>,
        %mul3A_593 = arith.mulf %broadcast_in_dim3A_567, %get3A_29 : vector<16xf32>
        %add3A_594 = arith.addf %mul3A_593, %get3A_53 : vector<16xf32>
        %swap3A_595 = arith.index_cast %add3A_571 : i32 to index
        %swap3A_596 = arith.constant 48 : index
        %swap3A_597 = tpu.vector_load %arg15[%swap3A_595, %swap3A_596] {strides = array<i32>} : memref<512x128xf32, #tpu.memory_space<vmem>>, vector<1x16xf32>,
        %swap3A_598 = vector.shape_cast %swap3A_597 : vector<1x16xf32> to vector<16xf32>
        %swap3A_599 = vector.shape_cast %add3A_594 : vector<16xf32> to vector<1x16xf32>
        tpu.vector_store %arg15[%swap3A_595, %swap3A_596], %swap3A_599 {strides = array<i32>} : memref<512x128xf32, #tpu.memory_space<vmem>>, vector<1x16xf32>,
        %slice3A_600 = vector.extract_strided_slice %max3A_147 {offsets = [13], sizes = [1], strides = [1]} : vector<16xf32> to vector<1xf32>
        %squeeze3A_601 = vector.extract %slice3A_600[0] : f32 from vector<1xf32>
        %broadcast_in_dim3A_602 = vector.broadcast %squeeze3A_601 : f32 to vector<16xf32>
        %mul3A_603 = arith.constant 16 : i32
        %mul3A_604 = arith.muli %while3A_134, %mul3A_603 : i32
        %add3A_605 = arith.constant 13 : i32
        %add3A_606 = arith.addi %mul3A_604, %add3A_605 : i32
        %mul3A_607 = arith.mulf %broadcast_in_dim3A_602, %get3A_20 : vector<16xf32>
        %add3A_608 = arith.addf %mul3A_607, %get3A_44 : vector<16xf32>
        %swap3A_609 = arith.index_cast %add3A_606 : i32 to index
        %swap3A_610 = arith.constant 0 : index
        %swap3A_611 = tpu.vector_load %arg15[%swap3A_609, %swap3A_610] {strides = array<i32>} : memref<512x128xf32, #tpu.memory_space<vmem>>, vector<1x16xf32>,
        %swap3A_612 = vector.shape_cast %swap3A_611 : vector<1x16xf32> to vector<16xf32>
        %swap3A_613 = vector.shape_cast %add3A_608 : vector<16xf32> to vector<1x16xf32>
        tpu.vector_store %arg15[%swap3A_609, %swap3A_610], %swap3A_613 {strides = array<i32>} : memref<512x128xf32, #tpu.memory_space<vmem>>, vector<1x16xf32>,
        %mul3A_614 = arith.mulf %broadcast_in_dim3A_602, %get3A_23 : vector<16xf32>
        %add3A_615 = arith.addf %mul3A_614, %get3A_47 : vector<16xf32>
        %swap3A_616 = arith.index_cast %add3A_606 : i32 to index
        %swap3A_617 = arith.constant 16 : index
        %swap3A_618 = tpu.vector_load %arg15[%swap3A_616, %swap3A_617] {strides = array<i32>} : memref<512x128xf32, #tpu.memory_space<vmem>>, vector<1x16xf32>,
        %swap3A_619 = vector.shape_cast %swap3A_618 : vector<1x16xf32> to vector<16xf32>
        %swap3A_620 = vector.shape_cast %add3A_615 : vector<16xf32> to vector<1x16xf32>
        tpu.vector_store %arg15[%swap3A_616, %swap3A_617], %swap3A_620 {strides = array<i32>} : memref<512x128xf32, #tpu.memory_space<vmem>>, vector<1x16xf32>,
        %mul3A_621 = arith.mulf %broadcast_in_dim3A_602, %get3A_26 : vector<16xf32>
        %add3A_622 = arith.addf %mul3A_621, %get3A_50 : vector<16xf32>
        %swap3A_623 = arith.index_cast %add3A_606 : i32 to index
        %swap3A_624 = arith.constant 32 : index
        %swap3A_625 = tpu.vector_load %arg15[%swap3A_623, %swap3A_624] {strides = array<i32>} : memref<512x128xf32, #tpu.memory_space<vmem>>, vector<1x16xf32>,
        %swap3A_626 = vector.shape_cast %swap3A_625 : vector<1x16xf32> to vector<16xf32>
        %swap3A_627 = vector.shape_cast %add3A_622 : vector<16xf32> to vector<1x16xf32>
        tpu.vector_store %arg15[%swap3A_623, %swap3A_624], %swap3A_627 {strides = array<i32>} : memref<512x128xf32, #tpu.memory_space<vmem>>, vector<1x16xf32>,
        %mul3A_628 = arith.mulf %broadcast_in_dim3A_602, %get3A_29 : vector<16xf32>
        %add3A_629 = arith.addf %mul3A_628, %get3A_53 : vector<16xf32>
        %swap3A_630 = arith.index_cast %add3A_606 : i32 to index
        %swap3A_631 = arith.constant 48 : index
        %swap3A_632 = tpu.vector_load %arg15[%swap3A_630, %swap3A_631] {strides = array<i32>} : memref<512x128xf32, #tpu.memory_space<vmem>>, vector<1x16xf32>,
        %swap3A_633 = vector.shape_cast %swap3A_632 : vector<1x16xf32> to vector<16xf32>
        %swap3A_634 = vector.shape_cast %add3A_629 : vector<16xf32> to vector<1x16xf32>
        tpu.vector_store %arg15[%swap3A_630, %swap3A_631], %swap3A_634 {strides = array<i32>} : memref<512x128xf32, #tpu.memory_space<vmem>>, vector<1x16xf32>,
        %slice3A_635 = vector.extract_strided_slice %max3A_147 {offsets = [14], sizes = [1], strides = [1]} : vector<16xf32> to vector<1xf32>
        %squeeze3A_636 = vector.extract %slice3A_635[0] : f32 from vector<1xf32>
        %broadcast_in_dim3A_637 = vector.broadcast %squeeze3A_636 : f32 to vector<16xf32>
        %mul3A_638 = arith.constant 16 : i32
        %mul3A_639 = arith.muli %while3A_134, %mul3A_638 : i32
        %add3A_640 = arith.constant 14 : i32
        %add3A_641 = arith.addi %mul3A_639, %add3A_640 : i32
        %mul3A_642 = arith.mulf %broadcast_in_dim3A_637, %get3A_20 : vector<16xf32>
        %add3A_643 = arith.addf %mul3A_642, %get3A_44 : vector<16xf32>
        %swap3A_644 = arith.index_cast %add3A_641 : i32 to index
        %swap3A_645 = arith.constant 0 : index
        %swap3A_646 = tpu.vector_load %arg15[%swap3A_644, %swap3A_645] {strides = array<i32>} : memref<512x128xf32, #tpu.memory_space<vmem>>, vector<1x16xf32>,
        %swap3A_647 = vector.shape_cast %swap3A_646 : vector<1x16xf32> to vector<16xf32>
        %swap3A_648 = vector.shape_cast %add3A_643 : vector<16xf32> to vector<1x16xf32>
        tpu.vector_store %arg15[%swap3A_644, %swap3A_645], %swap3A_648 {strides = array<i32>} : memref<512x128xf32, #tpu.memory_space<vmem>>, vector<1x16xf32>,
        %mul3A_649 = arith.mulf %broadcast_in_dim3A_637, %get3A_23 : vector<16xf32>
        %add3A_650 = arith.addf %mul3A_649, %get3A_47 : vector<16xf32>
        %swap3A_651 = arith.index_cast %add3A_641 : i32 to index
        %swap3A_652 = arith.constant 16 : index
        %swap3A_653 = tpu.vector_load %arg15[%swap3A_651, %swap3A_652] {strides = array<i32>} : memref<512x128xf32, #tpu.memory_space<vmem>>, vector<1x16xf32>,
        %swap3A_654 = vector.shape_cast %swap3A_653 : vector<1x16xf32> to vector<16xf32>
        %swap3A_655 = vector.shape_cast %add3A_650 : vector<16xf32> to vector<1x16xf32>
        tpu.vector_store %arg15[%swap3A_651, %swap3A_652], %swap3A_655 {strides = array<i32>} : memref<512x128xf32, #tpu.memory_space<vmem>>, vector<1x16xf32>,
        %mul3A_656 = arith.mulf %broadcast_in_dim3A_637, %get3A_26 : vector<16xf32>
        %add3A_657 = arith.addf %mul3A_656, %get3A_50 : vector<16xf32>
        %swap3A_658 = arith.index_cast %add3A_641 : i32 to index
        %swap3A_659 = arith.constant 32 : index
        %swap3A_660 = tpu.vector_load %arg15[%swap3A_658, %swap3A_659] {strides = array<i32>} : memref<512x128xf32, #tpu.memory_space<vmem>>, vector<1x16xf32>,
        %swap3A_661 = vector.shape_cast %swap3A_660 : vector<1x16xf32> to vector<16xf32>
        %swap3A_662 = vector.shape_cast %add3A_657 : vector<16xf32> to vector<1x16xf32>
        tpu.vector_store %arg15[%swap3A_658, %swap3A_659], %swap3A_662 {strides = array<i32>} : memref<512x128xf32, #tpu.memory_space<vmem>>, vector<1x16xf32>,
        %mul3A_663 = arith.mulf %broadcast_in_dim3A_637, %get3A_29 : vector<16xf32>
        %add3A_664 = arith.addf %mul3A_663, %get3A_53 : vector<16xf32>
        %swap3A_665 = arith.index_cast %add3A_641 : i32 to index
        %swap3A_666 = arith.constant 48 : index
        %swap3A_667 = tpu.vector_load %arg15[%swap3A_665, %swap3A_666] {strides = array<i32>} : memref<512x128xf32, #tpu.memory_space<vmem>>, vector<1x16xf32>,
        %swap3A_668 = vector.shape_cast %swap3A_667 : vector<1x16xf32> to vector<16xf32>
        %swap3A_669 = vector.shape_cast %add3A_664 : vector<16xf32> to vector<1x16xf32>
        tpu.vector_store %arg15[%swap3A_665, %swap3A_666], %swap3A_669 {strides = array<i32>} : memref<512x128xf32, #tpu.memory_space<vmem>>, vector<1x16xf32>,
        %slice3A_670 = vector.extract_strided_slice %max3A_147 {offsets = [15], sizes = [1], strides = [1]} : vector<16xf32> to vector<1xf32>
        %squeeze3A_671 = vector.extract %slice3A_670[0] : f32 from vector<1xf32>
        %broadcast_in_dim3A_672 = vector.broadcast %squeeze3A_671 : f32 to vector<16xf32>
        %mul3A_673 = arith.constant 16 : i32
        %mul3A_674 = arith.muli %while3A_134, %mul3A_673 : i32
        %add3A_675 = arith.constant 15 : i32
        %add3A_676 = arith.addi %mul3A_674, %add3A_675 : i32
        %mul3A_677 = arith.mulf %broadcast_in_dim3A_672, %get3A_20 : vector<16xf32>
        %add3A_678 = arith.addf %mul3A_677, %get3A_44 : vector<16xf32>
        %swap3A_679 = arith.index_cast %add3A_676 : i32 to index
        %swap3A_680 = arith.constant 0 : index
        %swap3A_681 = tpu.vector_load %arg15[%swap3A_679, %swap3A_680] {strides = array<i32>} : memref<512x128xf32, #tpu.memory_space<vmem>>, vector<1x16xf32>,
        %swap3A_682 = vector.shape_cast %swap3A_681 : vector<1x16xf32> to vector<16xf32>
        %swap3A_683 = vector.shape_cast %add3A_678 : vector<16xf32> to vector<1x16xf32>
        tpu.vector_store %arg15[%swap3A_679, %swap3A_680], %swap3A_683 {strides = array<i32>} : memref<512x128xf32, #tpu.memory_space<vmem>>, vector<1x16xf32>,
        %mul3A_684 = arith.mulf %broadcast_in_dim3A_672, %get3A_23 : vector<16xf32>
        %add3A_685 = arith.addf %mul3A_684, %get3A_47 : vector<16xf32>
        %swap3A_686 = arith.index_cast %add3A_676 : i32 to index
        %swap3A_687 = arith.constant 16 : index
        %swap3A_688 = tpu.vector_load %arg15[%swap3A_686, %swap3A_687] {strides = array<i32>} : memref<512x128xf32, #tpu.memory_space<vmem>>, vector<1x16xf32>,
        %swap3A_689 = vector.shape_cast %swap3A_688 : vector<1x16xf32> to vector<16xf32>
        %swap3A_690 = vector.shape_cast %add3A_685 : vector<16xf32> to vector<1x16xf32>
        tpu.vector_store %arg15[%swap3A_686, %swap3A_687], %swap3A_690 {strides = array<i32>} : memref<512x128xf32, #tpu.memory_space<vmem>>, vector<1x16xf32>,
        %mul3A_691 = arith.mulf %broadcast_in_dim3A_672, %get3A_26 : vector<16xf32>
        %add3A_692 = arith.addf %mul3A_691, %get3A_50 : vector<16xf32>
        %swap3A_693 = arith.index_cast %add3A_676 : i32 to index
        %swap3A_694 = arith.constant 32 : index
        %swap3A_695 = tpu.vector_load %arg15[%swap3A_693, %swap3A_694] {strides = array<i32>} : memref<512x128xf32, #tpu.memory_space<vmem>>, vector<1x16xf32>,
        %swap3A_696 = vector.shape_cast %swap3A_695 : vector<1x16xf32> to vector<16xf32>
        %swap3A_697 = vector.shape_cast %add3A_692 : vector<16xf32> to vector<1x16xf32>
        tpu.vector_store %arg15[%swap3A_693, %swap3A_694], %swap3A_697 {strides = array<i32>} : memref<512x128xf32, #tpu.memory_space<vmem>>, vector<1x16xf32>,
        %mul3A_698 = arith.mulf %broadcast_in_dim3A_672, %get3A_29 : vector<16xf32>
        %add3A_699 = arith.addf %mul3A_698, %get3A_53 : vector<16xf32>
        %swap3A_700 = arith.index_cast %add3A_676 : i32 to index
        %swap3A_701 = arith.constant 48 : index
        %swap3A_702 = tpu.vector_load %arg15[%swap3A_700, %swap3A_701] {strides = array<i32>} : memref<512x128xf32, #tpu.memory_space<vmem>>, vector<1x16xf32>,
        %swap3A_703 = vector.shape_cast %swap3A_702 : vector<1x16xf32> to vector<16xf32>
        %swap3A_704 = vector.shape_cast %add3A_699 : vector<16xf32> to vector<1x16xf32>
        tpu.vector_store %arg15[%swap3A_700, %swap3A_701], %swap3A_704 {strides = array<i32>} : memref<512x128xf32, #tpu.memory_space<vmem>>, vector<1x16xf32>,
        %while3A_705 = arith.constant 0 : i32
        scf.yield %while3A_705 : i32
      }
      %while3A_96 = arith.constant 1 : i32
      %while3A_97 = scf.for %while3A_134 = %while3A_93 to %while3A_89 step %while3A_96 iter_args(%while3A_135 = %while3A_95) -> (i32)  : i32 {
        %mul3A_136 = arith.constant 16 : i32
        %mul3A_137 = arith.muli %while3A_134, %mul3A_136 : i32
        %get3A_138 = arith.index_cast %mul3A_137 : i32 to index
        %get3A_139 = tpu.vector_load %arg12[%get3A_138] {strides = array<i32>} : memref<512xf32, #tpu.memory_space<vmem>>, vector<16xf32>,
        %get3A_140 = vector.shape_cast %get3A_139 : vector<16xf32> to vector<16xf32>
        %mul3A_141 = arith.constant 0.000000e+00 : f32
        %mul3A_142 = vector.broadcast %mul3A_141 : f32 to vector<16xf32>
        %mul3A_143 = arith.mulf %get3A_140, %mul3A_142 : vector<16xf32>
        %eq3A = arith.constant 0.000000e+00 : f32
        %eq3A_144 = vector.broadcast %eq3A : f32 to vector<16xf32>
        %eq3A_145 = arith.cmpf oeq, %mul3A_143, %eq3A_144 : vector<16xf32>
        %jit3A = arith.constant 1.000000e+00 : f32
        %broadcast_in_dim3A = vector.broadcast %jit3A : f32 to vector<16xf32>
        %select_n3A = arith.select %eq3A_145, %get3A_140, %broadcast_in_dim3A : vector<16xi1>, vector<16xf32>
        %max3A = arith.constant 1.000000e+00 : f32
        %max3A_146 = vector.broadcast %max3A : f32 to vector<16xf32>
        %max3A_147 = arith.maximumf %select_n3A, %max3A_146 : vector<16xf32>
        %slice3A = vector.extract_strided_slice %max3A_147 {offsets = [0], sizes = [1], strides = [1]} : vector<16xf32> to vector<1xf32>
        %squeeze3A = vector.extract %slice3A[0] : f32 from vector<1xf32>
        %broadcast_in_dim3A_148 = vector.broadcast %squeeze3A : f32 to vector<16xf32>
        %mul3A_149 = arith.constant 16 : i32
        %mul3A_150 = arith.muli %while3A_134, %mul3A_149 : i32
        %add3A_151 = arith.constant 0 : i32
        %add3A_152 = arith.addi %mul3A_150, %add3A_151 : i32
        %mul3A_153 = arith.mulf %broadcast_in_dim3A_148, %get3A_20 : vector<16xf32>
        %add3A_154 = arith.addf %mul3A_153, %get3A_44 : vector<16xf32>
        %swap3A = arith.index_cast %add3A_152 : i32 to index
        %swap3A_155 = arith.constant 0 : index
        %swap3A_156 = tpu.vector_load %arg15[%swap3A, %swap3A_155] {strides = array<i32>} : memref<512x128xf32, #tpu.memory_space<vmem>>, vector<1x16xf32>,
        %swap3A_157 = vector.shape_cast %swap3A_156 : vector<1x16xf32> to vector<16xf32>
        %swap3A_158 = vector.shape_cast %add3A_154 : vector<16xf32> to vector<1x16xf32>
        tpu.vector_store %arg15[%swap3A, %swap3A_155], %swap3A_158 {strides = array<i32>} : memref<512x128xf32, #tpu.memory_space<vmem>>, vector<1x16xf32>,
        %mul3A_159 = arith.mulf %broadcast_in_dim3A_148, %get3A_23 : vector<16xf32>
        %add3A_160 = arith.addf %mul3A_159, %get3A_47 : vector<16xf32>
        %swap3A_161 = arith.index_cast %add3A_152 : i32 to index
        %swap3A_162 = arith.constant 16 : index
        %swap3A_163 = tpu.vector_load %arg15[%swap3A_161, %swap3A_162] {strides = array<i32>} : memref<512x128xf32, #tpu.memory_space<vmem>>, vector<1x16xf32>,
        %swap3A_164 = vector.shape_cast %swap3A_163 : vector<1x16xf32> to vector<16xf32>
        %swap3A_165 = vector.shape_cast %add3A_160 : vector<16xf32> to vector<1x16xf32>
        tpu.vector_store %arg15[%swap3A_161, %swap3A_162], %swap3A_165 {strides = array<i32>} : memref<512x128xf32, #tpu.memory_space<vmem>>, vector<1x16xf32>,
        %mul3A_166 = arith.mulf %broadcast_in_dim3A_148, %get3A_26 : vector<16xf32>
        %add3A_167 = arith.addf %mul3A_166, %get3A_50 : vector<16xf32>
        %swap3A_168 = arith.index_cast %add3A_152 : i32 to index
        %swap3A_169 = arith.constant 32 : index
        %swap3A_170 = tpu.vector_load %arg15[%swap3A_168, %swap3A_169] {strides = array<i32>} : memref<512x128xf32, #tpu.memory_space<vmem>>, vector<1x16xf32>,
        %swap3A_171 = vector.shape_cast %swap3A_170 : vector<1x16xf32> to vector<16xf32>
        %swap3A_172 = vector.shape_cast %add3A_167 : vector<16xf32> to vector<1x16xf32>
        tpu.vector_store %arg15[%swap3A_168, %swap3A_169], %swap3A_172 {strides = array<i32>} : memref<512x128xf32, #tpu.memory_space<vmem>>, vector<1x16xf32>,
        %mul3A_173 = arith.mulf %broadcast_in_dim3A_148, %get3A_29 : vector<16xf32>
        %add3A_174 = arith.addf %mul3A_173, %get3A_53 : vector<16xf32>
        %swap3A_175 = arith.index_cast %add3A_152 : i32 to index
        %swap3A_176 = arith.constant 48 : index
        %swap3A_177 = tpu.vector_load %arg15[%swap3A_175, %swap3A_176] {strides = array<i32>} : memref<512x128xf32, #tpu.memory_space<vmem>>, vector<1x16xf32>,
        %swap3A_178 = vector.shape_cast %swap3A_177 : vector<1x16xf32> to vector<16xf32>
        %swap3A_179 = vector.shape_cast %add3A_174 : vector<16xf32> to vector<1x16xf32>
        tpu.vector_store %arg15[%swap3A_175, %swap3A_176], %swap3A_179 {strides = array<i32>} : memref<512x128xf32, #tpu.memory_space<vmem>>, vector<1x16xf32>,
        %slice3A_180 = vector.extract_strided_slice %max3A_147 {offsets = [1], sizes = [1], strides = [1]} : vector<16xf32> to vector<1xf32>
        %squeeze3A_181 = vector.extract %slice3A_180[0] : f32 from vector<1xf32>
        %broadcast_in_dim3A_182 = vector.broadcast %squeeze3A_181 : f32 to vector<16xf32>
        %mul3A_183 = arith.constant 16 : i32
        %mul3A_184 = arith.muli %while3A_134, %mul3A_183 : i32
        %add3A_185 = arith.constant 1 : i32
        %add3A_186 = arith.addi %mul3A_184, %add3A_185 : i32
        %mul3A_187 = arith.mulf %broadcast_in_dim3A_182, %get3A_20 : vector<16xf32>
        %add3A_188 = arith.addf %mul3A_187, %get3A_44 : vector<16xf32>
        %swap3A_189 = arith.index_cast %add3A_186 : i32 to index
        %swap3A_190 = arith.constant 0 : index
        %swap3A_191 = tpu.vector_load %arg15[%swap3A_189, %swap3A_190] {strides = array<i32>} : memref<512x128xf32, #tpu.memory_space<vmem>>, vector<1x16xf32>,
        %swap3A_192 = vector.shape_cast %swap3A_191 : vector<1x16xf32> to vector<16xf32>
        %swap3A_193 = vector.shape_cast %add3A_188 : vector<16xf32> to vector<1x16xf32>
        tpu.vector_store %arg15[%swap3A_189, %swap3A_190], %swap3A_193 {strides = array<i32>} : memref<512x128xf32, #tpu.memory_space<vmem>>, vector<1x16xf32>,
        %mul3A_194 = arith.mulf %broadcast_in_dim3A_182, %get3A_23 : vector<16xf32>
        %add3A_195 = arith.addf %mul3A_194, %get3A_47 : vector<16xf32>
        %swap3A_196 = arith.index_cast %add3A_186 : i32 to index
        %swap3A_197 = arith.constant 16 : index
        %swap3A_198 = tpu.vector_load %arg15[%swap3A_196, %swap3A_197] {strides = array<i32>} : memref<512x128xf32, #tpu.memory_space<vmem>>, vector<1x16xf32>,
        %swap3A_199 = vector.shape_cast %swap3A_198 : vector<1x16xf32> to vector<16xf32>
        %swap3A_200 = vector.shape_cast %add3A_195 : vector<16xf32> to vector<1x16xf32>
        tpu.vector_store %arg15[%swap3A_196, %swap3A_197], %swap3A_200 {strides = array<i32>} : memref<512x128xf32, #tpu.memory_space<vmem>>, vector<1x16xf32>,
        %mul3A_201 = arith.mulf %broadcast_in_dim3A_182, %get3A_26 : vector<16xf32>
        %add3A_202 = arith.addf %mul3A_201, %get3A_50 : vector<16xf32>
        %swap3A_203 = arith.index_cast %add3A_186 : i32 to index
        %swap3A_204 = arith.constant 32 : index
        %swap3A_205 = tpu.vector_load %arg15[%swap3A_203, %swap3A_204] {strides = array<i32>} : memref<512x128xf32, #tpu.memory_space<vmem>>, vector<1x16xf32>,
        %swap3A_206 = vector.shape_cast %swap3A_205 : vector<1x16xf32> to vector<16xf32>
        %swap3A_207 = vector.shape_cast %add3A_202 : vector<16xf32> to vector<1x16xf32>
        tpu.vector_store %arg15[%swap3A_203, %swap3A_204], %swap3A_207 {strides = array<i32>} : memref<512x128xf32, #tpu.memory_space<vmem>>, vector<1x16xf32>,
        %mul3A_208 = arith.mulf %broadcast_in_dim3A_182, %get3A_29 : vector<16xf32>
        %add3A_209 = arith.addf %mul3A_208, %get3A_53 : vector<16xf32>
        %swap3A_210 = arith.index_cast %add3A_186 : i32 to index
        %swap3A_211 = arith.constant 48 : index
        %swap3A_212 = tpu.vector_load %arg15[%swap3A_210, %swap3A_211] {strides = array<i32>} : memref<512x128xf32, #tpu.memory_space<vmem>>, vector<1x16xf32>,
        %swap3A_213 = vector.shape_cast %swap3A_212 : vector<1x16xf32> to vector<16xf32>
        %swap3A_214 = vector.shape_cast %add3A_209 : vector<16xf32> to vector<1x16xf32>
        tpu.vector_store %arg15[%swap3A_210, %swap3A_211], %swap3A_214 {strides = array<i32>} : memref<512x128xf32, #tpu.memory_space<vmem>>, vector<1x16xf32>,
        %slice3A_215 = vector.extract_strided_slice %max3A_147 {offsets = [2], sizes = [1], strides = [1]} : vector<16xf32> to vector<1xf32>
        %squeeze3A_216 = vector.extract %slice3A_215[0] : f32 from vector<1xf32>
        %broadcast_in_dim3A_217 = vector.broadcast %squeeze3A_216 : f32 to vector<16xf32>
        %mul3A_218 = arith.constant 16 : i32
        %mul3A_219 = arith.muli %while3A_134, %mul3A_218 : i32
        %add3A_220 = arith.constant 2 : i32
        %add3A_221 = arith.addi %mul3A_219, %add3A_220 : i32
        %mul3A_222 = arith.mulf %broadcast_in_dim3A_217, %get3A_20 : vector<16xf32>
        %add3A_223 = arith.addf %mul3A_222, %get3A_44 : vector<16xf32>
        %swap3A_224 = arith.index_cast %add3A_221 : i32 to index
        %swap3A_225 = arith.constant 0 : index
        %swap3A_226 = tpu.vector_load %arg15[%swap3A_224, %swap3A_225] {strides = array<i32>} : memref<512x128xf32, #tpu.memory_space<vmem>>, vector<1x16xf32>,
        %swap3A_227 = vector.shape_cast %swap3A_226 : vector<1x16xf32> to vector<16xf32>
        %swap3A_228 = vector.shape_cast %add3A_223 : vector<16xf32> to vector<1x16xf32>
        tpu.vector_store %arg15[%swap3A_224, %swap3A_225], %swap3A_228 {strides = array<i32>} : memref<512x128xf32, #tpu.memory_space<vmem>>, vector<1x16xf32>,
        %mul3A_229 = arith.mulf %broadcast_in_dim3A_217, %get3A_23 : vector<16xf32>
        %add3A_230 = arith.addf %mul3A_229, %get3A_47 : vector<16xf32>
        %swap3A_231 = arith.index_cast %add3A_221 : i32 to index
        %swap3A_232 = arith.constant 16 : index
        %swap3A_233 = tpu.vector_load %arg15[%swap3A_231, %swap3A_232] {strides = array<i32>} : memref<512x128xf32, #tpu.memory_space<vmem>>, vector<1x16xf32>,
        %swap3A_234 = vector.shape_cast %swap3A_233 : vector<1x16xf32> to vector<16xf32>
        %swap3A_235 = vector.shape_cast %add3A_230 : vector<16xf32> to vector<1x16xf32>
        tpu.vector_store %arg15[%swap3A_231, %swap3A_232], %swap3A_235 {strides = array<i32>} : memref<512x128xf32, #tpu.memory_space<vmem>>, vector<1x16xf32>,
        %mul3A_236 = arith.mulf %broadcast_in_dim3A_217, %get3A_26 : vector<16xf32>
        %add3A_237 = arith.addf %mul3A_236, %get3A_50 : vector<16xf32>
        %swap3A_238 = arith.index_cast %add3A_221 : i32 to index
        %swap3A_239 = arith.constant 32 : index
        %swap3A_240 = tpu.vector_load %arg15[%swap3A_238, %swap3A_239] {strides = array<i32>} : memref<512x128xf32, #tpu.memory_space<vmem>>, vector<1x16xf32>,
        %swap3A_241 = vector.shape_cast %swap3A_240 : vector<1x16xf32> to vector<16xf32>
        %swap3A_242 = vector.shape_cast %add3A_237 : vector<16xf32> to vector<1x16xf32>
        tpu.vector_store %arg15[%swap3A_238, %swap3A_239], %swap3A_242 {strides = array<i32>} : memref<512x128xf32, #tpu.memory_space<vmem>>, vector<1x16xf32>,
        %mul3A_243 = arith.mulf %broadcast_in_dim3A_217, %get3A_29 : vector<16xf32>
        %add3A_244 = arith.addf %mul3A_243, %get3A_53 : vector<16xf32>
        %swap3A_245 = arith.index_cast %add3A_221 : i32 to index
        %swap3A_246 = arith.constant 48 : index
        %swap3A_247 = tpu.vector_load %arg15[%swap3A_245, %swap3A_246] {strides = array<i32>} : memref<512x128xf32, #tpu.memory_space<vmem>>, vector<1x16xf32>,
        %swap3A_248 = vector.shape_cast %swap3A_247 : vector<1x16xf32> to vector<16xf32>
        %swap3A_249 = vector.shape_cast %add3A_244 : vector<16xf32> to vector<1x16xf32>
        tpu.vector_store %arg15[%swap3A_245, %swap3A_246], %swap3A_249 {strides = array<i32>} : memref<512x128xf32, #tpu.memory_space<vmem>>, vector<1x16xf32>,
        %slice3A_250 = vector.extract_strided_slice %max3A_147 {offsets = [3], sizes = [1], strides = [1]} : vector<16xf32> to vector<1xf32>
        %squeeze3A_251 = vector.extract %slice3A_250[0] : f32 from vector<1xf32>
        %broadcast_in_dim3A_252 = vector.broadcast %squeeze3A_251 : f32 to vector<16xf32>
        %mul3A_253 = arith.constant 16 : i32
        %mul3A_254 = arith.muli %while3A_134, %mul3A_253 : i32
        %add3A_255 = arith.constant 3 : i32
        %add3A_256 = arith.addi %mul3A_254, %add3A_255 : i32
        %mul3A_257 = arith.mulf %broadcast_in_dim3A_252, %get3A_20 : vector<16xf32>
        %add3A_258 = arith.addf %mul3A_257, %get3A_44 : vector<16xf32>
        %swap3A_259 = arith.index_cast %add3A_256 : i32 to index
        %swap3A_260 = arith.constant 0 : index
        %swap3A_261 = tpu.vector_load %arg15[%swap3A_259, %swap3A_260] {strides = array<i32>} : memref<512x128xf32, #tpu.memory_space<vmem>>, vector<1x16xf32>,
        %swap3A_262 = vector.shape_cast %swap3A_261 : vector<1x16xf32> to vector<16xf32>
        %swap3A_263 = vector.shape_cast %add3A_258 : vector<16xf32> to vector<1x16xf32>
        tpu.vector_store %arg15[%swap3A_259, %swap3A_260], %swap3A_263 {strides = array<i32>} : memref<512x128xf32, #tpu.memory_space<vmem>>, vector<1x16xf32>,
        %mul3A_264 = arith.mulf %broadcast_in_dim3A_252, %get3A_23 : vector<16xf32>
        %add3A_265 = arith.addf %mul3A_264, %get3A_47 : vector<16xf32>
        %swap3A_266 = arith.index_cast %add3A_256 : i32 to index
        %swap3A_267 = arith.constant 16 : index
        %swap3A_268 = tpu.vector_load %arg15[%swap3A_266, %swap3A_267] {strides = array<i32>} : memref<512x128xf32, #tpu.memory_space<vmem>>, vector<1x16xf32>,
        %swap3A_269 = vector.shape_cast %swap3A_268 : vector<1x16xf32> to vector<16xf32>
        %swap3A_270 = vector.shape_cast %add3A_265 : vector<16xf32> to vector<1x16xf32>
        tpu.vector_store %arg15[%swap3A_266, %swap3A_267], %swap3A_270 {strides = array<i32>} : memref<512x128xf32, #tpu.memory_space<vmem>>, vector<1x16xf32>,
        %mul3A_271 = arith.mulf %broadcast_in_dim3A_252, %get3A_26 : vector<16xf32>
        %add3A_272 = arith.addf %mul3A_271, %get3A_50 : vector<16xf32>
        %swap3A_273 = arith.index_cast %add3A_256 : i32 to index
        %swap3A_274 = arith.constant 32 : index
        %swap3A_275 = tpu.vector_load %arg15[%swap3A_273, %swap3A_274] {strides = array<i32>} : memref<512x128xf32, #tpu.memory_space<vmem>>, vector<1x16xf32>,
        %swap3A_276 = vector.shape_cast %swap3A_275 : vector<1x16xf32> to vector<16xf32>
        %swap3A_277 = vector.shape_cast %add3A_272 : vector<16xf32> to vector<1x16xf32>
        tpu.vector_store %arg15[%swap3A_273, %swap3A_274], %swap3A_277 {strides = array<i32>} : memref<512x128xf32, #tpu.memory_space<vmem>>, vector<1x16xf32>,
        %mul3A_278 = arith.mulf %broadcast_in_dim3A_252, %get3A_29 : vector<16xf32>
        %add3A_279 = arith.addf %mul3A_278, %get3A_53 : vector<16xf32>
        %swap3A_280 = arith.index_cast %add3A_256 : i32 to index
        %swap3A_281 = arith.constant 48 : index
        %swap3A_282 = tpu.vector_load %arg15[%swap3A_280, %swap3A_281] {strides = array<i32>} : memref<512x128xf32, #tpu.memory_space<vmem>>, vector<1x16xf32>,
        %swap3A_283 = vector.shape_cast %swap3A_282 : vector<1x16xf32> to vector<16xf32>
        %swap3A_284 = vector.shape_cast %add3A_279 : vector<16xf32> to vector<1x16xf32>
        tpu.vector_store %arg15[%swap3A_280, %swap3A_281], %swap3A_284 {strides = array<i32>} : memref<512x128xf32, #tpu.memory_space<vmem>>, vector<1x16xf32>,
        %slice3A_285 = vector.extract_strided_slice %max3A_147 {offsets = [4], sizes = [1], strides = [1]} : vector<16xf32> to vector<1xf32>
        %squeeze3A_286 = vector.extract %slice3A_285[0] : f32 from vector<1xf32>
        %broadcast_in_dim3A_287 = vector.broadcast %squeeze3A_286 : f32 to vector<16xf32>
        %mul3A_288 = arith.constant 16 : i32
        %mul3A_289 = arith.muli %while3A_134, %mul3A_288 : i32
        %add3A_290 = arith.constant 4 : i32
        %add3A_291 = arith.addi %mul3A_289, %add3A_290 : i32
        %mul3A_292 = arith.mulf %broadcast_in_dim3A_287, %get3A_20 : vector<16xf32>
        %add3A_293 = arith.addf %mul3A_292, %get3A_44 : vector<16xf32>
        %swap3A_294 = arith.index_cast %add3A_291 : i32 to index
        %swap3A_295 = arith.constant 0 : index
        %swap3A_296 = tpu.vector_load %arg15[%swap3A_294, %swap3A_295] {strides = array<i32>} : memref<512x128xf32, #tpu.memory_space<vmem>>, vector<1x16xf32>,
        %swap3A_297 = vector.shape_cast %swap3A_296 : vector<1x16xf32> to vector<16xf32>
        %swap3A_298 = vector.shape_cast %add3A_293 : vector<16xf32> to vector<1x16xf32>
        tpu.vector_store %arg15[%swap3A_294, %swap3A_295], %swap3A_298 {strides = array<i32>} : memref<512x128xf32, #tpu.memory_space<vmem>>, vector<1x16xf32>,
        %mul3A_299 = arith.mulf %broadcast_in_dim3A_287, %get3A_23 : vector<16xf32>
        %add3A_300 = arith.addf %mul3A_299, %get3A_47 : vector<16xf32>
        %swap3A_301 = arith.index_cast %add3A_291 : i32 to index
        %swap3A_302 = arith.constant 16 : index
        %swap3A_303 = tpu.vector_load %arg15[%swap3A_301, %swap3A_302] {strides = array<i32>} : memref<512x128xf32, #tpu.memory_space<vmem>>, vector<1x16xf32>,
        %swap3A_304 = vector.shape_cast %swap3A_303 : vector<1x16xf32> to vector<16xf32>
        %swap3A_305 = vector.shape_cast %add3A_300 : vector<16xf32> to vector<1x16xf32>
        tpu.vector_store %arg15[%swap3A_301, %swap3A_302], %swap3A_305 {strides = array<i32>} : memref<512x128xf32, #tpu.memory_space<vmem>>, vector<1x16xf32>,
        %mul3A_306 = arith.mulf %broadcast_in_dim3A_287, %get3A_26 : vector<16xf32>
        %add3A_307 = arith.addf %mul3A_306, %get3A_50 : vector<16xf32>
        %swap3A_308 = arith.index_cast %add3A_291 : i32 to index
        %swap3A_309 = arith.constant 32 : index
        %swap3A_310 = tpu.vector_load %arg15[%swap3A_308, %swap3A_309] {strides = array<i32>} : memref<512x128xf32, #tpu.memory_space<vmem>>, vector<1x16xf32>,
        %swap3A_311 = vector.shape_cast %swap3A_310 : vector<1x16xf32> to vector<16xf32>
        %swap3A_312 = vector.shape_cast %add3A_307 : vector<16xf32> to vector<1x16xf32>
        tpu.vector_store %arg15[%swap3A_308, %swap3A_309], %swap3A_312 {strides = array<i32>} : memref<512x128xf32, #tpu.memory_space<vmem>>, vector<1x16xf32>,
        %mul3A_313 = arith.mulf %broadcast_in_dim3A_287, %get3A_29 : vector<16xf32>
        %add3A_314 = arith.addf %mul3A_313, %get3A_53 : vector<16xf32>
        %swap3A_315 = arith.index_cast %add3A_291 : i32 to index
        %swap3A_316 = arith.constant 48 : index
        %swap3A_317 = tpu.vector_load %arg15[%swap3A_315, %swap3A_316] {strides = array<i32>} : memref<512x128xf32, #tpu.memory_space<vmem>>, vector<1x16xf32>,
        %swap3A_318 = vector.shape_cast %swap3A_317 : vector<1x16xf32> to vector<16xf32>
        %swap3A_319 = vector.shape_cast %add3A_314 : vector<16xf32> to vector<1x16xf32>
        tpu.vector_store %arg15[%swap3A_315, %swap3A_316], %swap3A_319 {strides = array<i32>} : memref<512x128xf32, #tpu.memory_space<vmem>>, vector<1x16xf32>,
        %slice3A_320 = vector.extract_strided_slice %max3A_147 {offsets = [5], sizes = [1], strides = [1]} : vector<16xf32> to vector<1xf32>
        %squeeze3A_321 = vector.extract %slice3A_320[0] : f32 from vector<1xf32>
        %broadcast_in_dim3A_322 = vector.broadcast %squeeze3A_321 : f32 to vector<16xf32>
        %mul3A_323 = arith.constant 16 : i32
        %mul3A_324 = arith.muli %while3A_134, %mul3A_323 : i32
        %add3A_325 = arith.constant 5 : i32
        %add3A_326 = arith.addi %mul3A_324, %add3A_325 : i32
        %mul3A_327 = arith.mulf %broadcast_in_dim3A_322, %get3A_20 : vector<16xf32>
        %add3A_328 = arith.addf %mul3A_327, %get3A_44 : vector<16xf32>
        %swap3A_329 = arith.index_cast %add3A_326 : i32 to index
        %swap3A_330 = arith.constant 0 : index
        %swap3A_331 = tpu.vector_load %arg15[%swap3A_329, %swap3A_330] {strides = array<i32>} : memref<512x128xf32, #tpu.memory_space<vmem>>, vector<1x16xf32>,
        %swap3A_332 = vector.shape_cast %swap3A_331 : vector<1x16xf32> to vector<16xf32>
        %swap3A_333 = vector.shape_cast %add3A_328 : vector<16xf32> to vector<1x16xf32>
        tpu.vector_store %arg15[%swap3A_329, %swap3A_330], %swap3A_333 {strides = array<i32>} : memref<512x128xf32, #tpu.memory_space<vmem>>, vector<1x16xf32>,
        %mul3A_334 = arith.mulf %broadcast_in_dim3A_322, %get3A_23 : vector<16xf32>
        %add3A_335 = arith.addf %mul3A_334, %get3A_47 : vector<16xf32>
        %swap3A_336 = arith.index_cast %add3A_326 : i32 to index
        %swap3A_337 = arith.constant 16 : index
        %swap3A_338 = tpu.vector_load %arg15[%swap3A_336, %swap3A_337] {strides = array<i32>} : memref<512x128xf32, #tpu.memory_space<vmem>>, vector<1x16xf32>,
        %swap3A_339 = vector.shape_cast %swap3A_338 : vector<1x16xf32> to vector<16xf32>
        %swap3A_340 = vector.shape_cast %add3A_335 : vector<16xf32> to vector<1x16xf32>
        tpu.vector_store %arg15[%swap3A_336, %swap3A_337], %swap3A_340 {strides = array<i32>} : memref<512x128xf32, #tpu.memory_space<vmem>>, vector<1x16xf32>,
        %mul3A_341 = arith.mulf %broadcast_in_dim3A_322, %get3A_26 : vector<16xf32>
        %add3A_342 = arith.addf %mul3A_341, %get3A_50 : vector<16xf32>
        %swap3A_343 = arith.index_cast %add3A_326 : i32 to index
        %swap3A_344 = arith.constant 32 : index
        %swap3A_345 = tpu.vector_load %arg15[%swap3A_343, %swap3A_344] {strides = array<i32>} : memref<512x128xf32, #tpu.memory_space<vmem>>, vector<1x16xf32>,
        %swap3A_346 = vector.shape_cast %swap3A_345 : vector<1x16xf32> to vector<16xf32>
        %swap3A_347 = vector.shape_cast %add3A_342 : vector<16xf32> to vector<1x16xf32>
        tpu.vector_store %arg15[%swap3A_343, %swap3A_344], %swap3A_347 {strides = array<i32>} : memref<512x128xf32, #tpu.memory_space<vmem>>, vector<1x16xf32>,
        %mul3A_348 = arith.mulf %broadcast_in_dim3A_322, %get3A_29 : vector<16xf32>
        %add3A_349 = arith.addf %mul3A_348, %get3A_53 : vector<16xf32>
        %swap3A_350 = arith.index_cast %add3A_326 : i32 to index
        %swap3A_351 = arith.constant 48 : index
        %swap3A_352 = tpu.vector_load %arg15[%swap3A_350, %swap3A_351] {strides = array<i32>} : memref<512x128xf32, #tpu.memory_space<vmem>>, vector<1x16xf32>,
        %swap3A_353 = vector.shape_cast %swap3A_352 : vector<1x16xf32> to vector<16xf32>
        %swap3A_354 = vector.shape_cast %add3A_349 : vector<16xf32> to vector<1x16xf32>
        tpu.vector_store %arg15[%swap3A_350, %swap3A_351], %swap3A_354 {strides = array<i32>} : memref<512x128xf32, #tpu.memory_space<vmem>>, vector<1x16xf32>,
        %slice3A_355 = vector.extract_strided_slice %max3A_147 {offsets = [6], sizes = [1], strides = [1]} : vector<16xf32> to vector<1xf32>
        %squeeze3A_356 = vector.extract %slice3A_355[0] : f32 from vector<1xf32>
        %broadcast_in_dim3A_357 = vector.broadcast %squeeze3A_356 : f32 to vector<16xf32>
        %mul3A_358 = arith.constant 16 : i32
        %mul3A_359 = arith.muli %while3A_134, %mul3A_358 : i32
        %add3A_360 = arith.constant 6 : i32
        %add3A_361 = arith.addi %mul3A_359, %add3A_360 : i32
        %mul3A_362 = arith.mulf %broadcast_in_dim3A_357, %get3A_20 : vector<16xf32>
        %add3A_363 = arith.addf %mul3A_362, %get3A_44 : vector<16xf32>
        %swap3A_364 = arith.index_cast %add3A_361 : i32 to index
        %swap3A_365 = arith.constant 0 : index
        %swap3A_366 = tpu.vector_load %arg15[%swap3A_364, %swap3A_365] {strides = array<i32>} : memref<512x128xf32, #tpu.memory_space<vmem>>, vector<1x16xf32>,
        %swap3A_367 = vector.shape_cast %swap3A_366 : vector<1x16xf32> to vector<16xf32>
        %swap3A_368 = vector.shape_cast %add3A_363 : vector<16xf32> to vector<1x16xf32>
        tpu.vector_store %arg15[%swap3A_364, %swap3A_365], %swap3A_368 {strides = array<i32>} : memref<512x128xf32, #tpu.memory_space<vmem>>, vector<1x16xf32>,
        %mul3A_369 = arith.mulf %broadcast_in_dim3A_357, %get3A_23 : vector<16xf32>
        %add3A_370 = arith.addf %mul3A_369, %get3A_47 : vector<16xf32>
        %swap3A_371 = arith.index_cast %add3A_361 : i32 to index
        %swap3A_372 = arith.constant 16 : index
        %swap3A_373 = tpu.vector_load %arg15[%swap3A_371, %swap3A_372] {strides = array<i32>} : memref<512x128xf32, #tpu.memory_space<vmem>>, vector<1x16xf32>,
        %swap3A_374 = vector.shape_cast %swap3A_373 : vector<1x16xf32> to vector<16xf32>
        %swap3A_375 = vector.shape_cast %add3A_370 : vector<16xf32> to vector<1x16xf32>
        tpu.vector_store %arg15[%swap3A_371, %swap3A_372], %swap3A_375 {strides = array<i32>} : memref<512x128xf32, #tpu.memory_space<vmem>>, vector<1x16xf32>,
        %mul3A_376 = arith.mulf %broadcast_in_dim3A_357, %get3A_26 : vector<16xf32>
        %add3A_377 = arith.addf %mul3A_376, %get3A_50 : vector<16xf32>
        %swap3A_378 = arith.index_cast %add3A_361 : i32 to index
        %swap3A_379 = arith.constant 32 : index
        %swap3A_380 = tpu.vector_load %arg15[%swap3A_378, %swap3A_379] {strides = array<i32>} : memref<512x128xf32, #tpu.memory_space<vmem>>, vector<1x16xf32>,
        %swap3A_381 = vector.shape_cast %swap3A_380 : vector<1x16xf32> to vector<16xf32>
        %swap3A_382 = vector.shape_cast %add3A_377 : vector<16xf32> to vector<1x16xf32>
        tpu.vector_store %arg15[%swap3A_378, %swap3A_379], %swap3A_382 {strides = array<i32>} : memref<512x128xf32, #tpu.memory_space<vmem>>, vector<1x16xf32>,
        %mul3A_383 = arith.mulf %broadcast_in_dim3A_357, %get3A_29 : vector<16xf32>
        %add3A_384 = arith.addf %mul3A_383, %get3A_53 : vector<16xf32>
        %swap3A_385 = arith.index_cast %add3A_361 : i32 to index
        %swap3A_386 = arith.constant 48 : index
        %swap3A_387 = tpu.vector_load %arg15[%swap3A_385, %swap3A_386] {strides = array<i32>} : memref<512x128xf32, #tpu.memory_space<vmem>>, vector<1x16xf32>,
        %swap3A_388 = vector.shape_cast %swap3A_387 : vector<1x16xf32> to vector<16xf32>
        %swap3A_389 = vector.shape_cast %add3A_384 : vector<16xf32> to vector<1x16xf32>
        tpu.vector_store %arg15[%swap3A_385, %swap3A_386], %swap3A_389 {strides = array<i32>} : memref<512x128xf32, #tpu.memory_space<vmem>>, vector<1x16xf32>,
        %slice3A_390 = vector.extract_strided_slice %max3A_147 {offsets = [7], sizes = [1], strides = [1]} : vector<16xf32> to vector<1xf32>
        %squeeze3A_391 = vector.extract %slice3A_390[0] : f32 from vector<1xf32>
        %broadcast_in_dim3A_392 = vector.broadcast %squeeze3A_391 : f32 to vector<16xf32>
        %mul3A_393 = arith.constant 16 : i32
        %mul3A_394 = arith.muli %while3A_134, %mul3A_393 : i32
        %add3A_395 = arith.constant 7 : i32
        %add3A_396 = arith.addi %mul3A_394, %add3A_395 : i32
        %mul3A_397 = arith.mulf %broadcast_in_dim3A_392, %get3A_20 : vector<16xf32>
        %add3A_398 = arith.addf %mul3A_397, %get3A_44 : vector<16xf32>
        %swap3A_399 = arith.index_cast %add3A_396 : i32 to index
        %swap3A_400 = arith.constant 0 : index
        %swap3A_401 = tpu.vector_load %arg15[%swap3A_399, %swap3A_400] {strides = array<i32>} : memref<512x128xf32, #tpu.memory_space<vmem>>, vector<1x16xf32>,
        %swap3A_402 = vector.shape_cast %swap3A_401 : vector<1x16xf32> to vector<16xf32>
        %swap3A_403 = vector.shape_cast %add3A_398 : vector<16xf32> to vector<1x16xf32>
        tpu.vector_store %arg15[%swap3A_399, %swap3A_400], %swap3A_403 {strides = array<i32>} : memref<512x128xf32, #tpu.memory_space<vmem>>, vector<1x16xf32>,
        %mul3A_404 = arith.mulf %broadcast_in_dim3A_392, %get3A_23 : vector<16xf32>
        %add3A_405 = arith.addf %mul3A_404, %get3A_47 : vector<16xf32>
        %swap3A_406 = arith.index_cast %add3A_396 : i32 to index
        %swap3A_407 = arith.constant 16 : index
        %swap3A_408 = tpu.vector_load %arg15[%swap3A_406, %swap3A_407] {strides = array<i32>} : memref<512x128xf32, #tpu.memory_space<vmem>>, vector<1x16xf32>,
        %swap3A_409 = vector.shape_cast %swap3A_408 : vector<1x16xf32> to vector<16xf32>
        %swap3A_410 = vector.shape_cast %add3A_405 : vector<16xf32> to vector<1x16xf32>
        tpu.vector_store %arg15[%swap3A_406, %swap3A_407], %swap3A_410 {strides = array<i32>} : memref<512x128xf32, #tpu.memory_space<vmem>>, vector<1x16xf32>,
        %mul3A_411 = arith.mulf %broadcast_in_dim3A_392, %get3A_26 : vector<16xf32>
        %add3A_412 = arith.addf %mul3A_411, %get3A_50 : vector<16xf32>
        %swap3A_413 = arith.index_cast %add3A_396 : i32 to index
        %swap3A_414 = arith.constant 32 : index
        %swap3A_415 = tpu.vector_load %arg15[%swap3A_413, %swap3A_414] {strides = array<i32>} : memref<512x128xf32, #tpu.memory_space<vmem>>, vector<1x16xf32>,
        %swap3A_416 = vector.shape_cast %swap3A_415 : vector<1x16xf32> to vector<16xf32>
        %swap3A_417 = vector.shape_cast %add3A_412 : vector<16xf32> to vector<1x16xf32>
        tpu.vector_store %arg15[%swap3A_413, %swap3A_414], %swap3A_417 {strides = array<i32>} : memref<512x128xf32, #tpu.memory_space<vmem>>, vector<1x16xf32>,
        %mul3A_418 = arith.mulf %broadcast_in_dim3A_392, %get3A_29 : vector<16xf32>
        %add3A_419 = arith.addf %mul3A_418, %get3A_53 : vector<16xf32>
        %swap3A_420 = arith.index_cast %add3A_396 : i32 to index
        %swap3A_421 = arith.constant 48 : index
        %swap3A_422 = tpu.vector_load %arg15[%swap3A_420, %swap3A_421] {strides = array<i32>} : memref<512x128xf32, #tpu.memory_space<vmem>>, vector<1x16xf32>,
        %swap3A_423 = vector.shape_cast %swap3A_422 : vector<1x16xf32> to vector<16xf32>
        %swap3A_424 = vector.shape_cast %add3A_419 : vector<16xf32> to vector<1x16xf32>
        tpu.vector_store %arg15[%swap3A_420, %swap3A_421], %swap3A_424 {strides = array<i32>} : memref<512x128xf32, #tpu.memory_space<vmem>>, vector<1x16xf32>,
        %slice3A_425 = vector.extract_strided_slice %max3A_147 {offsets = [8], sizes = [1], strides = [1]} : vector<16xf32> to vector<1xf32>
        %squeeze3A_426 = vector.extract %slice3A_425[0] : f32 from vector<1xf32>
        %broadcast_in_dim3A_427 = vector.broadcast %squeeze3A_426 : f32 to vector<16xf32>
        %mul3A_428 = arith.constant 16 : i32
        %mul3A_429 = arith.muli %while3A_134, %mul3A_428 : i32
        %add3A_430 = arith.constant 8 : i32
        %add3A_431 = arith.addi %mul3A_429, %add3A_430 : i32
        %mul3A_432 = arith.mulf %broadcast_in_dim3A_427, %get3A_20 : vector<16xf32>
        %add3A_433 = arith.addf %mul3A_432, %get3A_44 : vector<16xf32>
        %swap3A_434 = arith.index_cast %add3A_431 : i32 to index
        %swap3A_435 = arith.constant 0 : index
        %swap3A_436 = tpu.vector_load %arg15[%swap3A_434, %swap3A_435] {strides = array<i32>} : memref<512x128xf32, #tpu.memory_space<vmem>>, vector<1x16xf32>,
        %swap3A_437 = vector.shape_cast %swap3A_436 : vector<1x16xf32> to vector<16xf32>
        %swap3A_438 = vector.shape_cast %add3A_433 : vector<16xf32> to vector<1x16xf32>
        tpu.vector_store %arg15[%swap3A_434, %swap3A_435], %swap3A_438 {strides = array<i32>} : memref<512x128xf32, #tpu.memory_space<vmem>>, vector<1x16xf32>,
        %mul3A_439 = arith.mulf %broadcast_in_dim3A_427, %get3A_23 : vector<16xf32>
        %add3A_440 = arith.addf %mul3A_439, %get3A_47 : vector<16xf32>
        %swap3A_441 = arith.index_cast %add3A_431 : i32 to index
        %swap3A_442 = arith.constant 16 : index
        %swap3A_443 = tpu.vector_load %arg15[%swap3A_441, %swap3A_442] {strides = array<i32>} : memref<512x128xf32, #tpu.memory_space<vmem>>, vector<1x16xf32>,
        %swap3A_444 = vector.shape_cast %swap3A_443 : vector<1x16xf32> to vector<16xf32>
        %swap3A_445 = vector.shape_cast %add3A_440 : vector<16xf32> to vector<1x16xf32>
        tpu.vector_store %arg15[%swap3A_441, %swap3A_442], %swap3A_445 {strides = array<i32>} : memref<512x128xf32, #tpu.memory_space<vmem>>, vector<1x16xf32>,
        %mul3A_446 = arith.mulf %broadcast_in_dim3A_427, %get3A_26 : vector<16xf32>
        %add3A_447 = arith.addf %mul3A_446, %get3A_50 : vector<16xf32>
        %swap3A_448 = arith.index_cast %add3A_431 : i32 to index
        %swap3A_449 = arith.constant 32 : index
        %swap3A_450 = tpu.vector_load %arg15[%swap3A_448, %swap3A_449] {strides = array<i32>} : memref<512x128xf32, #tpu.memory_space<vmem>>, vector<1x16xf32>,
        %swap3A_451 = vector.shape_cast %swap3A_450 : vector<1x16xf32> to vector<16xf32>
        %swap3A_452 = vector.shape_cast %add3A_447 : vector<16xf32> to vector<1x16xf32>
        tpu.vector_store %arg15[%swap3A_448, %swap3A_449], %swap3A_452 {strides = array<i32>} : memref<512x128xf32, #tpu.memory_space<vmem>>, vector<1x16xf32>,
        %mul3A_453 = arith.mulf %broadcast_in_dim3A_427, %get3A_29 : vector<16xf32>
        %add3A_454 = arith.addf %mul3A_453, %get3A_53 : vector<16xf32>
        %swap3A_455 = arith.index_cast %add3A_431 : i32 to index
        %swap3A_456 = arith.constant 48 : index
        %swap3A_457 = tpu.vector_load %arg15[%swap3A_455, %swap3A_456] {strides = array<i32>} : memref<512x128xf32, #tpu.memory_space<vmem>>, vector<1x16xf32>,
        %swap3A_458 = vector.shape_cast %swap3A_457 : vector<1x16xf32> to vector<16xf32>
        %swap3A_459 = vector.shape_cast %add3A_454 : vector<16xf32> to vector<1x16xf32>
        tpu.vector_store %arg15[%swap3A_455, %swap3A_456], %swap3A_459 {strides = array<i32>} : memref<512x128xf32, #tpu.memory_space<vmem>>, vector<1x16xf32>,
        %slice3A_460 = vector.extract_strided_slice %max3A_147 {offsets = [9], sizes = [1], strides = [1]} : vector<16xf32> to vector<1xf32>
        %squeeze3A_461 = vector.extract %slice3A_460[0] : f32 from vector<1xf32>
        %broadcast_in_dim3A_462 = vector.broadcast %squeeze3A_461 : f32 to vector<16xf32>
        %mul3A_463 = arith.constant 16 : i32
        %mul3A_464 = arith.muli %while3A_134, %mul3A_463 : i32
        %add3A_465 = arith.constant 9 : i32
        %add3A_466 = arith.addi %mul3A_464, %add3A_465 : i32
        %mul3A_467 = arith.mulf %broadcast_in_dim3A_462, %get3A_20 : vector<16xf32>
        %add3A_468 = arith.addf %mul3A_467, %get3A_44 : vector<16xf32>
        %swap3A_469 = arith.index_cast %add3A_466 : i32 to index
        %swap3A_470 = arith.constant 0 : index
        %swap3A_471 = tpu.vector_load %arg15[%swap3A_469, %swap3A_470] {strides = array<i32>} : memref<512x128xf32, #tpu.memory_space<vmem>>, vector<1x16xf32>,
        %swap3A_472 = vector.shape_cast %swap3A_471 : vector<1x16xf32> to vector<16xf32>
        %swap3A_473 = vector.shape_cast %add3A_468 : vector<16xf32> to vector<1x16xf32>
        tpu.vector_store %arg15[%swap3A_469, %swap3A_470], %swap3A_473 {strides = array<i32>} : memref<512x128xf32, #tpu.memory_space<vmem>>, vector<1x16xf32>,
        %mul3A_474 = arith.mulf %broadcast_in_dim3A_462, %get3A_23 : vector<16xf32>
        %add3A_475 = arith.addf %mul3A_474, %get3A_47 : vector<16xf32>
        %swap3A_476 = arith.index_cast %add3A_466 : i32 to index
        %swap3A_477 = arith.constant 16 : index
        %swap3A_478 = tpu.vector_load %arg15[%swap3A_476, %swap3A_477] {strides = array<i32>} : memref<512x128xf32, #tpu.memory_space<vmem>>, vector<1x16xf32>,
        %swap3A_479 = vector.shape_cast %swap3A_478 : vector<1x16xf32> to vector<16xf32>
        %swap3A_480 = vector.shape_cast %add3A_475 : vector<16xf32> to vector<1x16xf32>
        tpu.vector_store %arg15[%swap3A_476, %swap3A_477], %swap3A_480 {strides = array<i32>} : memref<512x128xf32, #tpu.memory_space<vmem>>, vector<1x16xf32>,
        %mul3A_481 = arith.mulf %broadcast_in_dim3A_462, %get3A_26 : vector<16xf32>
        %add3A_482 = arith.addf %mul3A_481, %get3A_50 : vector<16xf32>
        %swap3A_483 = arith.index_cast %add3A_466 : i32 to index
        %swap3A_484 = arith.constant 32 : index
        %swap3A_485 = tpu.vector_load %arg15[%swap3A_483, %swap3A_484] {strides = array<i32>} : memref<512x128xf32, #tpu.memory_space<vmem>>, vector<1x16xf32>,
        %swap3A_486 = vector.shape_cast %swap3A_485 : vector<1x16xf32> to vector<16xf32>
        %swap3A_487 = vector.shape_cast %add3A_482 : vector<16xf32> to vector<1x16xf32>
        tpu.vector_store %arg15[%swap3A_483, %swap3A_484], %swap3A_487 {strides = array<i32>} : memref<512x128xf32, #tpu.memory_space<vmem>>, vector<1x16xf32>,
        %mul3A_488 = arith.mulf %broadcast_in_dim3A_462, %get3A_29 : vector<16xf32>
        %add3A_489 = arith.addf %mul3A_488, %get3A_53 : vector<16xf32>
        %swap3A_490 = arith.index_cast %add3A_466 : i32 to index
        %swap3A_491 = arith.constant 48 : index
        %swap3A_492 = tpu.vector_load %arg15[%swap3A_490, %swap3A_491] {strides = array<i32>} : memref<512x128xf32, #tpu.memory_space<vmem>>, vector<1x16xf32>,
        %swap3A_493 = vector.shape_cast %swap3A_492 : vector<1x16xf32> to vector<16xf32>
        %swap3A_494 = vector.shape_cast %add3A_489 : vector<16xf32> to vector<1x16xf32>
        tpu.vector_store %arg15[%swap3A_490, %swap3A_491], %swap3A_494 {strides = array<i32>} : memref<512x128xf32, #tpu.memory_space<vmem>>, vector<1x16xf32>,
        %slice3A_495 = vector.extract_strided_slice %max3A_147 {offsets = [10], sizes = [1], strides = [1]} : vector<16xf32> to vector<1xf32>
        %squeeze3A_496 = vector.extract %slice3A_495[0] : f32 from vector<1xf32>
        %broadcast_in_dim3A_497 = vector.broadcast %squeeze3A_496 : f32 to vector<16xf32>
        %mul3A_498 = arith.constant 16 : i32
        %mul3A_499 = arith.muli %while3A_134, %mul3A_498 : i32
        %add3A_500 = arith.constant 10 : i32
        %add3A_501 = arith.addi %mul3A_499, %add3A_500 : i32
        %mul3A_502 = arith.mulf %broadcast_in_dim3A_497, %get3A_20 : vector<16xf32>
        %add3A_503 = arith.addf %mul3A_502, %get3A_44 : vector<16xf32>
        %swap3A_504 = arith.index_cast %add3A_501 : i32 to index
        %swap3A_505 = arith.constant 0 : index
        %swap3A_506 = tpu.vector_load %arg15[%swap3A_504, %swap3A_505] {strides = array<i32>} : memref<512x128xf32, #tpu.memory_space<vmem>>, vector<1x16xf32>,
        %swap3A_507 = vector.shape_cast %swap3A_506 : vector<1x16xf32> to vector<16xf32>
        %swap3A_508 = vector.shape_cast %add3A_503 : vector<16xf32> to vector<1x16xf32>
        tpu.vector_store %arg15[%swap3A_504, %swap3A_505], %swap3A_508 {strides = array<i32>} : memref<512x128xf32, #tpu.memory_space<vmem>>, vector<1x16xf32>,
        %mul3A_509 = arith.mulf %broadcast_in_dim3A_497, %get3A_23 : vector<16xf32>
        %add3A_510 = arith.addf %mul3A_509, %get3A_47 : vector<16xf32>
        %swap3A_511 = arith.index_cast %add3A_501 : i32 to index
        %swap3A_512 = arith.constant 16 : index
        %swap3A_513 = tpu.vector_load %arg15[%swap3A_511, %swap3A_512] {strides = array<i32>} : memref<512x128xf32, #tpu.memory_space<vmem>>, vector<1x16xf32>,
        %swap3A_514 = vector.shape_cast %swap3A_513 : vector<1x16xf32> to vector<16xf32>
        %swap3A_515 = vector.shape_cast %add3A_510 : vector<16xf32> to vector<1x16xf32>
        tpu.vector_store %arg15[%swap3A_511, %swap3A_512], %swap3A_515 {strides = array<i32>} : memref<512x128xf32, #tpu.memory_space<vmem>>, vector<1x16xf32>,
        %mul3A_516 = arith.mulf %broadcast_in_dim3A_497, %get3A_26 : vector<16xf32>
        %add3A_517 = arith.addf %mul3A_516, %get3A_50 : vector<16xf32>
        %swap3A_518 = arith.index_cast %add3A_501 : i32 to index
        %swap3A_519 = arith.constant 32 : index
        %swap3A_520 = tpu.vector_load %arg15[%swap3A_518, %swap3A_519] {strides = array<i32>} : memref<512x128xf32, #tpu.memory_space<vmem>>, vector<1x16xf32>,
        %swap3A_521 = vector.shape_cast %swap3A_520 : vector<1x16xf32> to vector<16xf32>
        %swap3A_522 = vector.shape_cast %add3A_517 : vector<16xf32> to vector<1x16xf32>
        tpu.vector_store %arg15[%swap3A_518, %swap3A_519], %swap3A_522 {strides = array<i32>} : memref<512x128xf32, #tpu.memory_space<vmem>>, vector<1x16xf32>,
        %mul3A_523 = arith.mulf %broadcast_in_dim3A_497, %get3A_29 : vector<16xf32>
        %add3A_524 = arith.addf %mul3A_523, %get3A_53 : vector<16xf32>
        %swap3A_525 = arith.index_cast %add3A_501 : i32 to index
        %swap3A_526 = arith.constant 48 : index
        %swap3A_527 = tpu.vector_load %arg15[%swap3A_525, %swap3A_526] {strides = array<i32>} : memref<512x128xf32, #tpu.memory_space<vmem>>, vector<1x16xf32>,
        %swap3A_528 = vector.shape_cast %swap3A_527 : vector<1x16xf32> to vector<16xf32>
        %swap3A_529 = vector.shape_cast %add3A_524 : vector<16xf32> to vector<1x16xf32>
        tpu.vector_store %arg15[%swap3A_525, %swap3A_526], %swap3A_529 {strides = array<i32>} : memref<512x128xf32, #tpu.memory_space<vmem>>, vector<1x16xf32>,
        %slice3A_530 = vector.extract_strided_slice %max3A_147 {offsets = [11], sizes = [1], strides = [1]} : vector<16xf32> to vector<1xf32>
        %squeeze3A_531 = vector.extract %slice3A_530[0] : f32 from vector<1xf32>
        %broadcast_in_dim3A_532 = vector.broadcast %squeeze3A_531 : f32 to vector<16xf32>
        %mul3A_533 = arith.constant 16 : i32
        %mul3A_534 = arith.muli %while3A_134, %mul3A_533 : i32
        %add3A_535 = arith.constant 11 : i32
        %add3A_536 = arith.addi %mul3A_534, %add3A_535 : i32
        %mul3A_537 = arith.mulf %broadcast_in_dim3A_532, %get3A_20 : vector<16xf32>
        %add3A_538 = arith.addf %mul3A_537, %get3A_44 : vector<16xf32>
        %swap3A_539 = arith.index_cast %add3A_536 : i32 to index
        %swap3A_540 = arith.constant 0 : index
        %swap3A_541 = tpu.vector_load %arg15[%swap3A_539, %swap3A_540] {strides = array<i32>} : memref<512x128xf32, #tpu.memory_space<vmem>>, vector<1x16xf32>,
        %swap3A_542 = vector.shape_cast %swap3A_541 : vector<1x16xf32> to vector<16xf32>
        %swap3A_543 = vector.shape_cast %add3A_538 : vector<16xf32> to vector<1x16xf32>
        tpu.vector_store %arg15[%swap3A_539, %swap3A_540], %swap3A_543 {strides = array<i32>} : memref<512x128xf32, #tpu.memory_space<vmem>>, vector<1x16xf32>,
        %mul3A_544 = arith.mulf %broadcast_in_dim3A_532, %get3A_23 : vector<16xf32>
        %add3A_545 = arith.addf %mul3A_544, %get3A_47 : vector<16xf32>
        %swap3A_546 = arith.index_cast %add3A_536 : i32 to index
        %swap3A_547 = arith.constant 16 : index
        %swap3A_548 = tpu.vector_load %arg15[%swap3A_546, %swap3A_547] {strides = array<i32>} : memref<512x128xf32, #tpu.memory_space<vmem>>, vector<1x16xf32>,
        %swap3A_549 = vector.shape_cast %swap3A_548 : vector<1x16xf32> to vector<16xf32>
        %swap3A_550 = vector.shape_cast %add3A_545 : vector<16xf32> to vector<1x16xf32>
        tpu.vector_store %arg15[%swap3A_546, %swap3A_547], %swap3A_550 {strides = array<i32>} : memref<512x128xf32, #tpu.memory_space<vmem>>, vector<1x16xf32>,
        %mul3A_551 = arith.mulf %broadcast_in_dim3A_532, %get3A_26 : vector<16xf32>
        %add3A_552 = arith.addf %mul3A_551, %get3A_50 : vector<16xf32>
        %swap3A_553 = arith.index_cast %add3A_536 : i32 to index
        %swap3A_554 = arith.constant 32 : index
        %swap3A_555 = tpu.vector_load %arg15[%swap3A_553, %swap3A_554] {strides = array<i32>} : memref<512x128xf32, #tpu.memory_space<vmem>>, vector<1x16xf32>,
        %swap3A_556 = vector.shape_cast %swap3A_555 : vector<1x16xf32> to vector<16xf32>
        %swap3A_557 = vector.shape_cast %add3A_552 : vector<16xf32> to vector<1x16xf32>
        tpu.vector_store %arg15[%swap3A_553, %swap3A_554], %swap3A_557 {strides = array<i32>} : memref<512x128xf32, #tpu.memory_space<vmem>>, vector<1x16xf32>,
        %mul3A_558 = arith.mulf %broadcast_in_dim3A_532, %get3A_29 : vector<16xf32>
        %add3A_559 = arith.addf %mul3A_558, %get3A_53 : vector<16xf32>
        %swap3A_560 = arith.index_cast %add3A_536 : i32 to index
        %swap3A_561 = arith.constant 48 : index
        %swap3A_562 = tpu.vector_load %arg15[%swap3A_560, %swap3A_561] {strides = array<i32>} : memref<512x128xf32, #tpu.memory_space<vmem>>, vector<1x16xf32>,
        %swap3A_563 = vector.shape_cast %swap3A_562 : vector<1x16xf32> to vector<16xf32>
        %swap3A_564 = vector.shape_cast %add3A_559 : vector<16xf32> to vector<1x16xf32>
        tpu.vector_store %arg15[%swap3A_560, %swap3A_561], %swap3A_564 {strides = array<i32>} : memref<512x128xf32, #tpu.memory_space<vmem>>, vector<1x16xf32>,
        %slice3A_565 = vector.extract_strided_slice %max3A_147 {offsets = [12], sizes = [1], strides = [1]} : vector<16xf32> to vector<1xf32>
        %squeeze3A_566 = vector.extract %slice3A_565[0] : f32 from vector<1xf32>
        %broadcast_in_dim3A_567 = vector.broadcast %squeeze3A_566 : f32 to vector<16xf32>
        %mul3A_568 = arith.constant 16 : i32
        %mul3A_569 = arith.muli %while3A_134, %mul3A_568 : i32
        %add3A_570 = arith.constant 12 : i32
        %add3A_571 = arith.addi %mul3A_569, %add3A_570 : i32
        %mul3A_572 = arith.mulf %broadcast_in_dim3A_567, %get3A_20 : vector<16xf32>
        %add3A_573 = arith.addf %mul3A_572, %get3A_44 : vector<16xf32>
        %swap3A_574 = arith.index_cast %add3A_571 : i32 to index
        %swap3A_575 = arith.constant 0 : index
        %swap3A_576 = tpu.vector_load %arg15[%swap3A_574, %swap3A_575] {strides = array<i32>} : memref<512x128xf32, #tpu.memory_space<vmem>>, vector<1x16xf32>,
        %swap3A_577 = vector.shape_cast %swap3A_576 : vector<1x16xf32> to vector<16xf32>
        %swap3A_578 = vector.shape_cast %add3A_573 : vector<16xf32> to vector<1x16xf32>
        tpu.vector_store %arg15[%swap3A_574, %swap3A_575], %swap3A_578 {strides = array<i32>} : memref<512x128xf32, #tpu.memory_space<vmem>>, vector<1x16xf32>,
        %mul3A_579 = arith.mulf %broadcast_in_dim3A_567, %get3A_23 : vector<16xf32>
        %add3A_580 = arith.addf %mul3A_579, %get3A_47 : vector<16xf32>
        %swap3A_581 = arith.index_cast %add3A_571 : i32 to index
        %swap3A_582 = arith.constant 16 : index
        %swap3A_583 = tpu.vector_load %arg15[%swap3A_581, %swap3A_582] {strides = array<i32>} : memref<512x128xf32, #tpu.memory_space<vmem>>, vector<1x16xf32>,
        %swap3A_584 = vector.shape_cast %swap3A_583 : vector<1x16xf32> to vector<16xf32>
        %swap3A_585 = vector.shape_cast %add3A_580 : vector<16xf32> to vector<1x16xf32>
        tpu.vector_store %arg15[%swap3A_581, %swap3A_582], %swap3A_585 {strides = array<i32>} : memref<512x128xf32, #tpu.memory_space<vmem>>, vector<1x16xf32>,
        %mul3A_586 = arith.mulf %broadcast_in_dim3A_567, %get3A_26 : vector<16xf32>
        %add3A_587 = arith.addf %mul3A_586, %get3A_50 : vector<16xf32>
        %swap3A_588 = arith.index_cast %add3A_571 : i32 to index
        %swap3A_589 = arith.constant 32 : index
        %swap3A_590 = tpu.vector_load %arg15[%swap3A_588, %swap3A_589] {strides = array<i32>} : memref<512x128xf32, #tpu.memory_space<vmem>>, vector<1x16xf32>,
        %swap3A_591 = vector.shape_cast %swap3A_590 : vector<1x16xf32> to vector<16xf32>
        %swap3A_592 = vector.shape_cast %add3A_587 : vector<16xf32> to vector<1x16xf32>
        tpu.vector_store %arg15[%swap3A_588, %swap3A_589], %swap3A_592 {strides = array<i32>} : memref<512x128xf32, #tpu.memory_space<vmem>>, vector<1x16xf32>,
        %mul3A_593 = arith.mulf %broadcast_in_dim3A_567, %get3A_29 : vector<16xf32>
        %add3A_594 = arith.addf %mul3A_593, %get3A_53 : vector<16xf32>
        %swap3A_595 = arith.index_cast %add3A_571 : i32 to index
        %swap3A_596 = arith.constant 48 : index
        %swap3A_597 = tpu.vector_load %arg15[%swap3A_595, %swap3A_596] {strides = array<i32>} : memref<512x128xf32, #tpu.memory_space<vmem>>, vector<1x16xf32>,
        %swap3A_598 = vector.shape_cast %swap3A_597 : vector<1x16xf32> to vector<16xf32>
        %swap3A_599 = vector.shape_cast %add3A_594 : vector<16xf32> to vector<1x16xf32>
        tpu.vector_store %arg15[%swap3A_595, %swap3A_596], %swap3A_599 {strides = array<i32>} : memref<512x128xf32, #tpu.memory_space<vmem>>, vector<1x16xf32>,
        %slice3A_600 = vector.extract_strided_slice %max3A_147 {offsets = [13], sizes = [1], strides = [1]} : vector<16xf32> to vector<1xf32>
        %squeeze3A_601 = vector.extract %slice3A_600[0] : f32 from vector<1xf32>
        %broadcast_in_dim3A_602 = vector.broadcast %squeeze3A_601 : f32 to vector<16xf32>
        %mul3A_603 = arith.constant 16 : i32
        %mul3A_604 = arith.muli %while3A_134, %mul3A_603 : i32
        %add3A_605 = arith.constant 13 : i32
        %add3A_606 = arith.addi %mul3A_604, %add3A_605 : i32
        %mul3A_607 = arith.mulf %broadcast_in_dim3A_602, %get3A_20 : vector<16xf32>
        %add3A_608 = arith.addf %mul3A_607, %get3A_44 : vector<16xf32>
        %swap3A_609 = arith.index_cast %add3A_606 : i32 to index
        %swap3A_610 = arith.constant 0 : index
        %swap3A_611 = tpu.vector_load %arg15[%swap3A_609, %swap3A_610] {strides = array<i32>} : memref<512x128xf32, #tpu.memory_space<vmem>>, vector<1x16xf32>,
        %swap3A_612 = vector.shape_cast %swap3A_611 : vector<1x16xf32> to vector<16xf32>
        %swap3A_613 = vector.shape_cast %add3A_608 : vector<16xf32> to vector<1x16xf32>
        tpu.vector_store %arg15[%swap3A_609, %swap3A_610], %swap3A_613 {strides = array<i32>} : memref<512x128xf32, #tpu.memory_space<vmem>>, vector<1x16xf32>,
        %mul3A_614 = arith.mulf %broadcast_in_dim3A_602, %get3A_23 : vector<16xf32>
        %add3A_615 = arith.addf %mul3A_614, %get3A_47 : vector<16xf32>
        %swap3A_616 = arith.index_cast %add3A_606 : i32 to index
        %swap3A_617 = arith.constant 16 : index
        %swap3A_618 = tpu.vector_load %arg15[%swap3A_616, %swap3A_617] {strides = array<i32>} : memref<512x128xf32, #tpu.memory_space<vmem>>, vector<1x16xf32>,
        %swap3A_619 = vector.shape_cast %swap3A_618 : vector<1x16xf32> to vector<16xf32>
        %swap3A_620 = vector.shape_cast %add3A_615 : vector<16xf32> to vector<1x16xf32>
        tpu.vector_store %arg15[%swap3A_616, %swap3A_617], %swap3A_620 {strides = array<i32>} : memref<512x128xf32, #tpu.memory_space<vmem>>, vector<1x16xf32>,
        %mul3A_621 = arith.mulf %broadcast_in_dim3A_602, %get3A_26 : vector<16xf32>
        %add3A_622 = arith.addf %mul3A_621, %get3A_50 : vector<16xf32>
        %swap3A_623 = arith.index_cast %add3A_606 : i32 to index
        %swap3A_624 = arith.constant 32 : index
        %swap3A_625 = tpu.vector_load %arg15[%swap3A_623, %swap3A_624] {strides = array<i32>} : memref<512x128xf32, #tpu.memory_space<vmem>>, vector<1x16xf32>,
        %swap3A_626 = vector.shape_cast %swap3A_625 : vector<1x16xf32> to vector<16xf32>
        %swap3A_627 = vector.shape_cast %add3A_622 : vector<16xf32> to vector<1x16xf32>
        tpu.vector_store %arg15[%swap3A_623, %swap3A_624], %swap3A_627 {strides = array<i32>} : memref<512x128xf32, #tpu.memory_space<vmem>>, vector<1x16xf32>,
        %mul3A_628 = arith.mulf %broadcast_in_dim3A_602, %get3A_29 : vector<16xf32>
        %add3A_629 = arith.addf %mul3A_628, %get3A_53 : vector<16xf32>
        %swap3A_630 = arith.index_cast %add3A_606 : i32 to index
        %swap3A_631 = arith.constant 48 : index
        %swap3A_632 = tpu.vector_load %arg15[%swap3A_630, %swap3A_631] {strides = array<i32>} : memref<512x128xf32, #tpu.memory_space<vmem>>, vector<1x16xf32>,
        %swap3A_633 = vector.shape_cast %swap3A_632 : vector<1x16xf32> to vector<16xf32>
        %swap3A_634 = vector.shape_cast %add3A_629 : vector<16xf32> to vector<1x16xf32>
        tpu.vector_store %arg15[%swap3A_630, %swap3A_631], %swap3A_634 {strides = array<i32>} : memref<512x128xf32, #tpu.memory_space<vmem>>, vector<1x16xf32>,
        %slice3A_635 = vector.extract_strided_slice %max3A_147 {offsets = [14], sizes = [1], strides = [1]} : vector<16xf32> to vector<1xf32>
        %squeeze3A_636 = vector.extract %slice3A_635[0] : f32 from vector<1xf32>
        %broadcast_in_dim3A_637 = vector.broadcast %squeeze3A_636 : f32 to vector<16xf32>
        %mul3A_638 = arith.constant 16 : i32
        %mul3A_639 = arith.muli %while3A_134, %mul3A_638 : i32
        %add3A_640 = arith.constant 14 : i32
        %add3A_641 = arith.addi %mul3A_639, %add3A_640 : i32
        %mul3A_642 = arith.mulf %broadcast_in_dim3A_637, %get3A_20 : vector<16xf32>
        %add3A_643 = arith.addf %mul3A_642, %get3A_44 : vector<16xf32>
        %swap3A_644 = arith.index_cast %add3A_641 : i32 to index
        %swap3A_645 = arith.constant 0 : index
        %swap3A_646 = tpu.vector_load %arg15[%swap3A_644, %swap3A_645] {strides = array<i32>} : memref<512x128xf32, #tpu.memory_space<vmem>>, vector<1x16xf32>,
        %swap3A_647 = vector.shape_cast %swap3A_646 : vector<1x16xf32> to vector<16xf32>
        %swap3A_648 = vector.shape_cast %add3A_643 : vector<16xf32> to vector<1x16xf32>
        tpu.vector_store %arg15[%swap3A_644, %swap3A_645], %swap3A_648 {strides = array<i32>} : memref<512x128xf32, #tpu.memory_space<vmem>>, vector<1x16xf32>,
        %mul3A_649 = arith.mulf %broadcast_in_dim3A_637, %get3A_23 : vector<16xf32>
        %add3A_650 = arith.addf %mul3A_649, %get3A_47 : vector<16xf32>
        %swap3A_651 = arith.index_cast %add3A_641 : i32 to index
        %swap3A_652 = arith.constant 16 : index
        %swap3A_653 = tpu.vector_load %arg15[%swap3A_651, %swap3A_652] {strides = array<i32>} : memref<512x128xf32, #tpu.memory_space<vmem>>, vector<1x16xf32>,
        %swap3A_654 = vector.shape_cast %swap3A_653 : vector<1x16xf32> to vector<16xf32>
        %swap3A_655 = vector.shape_cast %add3A_650 : vector<16xf32> to vector<1x16xf32>
        tpu.vector_store %arg15[%swap3A_651, %swap3A_652], %swap3A_655 {strides = array<i32>} : memref<512x128xf32, #tpu.memory_space<vmem>>, vector<1x16xf32>,
        %mul3A_656 = arith.mulf %broadcast_in_dim3A_637, %get3A_26 : vector<16xf32>
        %add3A_657 = arith.addf %mul3A_656, %get3A_50 : vector<16xf32>
        %swap3A_658 = arith.index_cast %add3A_641 : i32 to index
        %swap3A_659 = arith.constant 32 : index
        %swap3A_660 = tpu.vector_load %arg15[%swap3A_658, %swap3A_659] {strides = array<i32>} : memref<512x128xf32, #tpu.memory_space<vmem>>, vector<1x16xf32>,
        %swap3A_661 = vector.shape_cast %swap3A_660 : vector<1x16xf32> to vector<16xf32>
        %swap3A_662 = vector.shape_cast %add3A_657 : vector<16xf32> to vector<1x16xf32>
        tpu.vector_store %arg15[%swap3A_658, %swap3A_659], %swap3A_662 {strides = array<i32>} : memref<512x128xf32, #tpu.memory_space<vmem>>, vector<1x16xf32>,
        %mul3A_663 = arith.mulf %broadcast_in_dim3A_637, %get3A_29 : vector<16xf32>
        %add3A_664 = arith.addf %mul3A_663, %get3A_53 : vector<16xf32>
        %swap3A_665 = arith.index_cast %add3A_641 : i32 to index
        %swap3A_666 = arith.constant 48 : index
        %swap3A_667 = tpu.vector_load %arg15[%swap3A_665, %swap3A_666] {strides = array<i32>} : memref<512x128xf32, #tpu.memory_space<vmem>>, vector<1x16xf32>,
        %swap3A_668 = vector.shape_cast %swap3A_667 : vector<1x16xf32> to vector<16xf32>
        %swap3A_669 = vector.shape_cast %add3A_664 : vector<16xf32> to vector<1x16xf32>
        tpu.vector_store %arg15[%swap3A_665, %swap3A_666], %swap3A_669 {strides = array<i32>} : memref<512x128xf32, #tpu.memory_space<vmem>>, vector<1x16xf32>,
        %slice3A_670 = vector.extract_strided_slice %max3A_147 {offsets = [15], sizes = [1], strides = [1]} : vector<16xf32> to vector<1xf32>
        %squeeze3A_671 = vector.extract %slice3A_670[0] : f32 from vector<1xf32>
        %broadcast_in_dim3A_672 = vector.broadcast %squeeze3A_671 : f32 to vector<16xf32>
        %mul3A_673 = arith.constant 16 : i32
        %mul3A_674 = arith.muli %while3A_134, %mul3A_673 : i32
        %add3A_675 = arith.constant 15 : i32
        %add3A_676 = arith.addi %mul3A_674, %add3A_675 : i32
        %mul3A_677 = arith.mulf %broadcast_in_dim3A_672, %get3A_20 : vector<16xf32>
        %add3A_678 = arith.addf %mul3A_677, %get3A_44 : vector<16xf32>
        %swap3A_679 = arith.index_cast %add3A_676 : i32 to index
        %swap3A_680 = arith.constant 0 : index
        %swap3A_681 = tpu.vector_load %arg15[%swap3A_679, %swap3A_680] {strides = array<i32>} : memref<512x128xf32, #tpu.memory_space<vmem>>, vector<1x16xf32>,
        %swap3A_682 = vector.shape_cast %swap3A_681 : vector<1x16xf32> to vector<16xf32>
        %swap3A_683 = vector.shape_cast %add3A_678 : vector<16xf32> to vector<1x16xf32>
        tpu.vector_store %arg15[%swap3A_679, %swap3A_680], %swap3A_683 {strides = array<i32>} : memref<512x128xf32, #tpu.memory_space<vmem>>, vector<1x16xf32>,
        %mul3A_684 = arith.mulf %broadcast_in_dim3A_672, %get3A_23 : vector<16xf32>
        %add3A_685 = arith.addf %mul3A_684, %get3A_47 : vector<16xf32>
        %swap3A_686 = arith.index_cast %add3A_676 : i32 to index
        %swap3A_687 = arith.constant 16 : index
        %swap3A_688 = tpu.vector_load %arg15[%swap3A_686, %swap3A_687] {strides = array<i32>} : memref<512x128xf32, #tpu.memory_space<vmem>>, vector<1x16xf32>,
        %swap3A_689 = vector.shape_cast %swap3A_688 : vector<1x16xf32> to vector<16xf32>
        %swap3A_690 = vector.shape_cast %add3A_685 : vector<16xf32> to vector<1x16xf32>
        tpu.vector_store %arg15[%swap3A_686, %swap3A_687], %swap3A_690 {strides = array<i32>} : memref<512x128xf32, #tpu.memory_space<vmem>>, vector<1x16xf32>,
        %mul3A_691 = arith.mulf %broadcast_in_dim3A_672, %get3A_26 : vector<16xf32>
        %add3A_692 = arith.addf %mul3A_691, %get3A_50 : vector<16xf32>
        %swap3A_693 = arith.index_cast %add3A_676 : i32 to index
        %swap3A_694 = arith.constant 32 : index
        %swap3A_695 = tpu.vector_load %arg15[%swap3A_693, %swap3A_694] {strides = array<i32>} : memref<512x128xf32, #tpu.memory_space<vmem>>, vector<1x16xf32>,
        %swap3A_696 = vector.shape_cast %swap3A_695 : vector<1x16xf32> to vector<16xf32>
        %swap3A_697 = vector.shape_cast %add3A_692 : vector<16xf32> to vector<1x16xf32>
        tpu.vector_store %arg15[%swap3A_693, %swap3A_694], %swap3A_697 {strides = array<i32>} : memref<512x128xf32, #tpu.memory_space<vmem>>, vector<1x16xf32>,
        %mul3A_698 = arith.mulf %broadcast_in_dim3A_672, %get3A_29 : vector<16xf32>
        %add3A_699 = arith.addf %mul3A_698, %get3A_53 : vector<16xf32>
        %swap3A_700 = arith.index_cast %add3A_676 : i32 to index
        %swap3A_701 = arith.constant 48 : index
        %swap3A_702 = tpu.vector_load %arg15[%swap3A_700, %swap3A_701] {strides = array<i32>} : memref<512x128xf32, #tpu.memory_space<vmem>>, vector<1x16xf32>,
        %swap3A_703 = vector.shape_cast %swap3A_702 : vector<1x16xf32> to vector<16xf32>
        %swap3A_704 = vector.shape_cast %add3A_699 : vector<16xf32> to vector<1x16xf32>
        tpu.vector_store %arg15[%swap3A_700, %swap3A_701], %swap3A_704 {strides = array<i32>} : memref<512x128xf32, #tpu.memory_space<vmem>>, vector<1x16xf32>,
        %while3A_705 = arith.constant 0 : i32
        scf.yield %while3A_705 : i32
      }
      %mul3A_98 = arith.constant 8 : i32
      %mul3A_99 = arith.muli %scan3A_80, %mul3A_98 : i32
      %add3A_100 = arith.constant 1 : i32
      %add3A_101 = arith.addi %scan3A_80, %add3A_100 : i32
      %mul3A_102 = arith.constant 8 : i32
      %mul3A_103 = arith.muli %add3A_101, %mul3A_102 : i32
      %while3A_104 = arith.constant 0 : i32
      %while3A_105 = arith.subi %mul3A_103, %mul3A_99 : i32
      %while3A_106 = arith.addi %mul3A_99, %while3A_105 : i32
      %while3A_107 = arith.constant 1 : i32
      %while3A_108 = arith.divsi %while3A_105, %while3A_107 : i32
      %while3A_109 = arith.muli %while3A_108, %while3A_107 : i32
      %while3A_110 = arith.addi %mul3A_99, %while3A_109 : i32
      %while3A_111 = arith.constant 1 : i32
      %while3A_112 = scf.for %while3A_134 = %mul3A_99 to %while3A_110 step %while3A_111 iter_args(%while3A_135 = %while3A_104) -> (i32)  : i32 {
        %mul3A_136 = arith.constant 16 : i32
        %mul3A_137 = arith.muli %while3A_134, %mul3A_136 : i32
        %get3A_138 = arith.index_cast %mul3A_137 : i32 to index
        %get3A_139 = tpu.vector_load %arg12[%get3A_138] {strides = array<i32>} : memref<512xf32, #tpu.memory_space<vmem>>, vector<16xf32>,
        %get3A_140 = vector.shape_cast %get3A_139 : vector<16xf32> to vector<16xf32>
        %mul3A_141 = arith.constant 0.000000e+00 : f32
        %mul3A_142 = vector.broadcast %mul3A_141 : f32 to vector<16xf32>
        %mul3A_143 = arith.mulf %get3A_140, %mul3A_142 : vector<16xf32>
        %eq3A = arith.constant 0.000000e+00 : f32
        %eq3A_144 = vector.broadcast %eq3A : f32 to vector<16xf32>
        %eq3A_145 = arith.cmpf oeq, %mul3A_143, %eq3A_144 : vector<16xf32>
        %jit3A = arith.constant 1.000000e+00 : f32
        %broadcast_in_dim3A = vector.broadcast %jit3A : f32 to vector<16xf32>
        %select_n3A = arith.select %eq3A_145, %get3A_140, %broadcast_in_dim3A : vector<16xi1>, vector<16xf32>
        %max3A = arith.constant 1.000000e+00 : f32
        %max3A_146 = vector.broadcast %max3A : f32 to vector<16xf32>
        %max3A_147 = arith.maximumf %select_n3A, %max3A_146 : vector<16xf32>
        %slice3A = vector.extract_strided_slice %max3A_147 {offsets = [0], sizes = [1], strides = [1]} : vector<16xf32> to vector<1xf32>
        %squeeze3A = vector.extract %slice3A[0] : f32 from vector<1xf32>
        %broadcast_in_dim3A_148 = vector.broadcast %squeeze3A : f32 to vector<16xf32>
        %mul3A_149 = arith.constant 16 : i32
        %mul3A_150 = arith.muli %while3A_134, %mul3A_149 : i32
        %add3A_151 = arith.constant 0 : i32
        %add3A_152 = arith.addi %mul3A_150, %add3A_151 : i32
        %mul3A_153 = arith.mulf %broadcast_in_dim3A_148, %get3A_32 : vector<16xf32>
        %add3A_154 = arith.addf %mul3A_153, %get3A_56 : vector<16xf32>
        %swap3A = arith.index_cast %add3A_152 : i32 to index
        %swap3A_155 = arith.constant 64 : index
        %swap3A_156 = tpu.vector_load %arg15[%swap3A, %swap3A_155] {strides = array<i32>} : memref<512x128xf32, #tpu.memory_space<vmem>>, vector<1x16xf32>,
        %swap3A_157 = vector.shape_cast %swap3A_156 : vector<1x16xf32> to vector<16xf32>
        %swap3A_158 = vector.shape_cast %add3A_154 : vector<16xf32> to vector<1x16xf32>
        tpu.vector_store %arg15[%swap3A, %swap3A_155], %swap3A_158 {strides = array<i32>} : memref<512x128xf32, #tpu.memory_space<vmem>>, vector<1x16xf32>,
        %mul3A_159 = arith.mulf %broadcast_in_dim3A_148, %get3A_35 : vector<16xf32>
        %add3A_160 = arith.addf %mul3A_159, %get3A_59 : vector<16xf32>
        %swap3A_161 = arith.index_cast %add3A_152 : i32 to index
        %swap3A_162 = arith.constant 80 : index
        %swap3A_163 = tpu.vector_load %arg15[%swap3A_161, %swap3A_162] {strides = array<i32>} : memref<512x128xf32, #tpu.memory_space<vmem>>, vector<1x16xf32>,
        %swap3A_164 = vector.shape_cast %swap3A_163 : vector<1x16xf32> to vector<16xf32>
        %swap3A_165 = vector.shape_cast %add3A_160 : vector<16xf32> to vector<1x16xf32>
        tpu.vector_store %arg15[%swap3A_161, %swap3A_162], %swap3A_165 {strides = array<i32>} : memref<512x128xf32, #tpu.memory_space<vmem>>, vector<1x16xf32>,
        %mul3A_166 = arith.mulf %broadcast_in_dim3A_148, %get3A_38 : vector<16xf32>
        %add3A_167 = arith.addf %mul3A_166, %get3A_62 : vector<16xf32>
        %swap3A_168 = arith.index_cast %add3A_152 : i32 to index
        %swap3A_169 = arith.constant 96 : index
        %swap3A_170 = tpu.vector_load %arg15[%swap3A_168, %swap3A_169] {strides = array<i32>} : memref<512x128xf32, #tpu.memory_space<vmem>>, vector<1x16xf32>,
        %swap3A_171 = vector.shape_cast %swap3A_170 : vector<1x16xf32> to vector<16xf32>
        %swap3A_172 = vector.shape_cast %add3A_167 : vector<16xf32> to vector<1x16xf32>
        tpu.vector_store %arg15[%swap3A_168, %swap3A_169], %swap3A_172 {strides = array<i32>} : memref<512x128xf32, #tpu.memory_space<vmem>>, vector<1x16xf32>,
        %mul3A_173 = arith.mulf %broadcast_in_dim3A_148, %get3A_41 : vector<16xf32>
        %add3A_174 = arith.addf %mul3A_173, %get3A_65 : vector<16xf32>
        %swap3A_175 = arith.index_cast %add3A_152 : i32 to index
        %swap3A_176 = arith.constant 112 : index
        %swap3A_177 = tpu.vector_load %arg15[%swap3A_175, %swap3A_176] {strides = array<i32>} : memref<512x128xf32, #tpu.memory_space<vmem>>, vector<1x16xf32>,
        %swap3A_178 = vector.shape_cast %swap3A_177 : vector<1x16xf32> to vector<16xf32>
        %swap3A_179 = vector.shape_cast %add3A_174 : vector<16xf32> to vector<1x16xf32>
        tpu.vector_store %arg15[%swap3A_175, %swap3A_176], %swap3A_179 {strides = array<i32>} : memref<512x128xf32, #tpu.memory_space<vmem>>, vector<1x16xf32>,
        %slice3A_180 = vector.extract_strided_slice %max3A_147 {offsets = [1], sizes = [1], strides = [1]} : vector<16xf32> to vector<1xf32>
        %squeeze3A_181 = vector.extract %slice3A_180[0] : f32 from vector<1xf32>
        %broadcast_in_dim3A_182 = vector.broadcast %squeeze3A_181 : f32 to vector<16xf32>
        %mul3A_183 = arith.constant 16 : i32
        %mul3A_184 = arith.muli %while3A_134, %mul3A_183 : i32
        %add3A_185 = arith.constant 1 : i32
        %add3A_186 = arith.addi %mul3A_184, %add3A_185 : i32
        %mul3A_187 = arith.mulf %broadcast_in_dim3A_182, %get3A_32 : vector<16xf32>
        %add3A_188 = arith.addf %mul3A_187, %get3A_56 : vector<16xf32>
        %swap3A_189 = arith.index_cast %add3A_186 : i32 to index
        %swap3A_190 = arith.constant 64 : index
        %swap3A_191 = tpu.vector_load %arg15[%swap3A_189, %swap3A_190] {strides = array<i32>} : memref<512x128xf32, #tpu.memory_space<vmem>>, vector<1x16xf32>,
        %swap3A_192 = vector.shape_cast %swap3A_191 : vector<1x16xf32> to vector<16xf32>
        %swap3A_193 = vector.shape_cast %add3A_188 : vector<16xf32> to vector<1x16xf32>
        tpu.vector_store %arg15[%swap3A_189, %swap3A_190], %swap3A_193 {strides = array<i32>} : memref<512x128xf32, #tpu.memory_space<vmem>>, vector<1x16xf32>,
        %mul3A_194 = arith.mulf %broadcast_in_dim3A_182, %get3A_35 : vector<16xf32>
        %add3A_195 = arith.addf %mul3A_194, %get3A_59 : vector<16xf32>
        %swap3A_196 = arith.index_cast %add3A_186 : i32 to index
        %swap3A_197 = arith.constant 80 : index
        %swap3A_198 = tpu.vector_load %arg15[%swap3A_196, %swap3A_197] {strides = array<i32>} : memref<512x128xf32, #tpu.memory_space<vmem>>, vector<1x16xf32>,
        %swap3A_199 = vector.shape_cast %swap3A_198 : vector<1x16xf32> to vector<16xf32>
        %swap3A_200 = vector.shape_cast %add3A_195 : vector<16xf32> to vector<1x16xf32>
        tpu.vector_store %arg15[%swap3A_196, %swap3A_197], %swap3A_200 {strides = array<i32>} : memref<512x128xf32, #tpu.memory_space<vmem>>, vector<1x16xf32>,
        %mul3A_201 = arith.mulf %broadcast_in_dim3A_182, %get3A_38 : vector<16xf32>
        %add3A_202 = arith.addf %mul3A_201, %get3A_62 : vector<16xf32>
        %swap3A_203 = arith.index_cast %add3A_186 : i32 to index
        %swap3A_204 = arith.constant 96 : index
        %swap3A_205 = tpu.vector_load %arg15[%swap3A_203, %swap3A_204] {strides = array<i32>} : memref<512x128xf32, #tpu.memory_space<vmem>>, vector<1x16xf32>,
        %swap3A_206 = vector.shape_cast %swap3A_205 : vector<1x16xf32> to vector<16xf32>
        %swap3A_207 = vector.shape_cast %add3A_202 : vector<16xf32> to vector<1x16xf32>
        tpu.vector_store %arg15[%swap3A_203, %swap3A_204], %swap3A_207 {strides = array<i32>} : memref<512x128xf32, #tpu.memory_space<vmem>>, vector<1x16xf32>,
        %mul3A_208 = arith.mulf %broadcast_in_dim3A_182, %get3A_41 : vector<16xf32>
        %add3A_209 = arith.addf %mul3A_208, %get3A_65 : vector<16xf32>
        %swap3A_210 = arith.index_cast %add3A_186 : i32 to index
        %swap3A_211 = arith.constant 112 : index
        %swap3A_212 = tpu.vector_load %arg15[%swap3A_210, %swap3A_211] {strides = array<i32>} : memref<512x128xf32, #tpu.memory_space<vmem>>, vector<1x16xf32>,
        %swap3A_213 = vector.shape_cast %swap3A_212 : vector<1x16xf32> to vector<16xf32>
        %swap3A_214 = vector.shape_cast %add3A_209 : vector<16xf32> to vector<1x16xf32>
        tpu.vector_store %arg15[%swap3A_210, %swap3A_211], %swap3A_214 {strides = array<i32>} : memref<512x128xf32, #tpu.memory_space<vmem>>, vector<1x16xf32>,
        %slice3A_215 = vector.extract_strided_slice %max3A_147 {offsets = [2], sizes = [1], strides = [1]} : vector<16xf32> to vector<1xf32>
        %squeeze3A_216 = vector.extract %slice3A_215[0] : f32 from vector<1xf32>
        %broadcast_in_dim3A_217 = vector.broadcast %squeeze3A_216 : f32 to vector<16xf32>
        %mul3A_218 = arith.constant 16 : i32
        %mul3A_219 = arith.muli %while3A_134, %mul3A_218 : i32
        %add3A_220 = arith.constant 2 : i32
        %add3A_221 = arith.addi %mul3A_219, %add3A_220 : i32
        %mul3A_222 = arith.mulf %broadcast_in_dim3A_217, %get3A_32 : vector<16xf32>
        %add3A_223 = arith.addf %mul3A_222, %get3A_56 : vector<16xf32>
        %swap3A_224 = arith.index_cast %add3A_221 : i32 to index
        %swap3A_225 = arith.constant 64 : index
        %swap3A_226 = tpu.vector_load %arg15[%swap3A_224, %swap3A_225] {strides = array<i32>} : memref<512x128xf32, #tpu.memory_space<vmem>>, vector<1x16xf32>,
        %swap3A_227 = vector.shape_cast %swap3A_226 : vector<1x16xf32> to vector<16xf32>
        %swap3A_228 = vector.shape_cast %add3A_223 : vector<16xf32> to vector<1x16xf32>
        tpu.vector_store %arg15[%swap3A_224, %swap3A_225], %swap3A_228 {strides = array<i32>} : memref<512x128xf32, #tpu.memory_space<vmem>>, vector<1x16xf32>,
        %mul3A_229 = arith.mulf %broadcast_in_dim3A_217, %get3A_35 : vector<16xf32>
        %add3A_230 = arith.addf %mul3A_229, %get3A_59 : vector<16xf32>
        %swap3A_231 = arith.index_cast %add3A_221 : i32 to index
        %swap3A_232 = arith.constant 80 : index
        %swap3A_233 = tpu.vector_load %arg15[%swap3A_231, %swap3A_232] {strides = array<i32>} : memref<512x128xf32, #tpu.memory_space<vmem>>, vector<1x16xf32>,
        %swap3A_234 = vector.shape_cast %swap3A_233 : vector<1x16xf32> to vector<16xf32>
        %swap3A_235 = vector.shape_cast %add3A_230 : vector<16xf32> to vector<1x16xf32>
        tpu.vector_store %arg15[%swap3A_231, %swap3A_232], %swap3A_235 {strides = array<i32>} : memref<512x128xf32, #tpu.memory_space<vmem>>, vector<1x16xf32>,
        %mul3A_236 = arith.mulf %broadcast_in_dim3A_217, %get3A_38 : vector<16xf32>
        %add3A_237 = arith.addf %mul3A_236, %get3A_62 : vector<16xf32>
        %swap3A_238 = arith.index_cast %add3A_221 : i32 to index
        %swap3A_239 = arith.constant 96 : index
        %swap3A_240 = tpu.vector_load %arg15[%swap3A_238, %swap3A_239] {strides = array<i32>} : memref<512x128xf32, #tpu.memory_space<vmem>>, vector<1x16xf32>,
        %swap3A_241 = vector.shape_cast %swap3A_240 : vector<1x16xf32> to vector<16xf32>
        %swap3A_242 = vector.shape_cast %add3A_237 : vector<16xf32> to vector<1x16xf32>
        tpu.vector_store %arg15[%swap3A_238, %swap3A_239], %swap3A_242 {strides = array<i32>} : memref<512x128xf32, #tpu.memory_space<vmem>>, vector<1x16xf32>,
        %mul3A_243 = arith.mulf %broadcast_in_dim3A_217, %get3A_41 : vector<16xf32>
        %add3A_244 = arith.addf %mul3A_243, %get3A_65 : vector<16xf32>
        %swap3A_245 = arith.index_cast %add3A_221 : i32 to index
        %swap3A_246 = arith.constant 112 : index
        %swap3A_247 = tpu.vector_load %arg15[%swap3A_245, %swap3A_246] {strides = array<i32>} : memref<512x128xf32, #tpu.memory_space<vmem>>, vector<1x16xf32>,
        %swap3A_248 = vector.shape_cast %swap3A_247 : vector<1x16xf32> to vector<16xf32>
        %swap3A_249 = vector.shape_cast %add3A_244 : vector<16xf32> to vector<1x16xf32>
        tpu.vector_store %arg15[%swap3A_245, %swap3A_246], %swap3A_249 {strides = array<i32>} : memref<512x128xf32, #tpu.memory_space<vmem>>, vector<1x16xf32>,
        %slice3A_250 = vector.extract_strided_slice %max3A_147 {offsets = [3], sizes = [1], strides = [1]} : vector<16xf32> to vector<1xf32>
        %squeeze3A_251 = vector.extract %slice3A_250[0] : f32 from vector<1xf32>
        %broadcast_in_dim3A_252 = vector.broadcast %squeeze3A_251 : f32 to vector<16xf32>
        %mul3A_253 = arith.constant 16 : i32
        %mul3A_254 = arith.muli %while3A_134, %mul3A_253 : i32
        %add3A_255 = arith.constant 3 : i32
        %add3A_256 = arith.addi %mul3A_254, %add3A_255 : i32
        %mul3A_257 = arith.mulf %broadcast_in_dim3A_252, %get3A_32 : vector<16xf32>
        %add3A_258 = arith.addf %mul3A_257, %get3A_56 : vector<16xf32>
        %swap3A_259 = arith.index_cast %add3A_256 : i32 to index
        %swap3A_260 = arith.constant 64 : index
        %swap3A_261 = tpu.vector_load %arg15[%swap3A_259, %swap3A_260] {strides = array<i32>} : memref<512x128xf32, #tpu.memory_space<vmem>>, vector<1x16xf32>,
        %swap3A_262 = vector.shape_cast %swap3A_261 : vector<1x16xf32> to vector<16xf32>
        %swap3A_263 = vector.shape_cast %add3A_258 : vector<16xf32> to vector<1x16xf32>
        tpu.vector_store %arg15[%swap3A_259, %swap3A_260], %swap3A_263 {strides = array<i32>} : memref<512x128xf32, #tpu.memory_space<vmem>>, vector<1x16xf32>,
        %mul3A_264 = arith.mulf %broadcast_in_dim3A_252, %get3A_35 : vector<16xf32>
        %add3A_265 = arith.addf %mul3A_264, %get3A_59 : vector<16xf32>
        %swap3A_266 = arith.index_cast %add3A_256 : i32 to index
        %swap3A_267 = arith.constant 80 : index
        %swap3A_268 = tpu.vector_load %arg15[%swap3A_266, %swap3A_267] {strides = array<i32>} : memref<512x128xf32, #tpu.memory_space<vmem>>, vector<1x16xf32>,
        %swap3A_269 = vector.shape_cast %swap3A_268 : vector<1x16xf32> to vector<16xf32>
        %swap3A_270 = vector.shape_cast %add3A_265 : vector<16xf32> to vector<1x16xf32>
        tpu.vector_store %arg15[%swap3A_266, %swap3A_267], %swap3A_270 {strides = array<i32>} : memref<512x128xf32, #tpu.memory_space<vmem>>, vector<1x16xf32>,
        %mul3A_271 = arith.mulf %broadcast_in_dim3A_252, %get3A_38 : vector<16xf32>
        %add3A_272 = arith.addf %mul3A_271, %get3A_62 : vector<16xf32>
        %swap3A_273 = arith.index_cast %add3A_256 : i32 to index
        %swap3A_274 = arith.constant 96 : index
        %swap3A_275 = tpu.vector_load %arg15[%swap3A_273, %swap3A_274] {strides = array<i32>} : memref<512x128xf32, #tpu.memory_space<vmem>>, vector<1x16xf32>,
        %swap3A_276 = vector.shape_cast %swap3A_275 : vector<1x16xf32> to vector<16xf32>
        %swap3A_277 = vector.shape_cast %add3A_272 : vector<16xf32> to vector<1x16xf32>
        tpu.vector_store %arg15[%swap3A_273, %swap3A_274], %swap3A_277 {strides = array<i32>} : memref<512x128xf32, #tpu.memory_space<vmem>>, vector<1x16xf32>,
        %mul3A_278 = arith.mulf %broadcast_in_dim3A_252, %get3A_41 : vector<16xf32>
        %add3A_279 = arith.addf %mul3A_278, %get3A_65 : vector<16xf32>
        %swap3A_280 = arith.index_cast %add3A_256 : i32 to index
        %swap3A_281 = arith.constant 112 : index
        %swap3A_282 = tpu.vector_load %arg15[%swap3A_280, %swap3A_281] {strides = array<i32>} : memref<512x128xf32, #tpu.memory_space<vmem>>, vector<1x16xf32>,
        %swap3A_283 = vector.shape_cast %swap3A_282 : vector<1x16xf32> to vector<16xf32>
        %swap3A_284 = vector.shape_cast %add3A_279 : vector<16xf32> to vector<1x16xf32>
        tpu.vector_store %arg15[%swap3A_280, %swap3A_281], %swap3A_284 {strides = array<i32>} : memref<512x128xf32, #tpu.memory_space<vmem>>, vector<1x16xf32>,
        %slice3A_285 = vector.extract_strided_slice %max3A_147 {offsets = [4], sizes = [1], strides = [1]} : vector<16xf32> to vector<1xf32>
        %squeeze3A_286 = vector.extract %slice3A_285[0] : f32 from vector<1xf32>
        %broadcast_in_dim3A_287 = vector.broadcast %squeeze3A_286 : f32 to vector<16xf32>
        %mul3A_288 = arith.constant 16 : i32
        %mul3A_289 = arith.muli %while3A_134, %mul3A_288 : i32
        %add3A_290 = arith.constant 4 : i32
        %add3A_291 = arith.addi %mul3A_289, %add3A_290 : i32
        %mul3A_292 = arith.mulf %broadcast_in_dim3A_287, %get3A_32 : vector<16xf32>
        %add3A_293 = arith.addf %mul3A_292, %get3A_56 : vector<16xf32>
        %swap3A_294 = arith.index_cast %add3A_291 : i32 to index
        %swap3A_295 = arith.constant 64 : index
        %swap3A_296 = tpu.vector_load %arg15[%swap3A_294, %swap3A_295] {strides = array<i32>} : memref<512x128xf32, #tpu.memory_space<vmem>>, vector<1x16xf32>,
        %swap3A_297 = vector.shape_cast %swap3A_296 : vector<1x16xf32> to vector<16xf32>
        %swap3A_298 = vector.shape_cast %add3A_293 : vector<16xf32> to vector<1x16xf32>
        tpu.vector_store %arg15[%swap3A_294, %swap3A_295], %swap3A_298 {strides = array<i32>} : memref<512x128xf32, #tpu.memory_space<vmem>>, vector<1x16xf32>,
        %mul3A_299 = arith.mulf %broadcast_in_dim3A_287, %get3A_35 : vector<16xf32>
        %add3A_300 = arith.addf %mul3A_299, %get3A_59 : vector<16xf32>
        %swap3A_301 = arith.index_cast %add3A_291 : i32 to index
        %swap3A_302 = arith.constant 80 : index
        %swap3A_303 = tpu.vector_load %arg15[%swap3A_301, %swap3A_302] {strides = array<i32>} : memref<512x128xf32, #tpu.memory_space<vmem>>, vector<1x16xf32>,
        %swap3A_304 = vector.shape_cast %swap3A_303 : vector<1x16xf32> to vector<16xf32>
        %swap3A_305 = vector.shape_cast %add3A_300 : vector<16xf32> to vector<1x16xf32>
        tpu.vector_store %arg15[%swap3A_301, %swap3A_302], %swap3A_305 {strides = array<i32>} : memref<512x128xf32, #tpu.memory_space<vmem>>, vector<1x16xf32>,
        %mul3A_306 = arith.mulf %broadcast_in_dim3A_287, %get3A_38 : vector<16xf32>
        %add3A_307 = arith.addf %mul3A_306, %get3A_62 : vector<16xf32>
        %swap3A_308 = arith.index_cast %add3A_291 : i32 to index
        %swap3A_309 = arith.constant 96 : index
        %swap3A_310 = tpu.vector_load %arg15[%swap3A_308, %swap3A_309] {strides = array<i32>} : memref<512x128xf32, #tpu.memory_space<vmem>>, vector<1x16xf32>,
        %swap3A_311 = vector.shape_cast %swap3A_310 : vector<1x16xf32> to vector<16xf32>
        %swap3A_312 = vector.shape_cast %add3A_307 : vector<16xf32> to vector<1x16xf32>
        tpu.vector_store %arg15[%swap3A_308, %swap3A_309], %swap3A_312 {strides = array<i32>} : memref<512x128xf32, #tpu.memory_space<vmem>>, vector<1x16xf32>,
        %mul3A_313 = arith.mulf %broadcast_in_dim3A_287, %get3A_41 : vector<16xf32>
        %add3A_314 = arith.addf %mul3A_313, %get3A_65 : vector<16xf32>
        %swap3A_315 = arith.index_cast %add3A_291 : i32 to index
        %swap3A_316 = arith.constant 112 : index
        %swap3A_317 = tpu.vector_load %arg15[%swap3A_315, %swap3A_316] {strides = array<i32>} : memref<512x128xf32, #tpu.memory_space<vmem>>, vector<1x16xf32>,
        %swap3A_318 = vector.shape_cast %swap3A_317 : vector<1x16xf32> to vector<16xf32>
        %swap3A_319 = vector.shape_cast %add3A_314 : vector<16xf32> to vector<1x16xf32>
        tpu.vector_store %arg15[%swap3A_315, %swap3A_316], %swap3A_319 {strides = array<i32>} : memref<512x128xf32, #tpu.memory_space<vmem>>, vector<1x16xf32>,
        %slice3A_320 = vector.extract_strided_slice %max3A_147 {offsets = [5], sizes = [1], strides = [1]} : vector<16xf32> to vector<1xf32>
        %squeeze3A_321 = vector.extract %slice3A_320[0] : f32 from vector<1xf32>
        %broadcast_in_dim3A_322 = vector.broadcast %squeeze3A_321 : f32 to vector<16xf32>
        %mul3A_323 = arith.constant 16 : i32
        %mul3A_324 = arith.muli %while3A_134, %mul3A_323 : i32
        %add3A_325 = arith.constant 5 : i32
        %add3A_326 = arith.addi %mul3A_324, %add3A_325 : i32
        %mul3A_327 = arith.mulf %broadcast_in_dim3A_322, %get3A_32 : vector<16xf32>
        %add3A_328 = arith.addf %mul3A_327, %get3A_56 : vector<16xf32>
        %swap3A_329 = arith.index_cast %add3A_326 : i32 to index
        %swap3A_330 = arith.constant 64 : index
        %swap3A_331 = tpu.vector_load %arg15[%swap3A_329, %swap3A_330] {strides = array<i32>} : memref<512x128xf32, #tpu.memory_space<vmem>>, vector<1x16xf32>,
        %swap3A_332 = vector.shape_cast %swap3A_331 : vector<1x16xf32> to vector<16xf32>
        %swap3A_333 = vector.shape_cast %add3A_328 : vector<16xf32> to vector<1x16xf32>
        tpu.vector_store %arg15[%swap3A_329, %swap3A_330], %swap3A_333 {strides = array<i32>} : memref<512x128xf32, #tpu.memory_space<vmem>>, vector<1x16xf32>,
        %mul3A_334 = arith.mulf %broadcast_in_dim3A_322, %get3A_35 : vector<16xf32>
        %add3A_335 = arith.addf %mul3A_334, %get3A_59 : vector<16xf32>
        %swap3A_336 = arith.index_cast %add3A_326 : i32 to index
        %swap3A_337 = arith.constant 80 : index
        %swap3A_338 = tpu.vector_load %arg15[%swap3A_336, %swap3A_337] {strides = array<i32>} : memref<512x128xf32, #tpu.memory_space<vmem>>, vector<1x16xf32>,
        %swap3A_339 = vector.shape_cast %swap3A_338 : vector<1x16xf32> to vector<16xf32>
        %swap3A_340 = vector.shape_cast %add3A_335 : vector<16xf32> to vector<1x16xf32>
        tpu.vector_store %arg15[%swap3A_336, %swap3A_337], %swap3A_340 {strides = array<i32>} : memref<512x128xf32, #tpu.memory_space<vmem>>, vector<1x16xf32>,
        %mul3A_341 = arith.mulf %broadcast_in_dim3A_322, %get3A_38 : vector<16xf32>
        %add3A_342 = arith.addf %mul3A_341, %get3A_62 : vector<16xf32>
        %swap3A_343 = arith.index_cast %add3A_326 : i32 to index
        %swap3A_344 = arith.constant 96 : index
        %swap3A_345 = tpu.vector_load %arg15[%swap3A_343, %swap3A_344] {strides = array<i32>} : memref<512x128xf32, #tpu.memory_space<vmem>>, vector<1x16xf32>,
        %swap3A_346 = vector.shape_cast %swap3A_345 : vector<1x16xf32> to vector<16xf32>
        %swap3A_347 = vector.shape_cast %add3A_342 : vector<16xf32> to vector<1x16xf32>
        tpu.vector_store %arg15[%swap3A_343, %swap3A_344], %swap3A_347 {strides = array<i32>} : memref<512x128xf32, #tpu.memory_space<vmem>>, vector<1x16xf32>,
        %mul3A_348 = arith.mulf %broadcast_in_dim3A_322, %get3A_41 : vector<16xf32>
        %add3A_349 = arith.addf %mul3A_348, %get3A_65 : vector<16xf32>
        %swap3A_350 = arith.index_cast %add3A_326 : i32 to index
        %swap3A_351 = arith.constant 112 : index
        %swap3A_352 = tpu.vector_load %arg15[%swap3A_350, %swap3A_351] {strides = array<i32>} : memref<512x128xf32, #tpu.memory_space<vmem>>, vector<1x16xf32>,
        %swap3A_353 = vector.shape_cast %swap3A_352 : vector<1x16xf32> to vector<16xf32>
        %swap3A_354 = vector.shape_cast %add3A_349 : vector<16xf32> to vector<1x16xf32>
        tpu.vector_store %arg15[%swap3A_350, %swap3A_351], %swap3A_354 {strides = array<i32>} : memref<512x128xf32, #tpu.memory_space<vmem>>, vector<1x16xf32>,
        %slice3A_355 = vector.extract_strided_slice %max3A_147 {offsets = [6], sizes = [1], strides = [1]} : vector<16xf32> to vector<1xf32>
        %squeeze3A_356 = vector.extract %slice3A_355[0] : f32 from vector<1xf32>
        %broadcast_in_dim3A_357 = vector.broadcast %squeeze3A_356 : f32 to vector<16xf32>
        %mul3A_358 = arith.constant 16 : i32
        %mul3A_359 = arith.muli %while3A_134, %mul3A_358 : i32
        %add3A_360 = arith.constant 6 : i32
        %add3A_361 = arith.addi %mul3A_359, %add3A_360 : i32
        %mul3A_362 = arith.mulf %broadcast_in_dim3A_357, %get3A_32 : vector<16xf32>
        %add3A_363 = arith.addf %mul3A_362, %get3A_56 : vector<16xf32>
        %swap3A_364 = arith.index_cast %add3A_361 : i32 to index
        %swap3A_365 = arith.constant 64 : index
        %swap3A_366 = tpu.vector_load %arg15[%swap3A_364, %swap3A_365] {strides = array<i32>} : memref<512x128xf32, #tpu.memory_space<vmem>>, vector<1x16xf32>,
        %swap3A_367 = vector.shape_cast %swap3A_366 : vector<1x16xf32> to vector<16xf32>
        %swap3A_368 = vector.shape_cast %add3A_363 : vector<16xf32> to vector<1x16xf32>
        tpu.vector_store %arg15[%swap3A_364, %swap3A_365], %swap3A_368 {strides = array<i32>} : memref<512x128xf32, #tpu.memory_space<vmem>>, vector<1x16xf32>,
        %mul3A_369 = arith.mulf %broadcast_in_dim3A_357, %get3A_35 : vector<16xf32>
        %add3A_370 = arith.addf %mul3A_369, %get3A_59 : vector<16xf32>
        %swap3A_371 = arith.index_cast %add3A_361 : i32 to index
        %swap3A_372 = arith.constant 80 : index
        %swap3A_373 = tpu.vector_load %arg15[%swap3A_371, %swap3A_372] {strides = array<i32>} : memref<512x128xf32, #tpu.memory_space<vmem>>, vector<1x16xf32>,
        %swap3A_374 = vector.shape_cast %swap3A_373 : vector<1x16xf32> to vector<16xf32>
        %swap3A_375 = vector.shape_cast %add3A_370 : vector<16xf32> to vector<1x16xf32>
        tpu.vector_store %arg15[%swap3A_371, %swap3A_372], %swap3A_375 {strides = array<i32>} : memref<512x128xf32, #tpu.memory_space<vmem>>, vector<1x16xf32>,
        %mul3A_376 = arith.mulf %broadcast_in_dim3A_357, %get3A_38 : vector<16xf32>
        %add3A_377 = arith.addf %mul3A_376, %get3A_62 : vector<16xf32>
        %swap3A_378 = arith.index_cast %add3A_361 : i32 to index
        %swap3A_379 = arith.constant 96 : index
        %swap3A_380 = tpu.vector_load %arg15[%swap3A_378, %swap3A_379] {strides = array<i32>} : memref<512x128xf32, #tpu.memory_space<vmem>>, vector<1x16xf32>,
        %swap3A_381 = vector.shape_cast %swap3A_380 : vector<1x16xf32> to vector<16xf32>
        %swap3A_382 = vector.shape_cast %add3A_377 : vector<16xf32> to vector<1x16xf32>
        tpu.vector_store %arg15[%swap3A_378, %swap3A_379], %swap3A_382 {strides = array<i32>} : memref<512x128xf32, #tpu.memory_space<vmem>>, vector<1x16xf32>,
        %mul3A_383 = arith.mulf %broadcast_in_dim3A_357, %get3A_41 : vector<16xf32>
        %add3A_384 = arith.addf %mul3A_383, %get3A_65 : vector<16xf32>
        %swap3A_385 = arith.index_cast %add3A_361 : i32 to index
        %swap3A_386 = arith.constant 112 : index
        %swap3A_387 = tpu.vector_load %arg15[%swap3A_385, %swap3A_386] {strides = array<i32>} : memref<512x128xf32, #tpu.memory_space<vmem>>, vector<1x16xf32>,
        %swap3A_388 = vector.shape_cast %swap3A_387 : vector<1x16xf32> to vector<16xf32>
        %swap3A_389 = vector.shape_cast %add3A_384 : vector<16xf32> to vector<1x16xf32>
        tpu.vector_store %arg15[%swap3A_385, %swap3A_386], %swap3A_389 {strides = array<i32>} : memref<512x128xf32, #tpu.memory_space<vmem>>, vector<1x16xf32>,
        %slice3A_390 = vector.extract_strided_slice %max3A_147 {offsets = [7], sizes = [1], strides = [1]} : vector<16xf32> to vector<1xf32>
        %squeeze3A_391 = vector.extract %slice3A_390[0] : f32 from vector<1xf32>
        %broadcast_in_dim3A_392 = vector.broadcast %squeeze3A_391 : f32 to vector<16xf32>
        %mul3A_393 = arith.constant 16 : i32
        %mul3A_394 = arith.muli %while3A_134, %mul3A_393 : i32
        %add3A_395 = arith.constant 7 : i32
        %add3A_396 = arith.addi %mul3A_394, %add3A_395 : i32
        %mul3A_397 = arith.mulf %broadcast_in_dim3A_392, %get3A_32 : vector<16xf32>
        %add3A_398 = arith.addf %mul3A_397, %get3A_56 : vector<16xf32>
        %swap3A_399 = arith.index_cast %add3A_396 : i32 to index
        %swap3A_400 = arith.constant 64 : index
        %swap3A_401 = tpu.vector_load %arg15[%swap3A_399, %swap3A_400] {strides = array<i32>} : memref<512x128xf32, #tpu.memory_space<vmem>>, vector<1x16xf32>,
        %swap3A_402 = vector.shape_cast %swap3A_401 : vector<1x16xf32> to vector<16xf32>
        %swap3A_403 = vector.shape_cast %add3A_398 : vector<16xf32> to vector<1x16xf32>
        tpu.vector_store %arg15[%swap3A_399, %swap3A_400], %swap3A_403 {strides = array<i32>} : memref<512x128xf32, #tpu.memory_space<vmem>>, vector<1x16xf32>,
        %mul3A_404 = arith.mulf %broadcast_in_dim3A_392, %get3A_35 : vector<16xf32>
        %add3A_405 = arith.addf %mul3A_404, %get3A_59 : vector<16xf32>
        %swap3A_406 = arith.index_cast %add3A_396 : i32 to index
        %swap3A_407 = arith.constant 80 : index
        %swap3A_408 = tpu.vector_load %arg15[%swap3A_406, %swap3A_407] {strides = array<i32>} : memref<512x128xf32, #tpu.memory_space<vmem>>, vector<1x16xf32>,
        %swap3A_409 = vector.shape_cast %swap3A_408 : vector<1x16xf32> to vector<16xf32>
        %swap3A_410 = vector.shape_cast %add3A_405 : vector<16xf32> to vector<1x16xf32>
        tpu.vector_store %arg15[%swap3A_406, %swap3A_407], %swap3A_410 {strides = array<i32>} : memref<512x128xf32, #tpu.memory_space<vmem>>, vector<1x16xf32>,
        %mul3A_411 = arith.mulf %broadcast_in_dim3A_392, %get3A_38 : vector<16xf32>
        %add3A_412 = arith.addf %mul3A_411, %get3A_62 : vector<16xf32>
        %swap3A_413 = arith.index_cast %add3A_396 : i32 to index
        %swap3A_414 = arith.constant 96 : index
        %swap3A_415 = tpu.vector_load %arg15[%swap3A_413, %swap3A_414] {strides = array<i32>} : memref<512x128xf32, #tpu.memory_space<vmem>>, vector<1x16xf32>,
        %swap3A_416 = vector.shape_cast %swap3A_415 : vector<1x16xf32> to vector<16xf32>
        %swap3A_417 = vector.shape_cast %add3A_412 : vector<16xf32> to vector<1x16xf32>
        tpu.vector_store %arg15[%swap3A_413, %swap3A_414], %swap3A_417 {strides = array<i32>} : memref<512x128xf32, #tpu.memory_space<vmem>>, vector<1x16xf32>,
        %mul3A_418 = arith.mulf %broadcast_in_dim3A_392, %get3A_41 : vector<16xf32>
        %add3A_419 = arith.addf %mul3A_418, %get3A_65 : vector<16xf32>
        %swap3A_420 = arith.index_cast %add3A_396 : i32 to index
        %swap3A_421 = arith.constant 112 : index
        %swap3A_422 = tpu.vector_load %arg15[%swap3A_420, %swap3A_421] {strides = array<i32>} : memref<512x128xf32, #tpu.memory_space<vmem>>, vector<1x16xf32>,
        %swap3A_423 = vector.shape_cast %swap3A_422 : vector<1x16xf32> to vector<16xf32>
        %swap3A_424 = vector.shape_cast %add3A_419 : vector<16xf32> to vector<1x16xf32>
        tpu.vector_store %arg15[%swap3A_420, %swap3A_421], %swap3A_424 {strides = array<i32>} : memref<512x128xf32, #tpu.memory_space<vmem>>, vector<1x16xf32>,
        %slice3A_425 = vector.extract_strided_slice %max3A_147 {offsets = [8], sizes = [1], strides = [1]} : vector<16xf32> to vector<1xf32>
        %squeeze3A_426 = vector.extract %slice3A_425[0] : f32 from vector<1xf32>
        %broadcast_in_dim3A_427 = vector.broadcast %squeeze3A_426 : f32 to vector<16xf32>
        %mul3A_428 = arith.constant 16 : i32
        %mul3A_429 = arith.muli %while3A_134, %mul3A_428 : i32
        %add3A_430 = arith.constant 8 : i32
        %add3A_431 = arith.addi %mul3A_429, %add3A_430 : i32
        %mul3A_432 = arith.mulf %broadcast_in_dim3A_427, %get3A_32 : vector<16xf32>
        %add3A_433 = arith.addf %mul3A_432, %get3A_56 : vector<16xf32>
        %swap3A_434 = arith.index_cast %add3A_431 : i32 to index
        %swap3A_435 = arith.constant 64 : index
        %swap3A_436 = tpu.vector_load %arg15[%swap3A_434, %swap3A_435] {strides = array<i32>} : memref<512x128xf32, #tpu.memory_space<vmem>>, vector<1x16xf32>,
        %swap3A_437 = vector.shape_cast %swap3A_436 : vector<1x16xf32> to vector<16xf32>
        %swap3A_438 = vector.shape_cast %add3A_433 : vector<16xf32> to vector<1x16xf32>
        tpu.vector_store %arg15[%swap3A_434, %swap3A_435], %swap3A_438 {strides = array<i32>} : memref<512x128xf32, #tpu.memory_space<vmem>>, vector<1x16xf32>,
        %mul3A_439 = arith.mulf %broadcast_in_dim3A_427, %get3A_35 : vector<16xf32>
        %add3A_440 = arith.addf %mul3A_439, %get3A_59 : vector<16xf32>
        %swap3A_441 = arith.index_cast %add3A_431 : i32 to index
        %swap3A_442 = arith.constant 80 : index
        %swap3A_443 = tpu.vector_load %arg15[%swap3A_441, %swap3A_442] {strides = array<i32>} : memref<512x128xf32, #tpu.memory_space<vmem>>, vector<1x16xf32>,
        %swap3A_444 = vector.shape_cast %swap3A_443 : vector<1x16xf32> to vector<16xf32>
        %swap3A_445 = vector.shape_cast %add3A_440 : vector<16xf32> to vector<1x16xf32>
        tpu.vector_store %arg15[%swap3A_441, %swap3A_442], %swap3A_445 {strides = array<i32>} : memref<512x128xf32, #tpu.memory_space<vmem>>, vector<1x16xf32>,
        %mul3A_446 = arith.mulf %broadcast_in_dim3A_427, %get3A_38 : vector<16xf32>
        %add3A_447 = arith.addf %mul3A_446, %get3A_62 : vector<16xf32>
        %swap3A_448 = arith.index_cast %add3A_431 : i32 to index
        %swap3A_449 = arith.constant 96 : index
        %swap3A_450 = tpu.vector_load %arg15[%swap3A_448, %swap3A_449] {strides = array<i32>} : memref<512x128xf32, #tpu.memory_space<vmem>>, vector<1x16xf32>,
        %swap3A_451 = vector.shape_cast %swap3A_450 : vector<1x16xf32> to vector<16xf32>
        %swap3A_452 = vector.shape_cast %add3A_447 : vector<16xf32> to vector<1x16xf32>
        tpu.vector_store %arg15[%swap3A_448, %swap3A_449], %swap3A_452 {strides = array<i32>} : memref<512x128xf32, #tpu.memory_space<vmem>>, vector<1x16xf32>,
        %mul3A_453 = arith.mulf %broadcast_in_dim3A_427, %get3A_41 : vector<16xf32>
        %add3A_454 = arith.addf %mul3A_453, %get3A_65 : vector<16xf32>
        %swap3A_455 = arith.index_cast %add3A_431 : i32 to index
        %swap3A_456 = arith.constant 112 : index
        %swap3A_457 = tpu.vector_load %arg15[%swap3A_455, %swap3A_456] {strides = array<i32>} : memref<512x128xf32, #tpu.memory_space<vmem>>, vector<1x16xf32>,
        %swap3A_458 = vector.shape_cast %swap3A_457 : vector<1x16xf32> to vector<16xf32>
        %swap3A_459 = vector.shape_cast %add3A_454 : vector<16xf32> to vector<1x16xf32>
        tpu.vector_store %arg15[%swap3A_455, %swap3A_456], %swap3A_459 {strides = array<i32>} : memref<512x128xf32, #tpu.memory_space<vmem>>, vector<1x16xf32>,
        %slice3A_460 = vector.extract_strided_slice %max3A_147 {offsets = [9], sizes = [1], strides = [1]} : vector<16xf32> to vector<1xf32>
        %squeeze3A_461 = vector.extract %slice3A_460[0] : f32 from vector<1xf32>
        %broadcast_in_dim3A_462 = vector.broadcast %squeeze3A_461 : f32 to vector<16xf32>
        %mul3A_463 = arith.constant 16 : i32
        %mul3A_464 = arith.muli %while3A_134, %mul3A_463 : i32
        %add3A_465 = arith.constant 9 : i32
        %add3A_466 = arith.addi %mul3A_464, %add3A_465 : i32
        %mul3A_467 = arith.mulf %broadcast_in_dim3A_462, %get3A_32 : vector<16xf32>
        %add3A_468 = arith.addf %mul3A_467, %get3A_56 : vector<16xf32>
        %swap3A_469 = arith.index_cast %add3A_466 : i32 to index
        %swap3A_470 = arith.constant 64 : index
        %swap3A_471 = tpu.vector_load %arg15[%swap3A_469, %swap3A_470] {strides = array<i32>} : memref<512x128xf32, #tpu.memory_space<vmem>>, vector<1x16xf32>,
        %swap3A_472 = vector.shape_cast %swap3A_471 : vector<1x16xf32> to vector<16xf32>
        %swap3A_473 = vector.shape_cast %add3A_468 : vector<16xf32> to vector<1x16xf32>
        tpu.vector_store %arg15[%swap3A_469, %swap3A_470], %swap3A_473 {strides = array<i32>} : memref<512x128xf32, #tpu.memory_space<vmem>>, vector<1x16xf32>,
        %mul3A_474 = arith.mulf %broadcast_in_dim3A_462, %get3A_35 : vector<16xf32>
        %add3A_475 = arith.addf %mul3A_474, %get3A_59 : vector<16xf32>
        %swap3A_476 = arith.index_cast %add3A_466 : i32 to index
        %swap3A_477 = arith.constant 80 : index
        %swap3A_478 = tpu.vector_load %arg15[%swap3A_476, %swap3A_477] {strides = array<i32>} : memref<512x128xf32, #tpu.memory_space<vmem>>, vector<1x16xf32>,
        %swap3A_479 = vector.shape_cast %swap3A_478 : vector<1x16xf32> to vector<16xf32>
        %swap3A_480 = vector.shape_cast %add3A_475 : vector<16xf32> to vector<1x16xf32>
        tpu.vector_store %arg15[%swap3A_476, %swap3A_477], %swap3A_480 {strides = array<i32>} : memref<512x128xf32, #tpu.memory_space<vmem>>, vector<1x16xf32>,
        %mul3A_481 = arith.mulf %broadcast_in_dim3A_462, %get3A_38 : vector<16xf32>
        %add3A_482 = arith.addf %mul3A_481, %get3A_62 : vector<16xf32>
        %swap3A_483 = arith.index_cast %add3A_466 : i32 to index
        %swap3A_484 = arith.constant 96 : index
        %swap3A_485 = tpu.vector_load %arg15[%swap3A_483, %swap3A_484] {strides = array<i32>} : memref<512x128xf32, #tpu.memory_space<vmem>>, vector<1x16xf32>,
        %swap3A_486 = vector.shape_cast %swap3A_485 : vector<1x16xf32> to vector<16xf32>
        %swap3A_487 = vector.shape_cast %add3A_482 : vector<16xf32> to vector<1x16xf32>
        tpu.vector_store %arg15[%swap3A_483, %swap3A_484], %swap3A_487 {strides = array<i32>} : memref<512x128xf32, #tpu.memory_space<vmem>>, vector<1x16xf32>,
        %mul3A_488 = arith.mulf %broadcast_in_dim3A_462, %get3A_41 : vector<16xf32>
        %add3A_489 = arith.addf %mul3A_488, %get3A_65 : vector<16xf32>
        %swap3A_490 = arith.index_cast %add3A_466 : i32 to index
        %swap3A_491 = arith.constant 112 : index
        %swap3A_492 = tpu.vector_load %arg15[%swap3A_490, %swap3A_491] {strides = array<i32>} : memref<512x128xf32, #tpu.memory_space<vmem>>, vector<1x16xf32>,
        %swap3A_493 = vector.shape_cast %swap3A_492 : vector<1x16xf32> to vector<16xf32>
        %swap3A_494 = vector.shape_cast %add3A_489 : vector<16xf32> to vector<1x16xf32>
        tpu.vector_store %arg15[%swap3A_490, %swap3A_491], %swap3A_494 {strides = array<i32>} : memref<512x128xf32, #tpu.memory_space<vmem>>, vector<1x16xf32>,
        %slice3A_495 = vector.extract_strided_slice %max3A_147 {offsets = [10], sizes = [1], strides = [1]} : vector<16xf32> to vector<1xf32>
        %squeeze3A_496 = vector.extract %slice3A_495[0] : f32 from vector<1xf32>
        %broadcast_in_dim3A_497 = vector.broadcast %squeeze3A_496 : f32 to vector<16xf32>
        %mul3A_498 = arith.constant 16 : i32
        %mul3A_499 = arith.muli %while3A_134, %mul3A_498 : i32
        %add3A_500 = arith.constant 10 : i32
        %add3A_501 = arith.addi %mul3A_499, %add3A_500 : i32
        %mul3A_502 = arith.mulf %broadcast_in_dim3A_497, %get3A_32 : vector<16xf32>
        %add3A_503 = arith.addf %mul3A_502, %get3A_56 : vector<16xf32>
        %swap3A_504 = arith.index_cast %add3A_501 : i32 to index
        %swap3A_505 = arith.constant 64 : index
        %swap3A_506 = tpu.vector_load %arg15[%swap3A_504, %swap3A_505] {strides = array<i32>} : memref<512x128xf32, #tpu.memory_space<vmem>>, vector<1x16xf32>,
        %swap3A_507 = vector.shape_cast %swap3A_506 : vector<1x16xf32> to vector<16xf32>
        %swap3A_508 = vector.shape_cast %add3A_503 : vector<16xf32> to vector<1x16xf32>
        tpu.vector_store %arg15[%swap3A_504, %swap3A_505], %swap3A_508 {strides = array<i32>} : memref<512x128xf32, #tpu.memory_space<vmem>>, vector<1x16xf32>,
        %mul3A_509 = arith.mulf %broadcast_in_dim3A_497, %get3A_35 : vector<16xf32>
        %add3A_510 = arith.addf %mul3A_509, %get3A_59 : vector<16xf32>
        %swap3A_511 = arith.index_cast %add3A_501 : i32 to index
        %swap3A_512 = arith.constant 80 : index
        %swap3A_513 = tpu.vector_load %arg15[%swap3A_511, %swap3A_512] {strides = array<i32>} : memref<512x128xf32, #tpu.memory_space<vmem>>, vector<1x16xf32>,
        %swap3A_514 = vector.shape_cast %swap3A_513 : vector<1x16xf32> to vector<16xf32>
        %swap3A_515 = vector.shape_cast %add3A_510 : vector<16xf32> to vector<1x16xf32>
        tpu.vector_store %arg15[%swap3A_511, %swap3A_512], %swap3A_515 {strides = array<i32>} : memref<512x128xf32, #tpu.memory_space<vmem>>, vector<1x16xf32>,
        %mul3A_516 = arith.mulf %broadcast_in_dim3A_497, %get3A_38 : vector<16xf32>
        %add3A_517 = arith.addf %mul3A_516, %get3A_62 : vector<16xf32>
        %swap3A_518 = arith.index_cast %add3A_501 : i32 to index
        %swap3A_519 = arith.constant 96 : index
        %swap3A_520 = tpu.vector_load %arg15[%swap3A_518, %swap3A_519] {strides = array<i32>} : memref<512x128xf32, #tpu.memory_space<vmem>>, vector<1x16xf32>,
        %swap3A_521 = vector.shape_cast %swap3A_520 : vector<1x16xf32> to vector<16xf32>
        %swap3A_522 = vector.shape_cast %add3A_517 : vector<16xf32> to vector<1x16xf32>
        tpu.vector_store %arg15[%swap3A_518, %swap3A_519], %swap3A_522 {strides = array<i32>} : memref<512x128xf32, #tpu.memory_space<vmem>>, vector<1x16xf32>,
        %mul3A_523 = arith.mulf %broadcast_in_dim3A_497, %get3A_41 : vector<16xf32>
        %add3A_524 = arith.addf %mul3A_523, %get3A_65 : vector<16xf32>
        %swap3A_525 = arith.index_cast %add3A_501 : i32 to index
        %swap3A_526 = arith.constant 112 : index
        %swap3A_527 = tpu.vector_load %arg15[%swap3A_525, %swap3A_526] {strides = array<i32>} : memref<512x128xf32, #tpu.memory_space<vmem>>, vector<1x16xf32>,
        %swap3A_528 = vector.shape_cast %swap3A_527 : vector<1x16xf32> to vector<16xf32>
        %swap3A_529 = vector.shape_cast %add3A_524 : vector<16xf32> to vector<1x16xf32>
        tpu.vector_store %arg15[%swap3A_525, %swap3A_526], %swap3A_529 {strides = array<i32>} : memref<512x128xf32, #tpu.memory_space<vmem>>, vector<1x16xf32>,
        %slice3A_530 = vector.extract_strided_slice %max3A_147 {offsets = [11], sizes = [1], strides = [1]} : vector<16xf32> to vector<1xf32>
        %squeeze3A_531 = vector.extract %slice3A_530[0] : f32 from vector<1xf32>
        %broadcast_in_dim3A_532 = vector.broadcast %squeeze3A_531 : f32 to vector<16xf32>
        %mul3A_533 = arith.constant 16 : i32
        %mul3A_534 = arith.muli %while3A_134, %mul3A_533 : i32
        %add3A_535 = arith.constant 11 : i32
        %add3A_536 = arith.addi %mul3A_534, %add3A_535 : i32
        %mul3A_537 = arith.mulf %broadcast_in_dim3A_532, %get3A_32 : vector<16xf32>
        %add3A_538 = arith.addf %mul3A_537, %get3A_56 : vector<16xf32>
        %swap3A_539 = arith.index_cast %add3A_536 : i32 to index
        %swap3A_540 = arith.constant 64 : index
        %swap3A_541 = tpu.vector_load %arg15[%swap3A_539, %swap3A_540] {strides = array<i32>} : memref<512x128xf32, #tpu.memory_space<vmem>>, vector<1x16xf32>,
        %swap3A_542 = vector.shape_cast %swap3A_541 : vector<1x16xf32> to vector<16xf32>
        %swap3A_543 = vector.shape_cast %add3A_538 : vector<16xf32> to vector<1x16xf32>
        tpu.vector_store %arg15[%swap3A_539, %swap3A_540], %swap3A_543 {strides = array<i32>} : memref<512x128xf32, #tpu.memory_space<vmem>>, vector<1x16xf32>,
        %mul3A_544 = arith.mulf %broadcast_in_dim3A_532, %get3A_35 : vector<16xf32>
        %add3A_545 = arith.addf %mul3A_544, %get3A_59 : vector<16xf32>
        %swap3A_546 = arith.index_cast %add3A_536 : i32 to index
        %swap3A_547 = arith.constant 80 : index
        %swap3A_548 = tpu.vector_load %arg15[%swap3A_546, %swap3A_547] {strides = array<i32>} : memref<512x128xf32, #tpu.memory_space<vmem>>, vector<1x16xf32>,
        %swap3A_549 = vector.shape_cast %swap3A_548 : vector<1x16xf32> to vector<16xf32>
        %swap3A_550 = vector.shape_cast %add3A_545 : vector<16xf32> to vector<1x16xf32>
        tpu.vector_store %arg15[%swap3A_546, %swap3A_547], %swap3A_550 {strides = array<i32>} : memref<512x128xf32, #tpu.memory_space<vmem>>, vector<1x16xf32>,
        %mul3A_551 = arith.mulf %broadcast_in_dim3A_532, %get3A_38 : vector<16xf32>
        %add3A_552 = arith.addf %mul3A_551, %get3A_62 : vector<16xf32>
        %swap3A_553 = arith.index_cast %add3A_536 : i32 to index
        %swap3A_554 = arith.constant 96 : index
        %swap3A_555 = tpu.vector_load %arg15[%swap3A_553, %swap3A_554] {strides = array<i32>} : memref<512x128xf32, #tpu.memory_space<vmem>>, vector<1x16xf32>,
        %swap3A_556 = vector.shape_cast %swap3A_555 : vector<1x16xf32> to vector<16xf32>
        %swap3A_557 = vector.shape_cast %add3A_552 : vector<16xf32> to vector<1x16xf32>
        tpu.vector_store %arg15[%swap3A_553, %swap3A_554], %swap3A_557 {strides = array<i32>} : memref<512x128xf32, #tpu.memory_space<vmem>>, vector<1x16xf32>,
        %mul3A_558 = arith.mulf %broadcast_in_dim3A_532, %get3A_41 : vector<16xf32>
        %add3A_559 = arith.addf %mul3A_558, %get3A_65 : vector<16xf32>
        %swap3A_560 = arith.index_cast %add3A_536 : i32 to index
        %swap3A_561 = arith.constant 112 : index
        %swap3A_562 = tpu.vector_load %arg15[%swap3A_560, %swap3A_561] {strides = array<i32>} : memref<512x128xf32, #tpu.memory_space<vmem>>, vector<1x16xf32>,
        %swap3A_563 = vector.shape_cast %swap3A_562 : vector<1x16xf32> to vector<16xf32>
        %swap3A_564 = vector.shape_cast %add3A_559 : vector<16xf32> to vector<1x16xf32>
        tpu.vector_store %arg15[%swap3A_560, %swap3A_561], %swap3A_564 {strides = array<i32>} : memref<512x128xf32, #tpu.memory_space<vmem>>, vector<1x16xf32>,
        %slice3A_565 = vector.extract_strided_slice %max3A_147 {offsets = [12], sizes = [1], strides = [1]} : vector<16xf32> to vector<1xf32>
        %squeeze3A_566 = vector.extract %slice3A_565[0] : f32 from vector<1xf32>
        %broadcast_in_dim3A_567 = vector.broadcast %squeeze3A_566 : f32 to vector<16xf32>
        %mul3A_568 = arith.constant 16 : i32
        %mul3A_569 = arith.muli %while3A_134, %mul3A_568 : i32
        %add3A_570 = arith.constant 12 : i32
        %add3A_571 = arith.addi %mul3A_569, %add3A_570 : i32
        %mul3A_572 = arith.mulf %broadcast_in_dim3A_567, %get3A_32 : vector<16xf32>
        %add3A_573 = arith.addf %mul3A_572, %get3A_56 : vector<16xf32>
        %swap3A_574 = arith.index_cast %add3A_571 : i32 to index
        %swap3A_575 = arith.constant 64 : index
        %swap3A_576 = tpu.vector_load %arg15[%swap3A_574, %swap3A_575] {strides = array<i32>} : memref<512x128xf32, #tpu.memory_space<vmem>>, vector<1x16xf32>,
        %swap3A_577 = vector.shape_cast %swap3A_576 : vector<1x16xf32> to vector<16xf32>
        %swap3A_578 = vector.shape_cast %add3A_573 : vector<16xf32> to vector<1x16xf32>
        tpu.vector_store %arg15[%swap3A_574, %swap3A_575], %swap3A_578 {strides = array<i32>} : memref<512x128xf32, #tpu.memory_space<vmem>>, vector<1x16xf32>,
        %mul3A_579 = arith.mulf %broadcast_in_dim3A_567, %get3A_35 : vector<16xf32>
        %add3A_580 = arith.addf %mul3A_579, %get3A_59 : vector<16xf32>
        %swap3A_581 = arith.index_cast %add3A_571 : i32 to index
        %swap3A_582 = arith.constant 80 : index
        %swap3A_583 = tpu.vector_load %arg15[%swap3A_581, %swap3A_582] {strides = array<i32>} : memref<512x128xf32, #tpu.memory_space<vmem>>, vector<1x16xf32>,
        %swap3A_584 = vector.shape_cast %swap3A_583 : vector<1x16xf32> to vector<16xf32>
        %swap3A_585 = vector.shape_cast %add3A_580 : vector<16xf32> to vector<1x16xf32>
        tpu.vector_store %arg15[%swap3A_581, %swap3A_582], %swap3A_585 {strides = array<i32>} : memref<512x128xf32, #tpu.memory_space<vmem>>, vector<1x16xf32>,
        %mul3A_586 = arith.mulf %broadcast_in_dim3A_567, %get3A_38 : vector<16xf32>
        %add3A_587 = arith.addf %mul3A_586, %get3A_62 : vector<16xf32>
        %swap3A_588 = arith.index_cast %add3A_571 : i32 to index
        %swap3A_589 = arith.constant 96 : index
        %swap3A_590 = tpu.vector_load %arg15[%swap3A_588, %swap3A_589] {strides = array<i32>} : memref<512x128xf32, #tpu.memory_space<vmem>>, vector<1x16xf32>,
        %swap3A_591 = vector.shape_cast %swap3A_590 : vector<1x16xf32> to vector<16xf32>
        %swap3A_592 = vector.shape_cast %add3A_587 : vector<16xf32> to vector<1x16xf32>
        tpu.vector_store %arg15[%swap3A_588, %swap3A_589], %swap3A_592 {strides = array<i32>} : memref<512x128xf32, #tpu.memory_space<vmem>>, vector<1x16xf32>,
        %mul3A_593 = arith.mulf %broadcast_in_dim3A_567, %get3A_41 : vector<16xf32>
        %add3A_594 = arith.addf %mul3A_593, %get3A_65 : vector<16xf32>
        %swap3A_595 = arith.index_cast %add3A_571 : i32 to index
        %swap3A_596 = arith.constant 112 : index
        %swap3A_597 = tpu.vector_load %arg15[%swap3A_595, %swap3A_596] {strides = array<i32>} : memref<512x128xf32, #tpu.memory_space<vmem>>, vector<1x16xf32>,
        %swap3A_598 = vector.shape_cast %swap3A_597 : vector<1x16xf32> to vector<16xf32>
        %swap3A_599 = vector.shape_cast %add3A_594 : vector<16xf32> to vector<1x16xf32>
        tpu.vector_store %arg15[%swap3A_595, %swap3A_596], %swap3A_599 {strides = array<i32>} : memref<512x128xf32, #tpu.memory_space<vmem>>, vector<1x16xf32>,
        %slice3A_600 = vector.extract_strided_slice %max3A_147 {offsets = [13], sizes = [1], strides = [1]} : vector<16xf32> to vector<1xf32>
        %squeeze3A_601 = vector.extract %slice3A_600[0] : f32 from vector<1xf32>
        %broadcast_in_dim3A_602 = vector.broadcast %squeeze3A_601 : f32 to vector<16xf32>
        %mul3A_603 = arith.constant 16 : i32
        %mul3A_604 = arith.muli %while3A_134, %mul3A_603 : i32
        %add3A_605 = arith.constant 13 : i32
        %add3A_606 = arith.addi %mul3A_604, %add3A_605 : i32
        %mul3A_607 = arith.mulf %broadcast_in_dim3A_602, %get3A_32 : vector<16xf32>
        %add3A_608 = arith.addf %mul3A_607, %get3A_56 : vector<16xf32>
        %swap3A_609 = arith.index_cast %add3A_606 : i32 to index
        %swap3A_610 = arith.constant 64 : index
        %swap3A_611 = tpu.vector_load %arg15[%swap3A_609, %swap3A_610] {strides = array<i32>} : memref<512x128xf32, #tpu.memory_space<vmem>>, vector<1x16xf32>,
        %swap3A_612 = vector.shape_cast %swap3A_611 : vector<1x16xf32> to vector<16xf32>
        %swap3A_613 = vector.shape_cast %add3A_608 : vector<16xf32> to vector<1x16xf32>
        tpu.vector_store %arg15[%swap3A_609, %swap3A_610], %swap3A_613 {strides = array<i32>} : memref<512x128xf32, #tpu.memory_space<vmem>>, vector<1x16xf32>,
        %mul3A_614 = arith.mulf %broadcast_in_dim3A_602, %get3A_35 : vector<16xf32>
        %add3A_615 = arith.addf %mul3A_614, %get3A_59 : vector<16xf32>
        %swap3A_616 = arith.index_cast %add3A_606 : i32 to index
        %swap3A_617 = arith.constant 80 : index
        %swap3A_618 = tpu.vector_load %arg15[%swap3A_616, %swap3A_617] {strides = array<i32>} : memref<512x128xf32, #tpu.memory_space<vmem>>, vector<1x16xf32>,
        %swap3A_619 = vector.shape_cast %swap3A_618 : vector<1x16xf32> to vector<16xf32>
        %swap3A_620 = vector.shape_cast %add3A_615 : vector<16xf32> to vector<1x16xf32>
        tpu.vector_store %arg15[%swap3A_616, %swap3A_617], %swap3A_620 {strides = array<i32>} : memref<512x128xf32, #tpu.memory_space<vmem>>, vector<1x16xf32>,
        %mul3A_621 = arith.mulf %broadcast_in_dim3A_602, %get3A_38 : vector<16xf32>
        %add3A_622 = arith.addf %mul3A_621, %get3A_62 : vector<16xf32>
        %swap3A_623 = arith.index_cast %add3A_606 : i32 to index
        %swap3A_624 = arith.constant 96 : index
        %swap3A_625 = tpu.vector_load %arg15[%swap3A_623, %swap3A_624] {strides = array<i32>} : memref<512x128xf32, #tpu.memory_space<vmem>>, vector<1x16xf32>,
        %swap3A_626 = vector.shape_cast %swap3A_625 : vector<1x16xf32> to vector<16xf32>
        %swap3A_627 = vector.shape_cast %add3A_622 : vector<16xf32> to vector<1x16xf32>
        tpu.vector_store %arg15[%swap3A_623, %swap3A_624], %swap3A_627 {strides = array<i32>} : memref<512x128xf32, #tpu.memory_space<vmem>>, vector<1x16xf32>,
        %mul3A_628 = arith.mulf %broadcast_in_dim3A_602, %get3A_41 : vector<16xf32>
        %add3A_629 = arith.addf %mul3A_628, %get3A_65 : vector<16xf32>
        %swap3A_630 = arith.index_cast %add3A_606 : i32 to index
        %swap3A_631 = arith.constant 112 : index
        %swap3A_632 = tpu.vector_load %arg15[%swap3A_630, %swap3A_631] {strides = array<i32>} : memref<512x128xf32, #tpu.memory_space<vmem>>, vector<1x16xf32>,
        %swap3A_633 = vector.shape_cast %swap3A_632 : vector<1x16xf32> to vector<16xf32>
        %swap3A_634 = vector.shape_cast %add3A_629 : vector<16xf32> to vector<1x16xf32>
        tpu.vector_store %arg15[%swap3A_630, %swap3A_631], %swap3A_634 {strides = array<i32>} : memref<512x128xf32, #tpu.memory_space<vmem>>, vector<1x16xf32>,
        %slice3A_635 = vector.extract_strided_slice %max3A_147 {offsets = [14], sizes = [1], strides = [1]} : vector<16xf32> to vector<1xf32>
        %squeeze3A_636 = vector.extract %slice3A_635[0] : f32 from vector<1xf32>
        %broadcast_in_dim3A_637 = vector.broadcast %squeeze3A_636 : f32 to vector<16xf32>
        %mul3A_638 = arith.constant 16 : i32
        %mul3A_639 = arith.muli %while3A_134, %mul3A_638 : i32
        %add3A_640 = arith.constant 14 : i32
        %add3A_641 = arith.addi %mul3A_639, %add3A_640 : i32
        %mul3A_642 = arith.mulf %broadcast_in_dim3A_637, %get3A_32 : vector<16xf32>
        %add3A_643 = arith.addf %mul3A_642, %get3A_56 : vector<16xf32>
        %swap3A_644 = arith.index_cast %add3A_641 : i32 to index
        %swap3A_645 = arith.constant 64 : index
        %swap3A_646 = tpu.vector_load %arg15[%swap3A_644, %swap3A_645] {strides = array<i32>} : memref<512x128xf32, #tpu.memory_space<vmem>>, vector<1x16xf32>,
        %swap3A_647 = vector.shape_cast %swap3A_646 : vector<1x16xf32> to vector<16xf32>
        %swap3A_648 = vector.shape_cast %add3A_643 : vector<16xf32> to vector<1x16xf32>
        tpu.vector_store %arg15[%swap3A_644, %swap3A_645], %swap3A_648 {strides = array<i32>} : memref<512x128xf32, #tpu.memory_space<vmem>>, vector<1x16xf32>,
        %mul3A_649 = arith.mulf %broadcast_in_dim3A_637, %get3A_35 : vector<16xf32>
        %add3A_650 = arith.addf %mul3A_649, %get3A_59 : vector<16xf32>
        %swap3A_651 = arith.index_cast %add3A_641 : i32 to index
        %swap3A_652 = arith.constant 80 : index
        %swap3A_653 = tpu.vector_load %arg15[%swap3A_651, %swap3A_652] {strides = array<i32>} : memref<512x128xf32, #tpu.memory_space<vmem>>, vector<1x16xf32>,
        %swap3A_654 = vector.shape_cast %swap3A_653 : vector<1x16xf32> to vector<16xf32>
        %swap3A_655 = vector.shape_cast %add3A_650 : vector<16xf32> to vector<1x16xf32>
        tpu.vector_store %arg15[%swap3A_651, %swap3A_652], %swap3A_655 {strides = array<i32>} : memref<512x128xf32, #tpu.memory_space<vmem>>, vector<1x16xf32>,
        %mul3A_656 = arith.mulf %broadcast_in_dim3A_637, %get3A_38 : vector<16xf32>
        %add3A_657 = arith.addf %mul3A_656, %get3A_62 : vector<16xf32>
        %swap3A_658 = arith.index_cast %add3A_641 : i32 to index
        %swap3A_659 = arith.constant 96 : index
        %swap3A_660 = tpu.vector_load %arg15[%swap3A_658, %swap3A_659] {strides = array<i32>} : memref<512x128xf32, #tpu.memory_space<vmem>>, vector<1x16xf32>,
        %swap3A_661 = vector.shape_cast %swap3A_660 : vector<1x16xf32> to vector<16xf32>
        %swap3A_662 = vector.shape_cast %add3A_657 : vector<16xf32> to vector<1x16xf32>
        tpu.vector_store %arg15[%swap3A_658, %swap3A_659], %swap3A_662 {strides = array<i32>} : memref<512x128xf32, #tpu.memory_space<vmem>>, vector<1x16xf32>,
        %mul3A_663 = arith.mulf %broadcast_in_dim3A_637, %get3A_41 : vector<16xf32>
        %add3A_664 = arith.addf %mul3A_663, %get3A_65 : vector<16xf32>
        %swap3A_665 = arith.index_cast %add3A_641 : i32 to index
        %swap3A_666 = arith.constant 112 : index
        %swap3A_667 = tpu.vector_load %arg15[%swap3A_665, %swap3A_666] {strides = array<i32>} : memref<512x128xf32, #tpu.memory_space<vmem>>, vector<1x16xf32>,
        %swap3A_668 = vector.shape_cast %swap3A_667 : vector<1x16xf32> to vector<16xf32>
        %swap3A_669 = vector.shape_cast %add3A_664 : vector<16xf32> to vector<1x16xf32>
        tpu.vector_store %arg15[%swap3A_665, %swap3A_666], %swap3A_669 {strides = array<i32>} : memref<512x128xf32, #tpu.memory_space<vmem>>, vector<1x16xf32>,
        %slice3A_670 = vector.extract_strided_slice %max3A_147 {offsets = [15], sizes = [1], strides = [1]} : vector<16xf32> to vector<1xf32>
        %squeeze3A_671 = vector.extract %slice3A_670[0] : f32 from vector<1xf32>
        %broadcast_in_dim3A_672 = vector.broadcast %squeeze3A_671 : f32 to vector<16xf32>
        %mul3A_673 = arith.constant 16 : i32
        %mul3A_674 = arith.muli %while3A_134, %mul3A_673 : i32
        %add3A_675 = arith.constant 15 : i32
        %add3A_676 = arith.addi %mul3A_674, %add3A_675 : i32
        %mul3A_677 = arith.mulf %broadcast_in_dim3A_672, %get3A_32 : vector<16xf32>
        %add3A_678 = arith.addf %mul3A_677, %get3A_56 : vector<16xf32>
        %swap3A_679 = arith.index_cast %add3A_676 : i32 to index
        %swap3A_680 = arith.constant 64 : index
        %swap3A_681 = tpu.vector_load %arg15[%swap3A_679, %swap3A_680] {strides = array<i32>} : memref<512x128xf32, #tpu.memory_space<vmem>>, vector<1x16xf32>,
        %swap3A_682 = vector.shape_cast %swap3A_681 : vector<1x16xf32> to vector<16xf32>
        %swap3A_683 = vector.shape_cast %add3A_678 : vector<16xf32> to vector<1x16xf32>
        tpu.vector_store %arg15[%swap3A_679, %swap3A_680], %swap3A_683 {strides = array<i32>} : memref<512x128xf32, #tpu.memory_space<vmem>>, vector<1x16xf32>,
        %mul3A_684 = arith.mulf %broadcast_in_dim3A_672, %get3A_35 : vector<16xf32>
        %add3A_685 = arith.addf %mul3A_684, %get3A_59 : vector<16xf32>
        %swap3A_686 = arith.index_cast %add3A_676 : i32 to index
        %swap3A_687 = arith.constant 80 : index
        %swap3A_688 = tpu.vector_load %arg15[%swap3A_686, %swap3A_687] {strides = array<i32>} : memref<512x128xf32, #tpu.memory_space<vmem>>, vector<1x16xf32>,
        %swap3A_689 = vector.shape_cast %swap3A_688 : vector<1x16xf32> to vector<16xf32>
        %swap3A_690 = vector.shape_cast %add3A_685 : vector<16xf32> to vector<1x16xf32>
        tpu.vector_store %arg15[%swap3A_686, %swap3A_687], %swap3A_690 {strides = array<i32>} : memref<512x128xf32, #tpu.memory_space<vmem>>, vector<1x16xf32>,
        %mul3A_691 = arith.mulf %broadcast_in_dim3A_672, %get3A_38 : vector<16xf32>
        %add3A_692 = arith.addf %mul3A_691, %get3A_62 : vector<16xf32>
        %swap3A_693 = arith.index_cast %add3A_676 : i32 to index
        %swap3A_694 = arith.constant 96 : index
        %swap3A_695 = tpu.vector_load %arg15[%swap3A_693, %swap3A_694] {strides = array<i32>} : memref<512x128xf32, #tpu.memory_space<vmem>>, vector<1x16xf32>,
        %swap3A_696 = vector.shape_cast %swap3A_695 : vector<1x16xf32> to vector<16xf32>
        %swap3A_697 = vector.shape_cast %add3A_692 : vector<16xf32> to vector<1x16xf32>
        tpu.vector_store %arg15[%swap3A_693, %swap3A_694], %swap3A_697 {strides = array<i32>} : memref<512x128xf32, #tpu.memory_space<vmem>>, vector<1x16xf32>,
        %mul3A_698 = arith.mulf %broadcast_in_dim3A_672, %get3A_41 : vector<16xf32>
        %add3A_699 = arith.addf %mul3A_698, %get3A_65 : vector<16xf32>
        %swap3A_700 = arith.index_cast %add3A_676 : i32 to index
        %swap3A_701 = arith.constant 112 : index
        %swap3A_702 = tpu.vector_load %arg15[%swap3A_700, %swap3A_701] {strides = array<i32>} : memref<512x128xf32, #tpu.memory_space<vmem>>, vector<1x16xf32>,
        %swap3A_703 = vector.shape_cast %swap3A_702 : vector<1x16xf32> to vector<16xf32>
        %swap3A_704 = vector.shape_cast %add3A_699 : vector<16xf32> to vector<1x16xf32>
        tpu.vector_store %arg15[%swap3A_700, %swap3A_701], %swap3A_704 {strides = array<i32>} : memref<512x128xf32, #tpu.memory_space<vmem>>, vector<1x16xf32>,
        %while3A_705 = arith.constant 0 : i32
        scf.yield %while3A_705 : i32
      }
      %while3A_113 = arith.constant 1 : i32
      %while3A_114 = scf.for %while3A_134 = %while3A_110 to %while3A_106 step %while3A_113 iter_args(%while3A_135 = %while3A_112) -> (i32)  : i32 {
        %mul3A_136 = arith.constant 16 : i32
        %mul3A_137 = arith.muli %while3A_134, %mul3A_136 : i32
        %get3A_138 = arith.index_cast %mul3A_137 : i32 to index
        %get3A_139 = tpu.vector_load %arg12[%get3A_138] {strides = array<i32>} : memref<512xf32, #tpu.memory_space<vmem>>, vector<16xf32>,
        %get3A_140 = vector.shape_cast %get3A_139 : vector<16xf32> to vector<16xf32>
        %mul3A_141 = arith.constant 0.000000e+00 : f32
        %mul3A_142 = vector.broadcast %mul3A_141 : f32 to vector<16xf32>
        %mul3A_143 = arith.mulf %get3A_140, %mul3A_142 : vector<16xf32>
        %eq3A = arith.constant 0.000000e+00 : f32
        %eq3A_144 = vector.broadcast %eq3A : f32 to vector<16xf32>
        %eq3A_145 = arith.cmpf oeq, %mul3A_143, %eq3A_144 : vector<16xf32>
        %jit3A = arith.constant 1.000000e+00 : f32
        %broadcast_in_dim3A = vector.broadcast %jit3A : f32 to vector<16xf32>
        %select_n3A = arith.select %eq3A_145, %get3A_140, %broadcast_in_dim3A : vector<16xi1>, vector<16xf32>
        %max3A = arith.constant 1.000000e+00 : f32
        %max3A_146 = vector.broadcast %max3A : f32 to vector<16xf32>
        %max3A_147 = arith.maximumf %select_n3A, %max3A_146 : vector<16xf32>
        %slice3A = vector.extract_strided_slice %max3A_147 {offsets = [0], sizes = [1], strides = [1]} : vector<16xf32> to vector<1xf32>
        %squeeze3A = vector.extract %slice3A[0] : f32 from vector<1xf32>
        %broadcast_in_dim3A_148 = vector.broadcast %squeeze3A : f32 to vector<16xf32>
        %mul3A_149 = arith.constant 16 : i32
        %mul3A_150 = arith.muli %while3A_134, %mul3A_149 : i32
        %add3A_151 = arith.constant 0 : i32
        %add3A_152 = arith.addi %mul3A_150, %add3A_151 : i32
        %mul3A_153 = arith.mulf %broadcast_in_dim3A_148, %get3A_32 : vector<16xf32>
        %add3A_154 = arith.addf %mul3A_153, %get3A_56 : vector<16xf32>
        %swap3A = arith.index_cast %add3A_152 : i32 to index
        %swap3A_155 = arith.constant 64 : index
        %swap3A_156 = tpu.vector_load %arg15[%swap3A, %swap3A_155] {strides = array<i32>} : memref<512x128xf32, #tpu.memory_space<vmem>>, vector<1x16xf32>,
        %swap3A_157 = vector.shape_cast %swap3A_156 : vector<1x16xf32> to vector<16xf32>
        %swap3A_158 = vector.shape_cast %add3A_154 : vector<16xf32> to vector<1x16xf32>
        tpu.vector_store %arg15[%swap3A, %swap3A_155], %swap3A_158 {strides = array<i32>} : memref<512x128xf32, #tpu.memory_space<vmem>>, vector<1x16xf32>,
        %mul3A_159 = arith.mulf %broadcast_in_dim3A_148, %get3A_35 : vector<16xf32>
        %add3A_160 = arith.addf %mul3A_159, %get3A_59 : vector<16xf32>
        %swap3A_161 = arith.index_cast %add3A_152 : i32 to index
        %swap3A_162 = arith.constant 80 : index
        %swap3A_163 = tpu.vector_load %arg15[%swap3A_161, %swap3A_162] {strides = array<i32>} : memref<512x128xf32, #tpu.memory_space<vmem>>, vector<1x16xf32>,
        %swap3A_164 = vector.shape_cast %swap3A_163 : vector<1x16xf32> to vector<16xf32>
        %swap3A_165 = vector.shape_cast %add3A_160 : vector<16xf32> to vector<1x16xf32>
        tpu.vector_store %arg15[%swap3A_161, %swap3A_162], %swap3A_165 {strides = array<i32>} : memref<512x128xf32, #tpu.memory_space<vmem>>, vector<1x16xf32>,
        %mul3A_166 = arith.mulf %broadcast_in_dim3A_148, %get3A_38 : vector<16xf32>
        %add3A_167 = arith.addf %mul3A_166, %get3A_62 : vector<16xf32>
        %swap3A_168 = arith.index_cast %add3A_152 : i32 to index
        %swap3A_169 = arith.constant 96 : index
        %swap3A_170 = tpu.vector_load %arg15[%swap3A_168, %swap3A_169] {strides = array<i32>} : memref<512x128xf32, #tpu.memory_space<vmem>>, vector<1x16xf32>,
        %swap3A_171 = vector.shape_cast %swap3A_170 : vector<1x16xf32> to vector<16xf32>
        %swap3A_172 = vector.shape_cast %add3A_167 : vector<16xf32> to vector<1x16xf32>
        tpu.vector_store %arg15[%swap3A_168, %swap3A_169], %swap3A_172 {strides = array<i32>} : memref<512x128xf32, #tpu.memory_space<vmem>>, vector<1x16xf32>,
        %mul3A_173 = arith.mulf %broadcast_in_dim3A_148, %get3A_41 : vector<16xf32>
        %add3A_174 = arith.addf %mul3A_173, %get3A_65 : vector<16xf32>
        %swap3A_175 = arith.index_cast %add3A_152 : i32 to index
        %swap3A_176 = arith.constant 112 : index
        %swap3A_177 = tpu.vector_load %arg15[%swap3A_175, %swap3A_176] {strides = array<i32>} : memref<512x128xf32, #tpu.memory_space<vmem>>, vector<1x16xf32>,
        %swap3A_178 = vector.shape_cast %swap3A_177 : vector<1x16xf32> to vector<16xf32>
        %swap3A_179 = vector.shape_cast %add3A_174 : vector<16xf32> to vector<1x16xf32>
        tpu.vector_store %arg15[%swap3A_175, %swap3A_176], %swap3A_179 {strides = array<i32>} : memref<512x128xf32, #tpu.memory_space<vmem>>, vector<1x16xf32>,
        %slice3A_180 = vector.extract_strided_slice %max3A_147 {offsets = [1], sizes = [1], strides = [1]} : vector<16xf32> to vector<1xf32>
        %squeeze3A_181 = vector.extract %slice3A_180[0] : f32 from vector<1xf32>
        %broadcast_in_dim3A_182 = vector.broadcast %squeeze3A_181 : f32 to vector<16xf32>
        %mul3A_183 = arith.constant 16 : i32
        %mul3A_184 = arith.muli %while3A_134, %mul3A_183 : i32
        %add3A_185 = arith.constant 1 : i32
        %add3A_186 = arith.addi %mul3A_184, %add3A_185 : i32
        %mul3A_187 = arith.mulf %broadcast_in_dim3A_182, %get3A_32 : vector<16xf32>
        %add3A_188 = arith.addf %mul3A_187, %get3A_56 : vector<16xf32>
        %swap3A_189 = arith.index_cast %add3A_186 : i32 to index
        %swap3A_190 = arith.constant 64 : index
        %swap3A_191 = tpu.vector_load %arg15[%swap3A_189, %swap3A_190] {strides = array<i32>} : memref<512x128xf32, #tpu.memory_space<vmem>>, vector<1x16xf32>,
        %swap3A_192 = vector.shape_cast %swap3A_191 : vector<1x16xf32> to vector<16xf32>
        %swap3A_193 = vector.shape_cast %add3A_188 : vector<16xf32> to vector<1x16xf32>
        tpu.vector_store %arg15[%swap3A_189, %swap3A_190], %swap3A_193 {strides = array<i32>} : memref<512x128xf32, #tpu.memory_space<vmem>>, vector<1x16xf32>,
        %mul3A_194 = arith.mulf %broadcast_in_dim3A_182, %get3A_35 : vector<16xf32>
        %add3A_195 = arith.addf %mul3A_194, %get3A_59 : vector<16xf32>
        %swap3A_196 = arith.index_cast %add3A_186 : i32 to index
        %swap3A_197 = arith.constant 80 : index
        %swap3A_198 = tpu.vector_load %arg15[%swap3A_196, %swap3A_197] {strides = array<i32>} : memref<512x128xf32, #tpu.memory_space<vmem>>, vector<1x16xf32>,
        %swap3A_199 = vector.shape_cast %swap3A_198 : vector<1x16xf32> to vector<16xf32>
        %swap3A_200 = vector.shape_cast %add3A_195 : vector<16xf32> to vector<1x16xf32>
        tpu.vector_store %arg15[%swap3A_196, %swap3A_197], %swap3A_200 {strides = array<i32>} : memref<512x128xf32, #tpu.memory_space<vmem>>, vector<1x16xf32>,
        %mul3A_201 = arith.mulf %broadcast_in_dim3A_182, %get3A_38 : vector<16xf32>
        %add3A_202 = arith.addf %mul3A_201, %get3A_62 : vector<16xf32>
        %swap3A_203 = arith.index_cast %add3A_186 : i32 to index
        %swap3A_204 = arith.constant 96 : index
        %swap3A_205 = tpu.vector_load %arg15[%swap3A_203, %swap3A_204] {strides = array<i32>} : memref<512x128xf32, #tpu.memory_space<vmem>>, vector<1x16xf32>,
        %swap3A_206 = vector.shape_cast %swap3A_205 : vector<1x16xf32> to vector<16xf32>
        %swap3A_207 = vector.shape_cast %add3A_202 : vector<16xf32> to vector<1x16xf32>
        tpu.vector_store %arg15[%swap3A_203, %swap3A_204], %swap3A_207 {strides = array<i32>} : memref<512x128xf32, #tpu.memory_space<vmem>>, vector<1x16xf32>,
        %mul3A_208 = arith.mulf %broadcast_in_dim3A_182, %get3A_41 : vector<16xf32>
        %add3A_209 = arith.addf %mul3A_208, %get3A_65 : vector<16xf32>
        %swap3A_210 = arith.index_cast %add3A_186 : i32 to index
        %swap3A_211 = arith.constant 112 : index
        %swap3A_212 = tpu.vector_load %arg15[%swap3A_210, %swap3A_211] {strides = array<i32>} : memref<512x128xf32, #tpu.memory_space<vmem>>, vector<1x16xf32>,
        %swap3A_213 = vector.shape_cast %swap3A_212 : vector<1x16xf32> to vector<16xf32>
        %swap3A_214 = vector.shape_cast %add3A_209 : vector<16xf32> to vector<1x16xf32>
        tpu.vector_store %arg15[%swap3A_210, %swap3A_211], %swap3A_214 {strides = array<i32>} : memref<512x128xf32, #tpu.memory_space<vmem>>, vector<1x16xf32>,
        %slice3A_215 = vector.extract_strided_slice %max3A_147 {offsets = [2], sizes = [1], strides = [1]} : vector<16xf32> to vector<1xf32>
        %squeeze3A_216 = vector.extract %slice3A_215[0] : f32 from vector<1xf32>
        %broadcast_in_dim3A_217 = vector.broadcast %squeeze3A_216 : f32 to vector<16xf32>
        %mul3A_218 = arith.constant 16 : i32
        %mul3A_219 = arith.muli %while3A_134, %mul3A_218 : i32
        %add3A_220 = arith.constant 2 : i32
        %add3A_221 = arith.addi %mul3A_219, %add3A_220 : i32
        %mul3A_222 = arith.mulf %broadcast_in_dim3A_217, %get3A_32 : vector<16xf32>
        %add3A_223 = arith.addf %mul3A_222, %get3A_56 : vector<16xf32>
        %swap3A_224 = arith.index_cast %add3A_221 : i32 to index
        %swap3A_225 = arith.constant 64 : index
        %swap3A_226 = tpu.vector_load %arg15[%swap3A_224, %swap3A_225] {strides = array<i32>} : memref<512x128xf32, #tpu.memory_space<vmem>>, vector<1x16xf32>,
        %swap3A_227 = vector.shape_cast %swap3A_226 : vector<1x16xf32> to vector<16xf32>
        %swap3A_228 = vector.shape_cast %add3A_223 : vector<16xf32> to vector<1x16xf32>
        tpu.vector_store %arg15[%swap3A_224, %swap3A_225], %swap3A_228 {strides = array<i32>} : memref<512x128xf32, #tpu.memory_space<vmem>>, vector<1x16xf32>,
        %mul3A_229 = arith.mulf %broadcast_in_dim3A_217, %get3A_35 : vector<16xf32>
        %add3A_230 = arith.addf %mul3A_229, %get3A_59 : vector<16xf32>
        %swap3A_231 = arith.index_cast %add3A_221 : i32 to index
        %swap3A_232 = arith.constant 80 : index
        %swap3A_233 = tpu.vector_load %arg15[%swap3A_231, %swap3A_232] {strides = array<i32>} : memref<512x128xf32, #tpu.memory_space<vmem>>, vector<1x16xf32>,
        %swap3A_234 = vector.shape_cast %swap3A_233 : vector<1x16xf32> to vector<16xf32>
        %swap3A_235 = vector.shape_cast %add3A_230 : vector<16xf32> to vector<1x16xf32>
        tpu.vector_store %arg15[%swap3A_231, %swap3A_232], %swap3A_235 {strides = array<i32>} : memref<512x128xf32, #tpu.memory_space<vmem>>, vector<1x16xf32>,
        %mul3A_236 = arith.mulf %broadcast_in_dim3A_217, %get3A_38 : vector<16xf32>
        %add3A_237 = arith.addf %mul3A_236, %get3A_62 : vector<16xf32>
        %swap3A_238 = arith.index_cast %add3A_221 : i32 to index
        %swap3A_239 = arith.constant 96 : index
        %swap3A_240 = tpu.vector_load %arg15[%swap3A_238, %swap3A_239] {strides = array<i32>} : memref<512x128xf32, #tpu.memory_space<vmem>>, vector<1x16xf32>,
        %swap3A_241 = vector.shape_cast %swap3A_240 : vector<1x16xf32> to vector<16xf32>
        %swap3A_242 = vector.shape_cast %add3A_237 : vector<16xf32> to vector<1x16xf32>
        tpu.vector_store %arg15[%swap3A_238, %swap3A_239], %swap3A_242 {strides = array<i32>} : memref<512x128xf32, #tpu.memory_space<vmem>>, vector<1x16xf32>,
        %mul3A_243 = arith.mulf %broadcast_in_dim3A_217, %get3A_41 : vector<16xf32>
        %add3A_244 = arith.addf %mul3A_243, %get3A_65 : vector<16xf32>
        %swap3A_245 = arith.index_cast %add3A_221 : i32 to index
        %swap3A_246 = arith.constant 112 : index
        %swap3A_247 = tpu.vector_load %arg15[%swap3A_245, %swap3A_246] {strides = array<i32>} : memref<512x128xf32, #tpu.memory_space<vmem>>, vector<1x16xf32>,
        %swap3A_248 = vector.shape_cast %swap3A_247 : vector<1x16xf32> to vector<16xf32>
        %swap3A_249 = vector.shape_cast %add3A_244 : vector<16xf32> to vector<1x16xf32>
        tpu.vector_store %arg15[%swap3A_245, %swap3A_246], %swap3A_249 {strides = array<i32>} : memref<512x128xf32, #tpu.memory_space<vmem>>, vector<1x16xf32>,
        %slice3A_250 = vector.extract_strided_slice %max3A_147 {offsets = [3], sizes = [1], strides = [1]} : vector<16xf32> to vector<1xf32>
        %squeeze3A_251 = vector.extract %slice3A_250[0] : f32 from vector<1xf32>
        %broadcast_in_dim3A_252 = vector.broadcast %squeeze3A_251 : f32 to vector<16xf32>
        %mul3A_253 = arith.constant 16 : i32
        %mul3A_254 = arith.muli %while3A_134, %mul3A_253 : i32
        %add3A_255 = arith.constant 3 : i32
        %add3A_256 = arith.addi %mul3A_254, %add3A_255 : i32
        %mul3A_257 = arith.mulf %broadcast_in_dim3A_252, %get3A_32 : vector<16xf32>
        %add3A_258 = arith.addf %mul3A_257, %get3A_56 : vector<16xf32>
        %swap3A_259 = arith.index_cast %add3A_256 : i32 to index
        %swap3A_260 = arith.constant 64 : index
        %swap3A_261 = tpu.vector_load %arg15[%swap3A_259, %swap3A_260] {strides = array<i32>} : memref<512x128xf32, #tpu.memory_space<vmem>>, vector<1x16xf32>,
        %swap3A_262 = vector.shape_cast %swap3A_261 : vector<1x16xf32> to vector<16xf32>
        %swap3A_263 = vector.shape_cast %add3A_258 : vector<16xf32> to vector<1x16xf32>
        tpu.vector_store %arg15[%swap3A_259, %swap3A_260], %swap3A_263 {strides = array<i32>} : memref<512x128xf32, #tpu.memory_space<vmem>>, vector<1x16xf32>,
        %mul3A_264 = arith.mulf %broadcast_in_dim3A_252, %get3A_35 : vector<16xf32>
        %add3A_265 = arith.addf %mul3A_264, %get3A_59 : vector<16xf32>
        %swap3A_266 = arith.index_cast %add3A_256 : i32 to index
        %swap3A_267 = arith.constant 80 : index
        %swap3A_268 = tpu.vector_load %arg15[%swap3A_266, %swap3A_267] {strides = array<i32>} : memref<512x128xf32, #tpu.memory_space<vmem>>, vector<1x16xf32>,
        %swap3A_269 = vector.shape_cast %swap3A_268 : vector<1x16xf32> to vector<16xf32>
        %swap3A_270 = vector.shape_cast %add3A_265 : vector<16xf32> to vector<1x16xf32>
        tpu.vector_store %arg15[%swap3A_266, %swap3A_267], %swap3A_270 {strides = array<i32>} : memref<512x128xf32, #tpu.memory_space<vmem>>, vector<1x16xf32>,
        %mul3A_271 = arith.mulf %broadcast_in_dim3A_252, %get3A_38 : vector<16xf32>
        %add3A_272 = arith.addf %mul3A_271, %get3A_62 : vector<16xf32>
        %swap3A_273 = arith.index_cast %add3A_256 : i32 to index
        %swap3A_274 = arith.constant 96 : index
        %swap3A_275 = tpu.vector_load %arg15[%swap3A_273, %swap3A_274] {strides = array<i32>} : memref<512x128xf32, #tpu.memory_space<vmem>>, vector<1x16xf32>,
        %swap3A_276 = vector.shape_cast %swap3A_275 : vector<1x16xf32> to vector<16xf32>
        %swap3A_277 = vector.shape_cast %add3A_272 : vector<16xf32> to vector<1x16xf32>
        tpu.vector_store %arg15[%swap3A_273, %swap3A_274], %swap3A_277 {strides = array<i32>} : memref<512x128xf32, #tpu.memory_space<vmem>>, vector<1x16xf32>,
        %mul3A_278 = arith.mulf %broadcast_in_dim3A_252, %get3A_41 : vector<16xf32>
        %add3A_279 = arith.addf %mul3A_278, %get3A_65 : vector<16xf32>
        %swap3A_280 = arith.index_cast %add3A_256 : i32 to index
        %swap3A_281 = arith.constant 112 : index
        %swap3A_282 = tpu.vector_load %arg15[%swap3A_280, %swap3A_281] {strides = array<i32>} : memref<512x128xf32, #tpu.memory_space<vmem>>, vector<1x16xf32>,
        %swap3A_283 = vector.shape_cast %swap3A_282 : vector<1x16xf32> to vector<16xf32>
        %swap3A_284 = vector.shape_cast %add3A_279 : vector<16xf32> to vector<1x16xf32>
        tpu.vector_store %arg15[%swap3A_280, %swap3A_281], %swap3A_284 {strides = array<i32>} : memref<512x128xf32, #tpu.memory_space<vmem>>, vector<1x16xf32>,
        %slice3A_285 = vector.extract_strided_slice %max3A_147 {offsets = [4], sizes = [1], strides = [1]} : vector<16xf32> to vector<1xf32>
        %squeeze3A_286 = vector.extract %slice3A_285[0] : f32 from vector<1xf32>
        %broadcast_in_dim3A_287 = vector.broadcast %squeeze3A_286 : f32 to vector<16xf32>
        %mul3A_288 = arith.constant 16 : i32
        %mul3A_289 = arith.muli %while3A_134, %mul3A_288 : i32
        %add3A_290 = arith.constant 4 : i32
        %add3A_291 = arith.addi %mul3A_289, %add3A_290 : i32
        %mul3A_292 = arith.mulf %broadcast_in_dim3A_287, %get3A_32 : vector<16xf32>
        %add3A_293 = arith.addf %mul3A_292, %get3A_56 : vector<16xf32>
        %swap3A_294 = arith.index_cast %add3A_291 : i32 to index
        %swap3A_295 = arith.constant 64 : index
        %swap3A_296 = tpu.vector_load %arg15[%swap3A_294, %swap3A_295] {strides = array<i32>} : memref<512x128xf32, #tpu.memory_space<vmem>>, vector<1x16xf32>,
        %swap3A_297 = vector.shape_cast %swap3A_296 : vector<1x16xf32> to vector<16xf32>
        %swap3A_298 = vector.shape_cast %add3A_293 : vector<16xf32> to vector<1x16xf32>
        tpu.vector_store %arg15[%swap3A_294, %swap3A_295], %swap3A_298 {strides = array<i32>} : memref<512x128xf32, #tpu.memory_space<vmem>>, vector<1x16xf32>,
        %mul3A_299 = arith.mulf %broadcast_in_dim3A_287, %get3A_35 : vector<16xf32>
        %add3A_300 = arith.addf %mul3A_299, %get3A_59 : vector<16xf32>
        %swap3A_301 = arith.index_cast %add3A_291 : i32 to index
        %swap3A_302 = arith.constant 80 : index
        %swap3A_303 = tpu.vector_load %arg15[%swap3A_301, %swap3A_302] {strides = array<i32>} : memref<512x128xf32, #tpu.memory_space<vmem>>, vector<1x16xf32>,
        %swap3A_304 = vector.shape_cast %swap3A_303 : vector<1x16xf32> to vector<16xf32>
        %swap3A_305 = vector.shape_cast %add3A_300 : vector<16xf32> to vector<1x16xf32>
        tpu.vector_store %arg15[%swap3A_301, %swap3A_302], %swap3A_305 {strides = array<i32>} : memref<512x128xf32, #tpu.memory_space<vmem>>, vector<1x16xf32>,
        %mul3A_306 = arith.mulf %broadcast_in_dim3A_287, %get3A_38 : vector<16xf32>
        %add3A_307 = arith.addf %mul3A_306, %get3A_62 : vector<16xf32>
        %swap3A_308 = arith.index_cast %add3A_291 : i32 to index
        %swap3A_309 = arith.constant 96 : index
        %swap3A_310 = tpu.vector_load %arg15[%swap3A_308, %swap3A_309] {strides = array<i32>} : memref<512x128xf32, #tpu.memory_space<vmem>>, vector<1x16xf32>,
        %swap3A_311 = vector.shape_cast %swap3A_310 : vector<1x16xf32> to vector<16xf32>
        %swap3A_312 = vector.shape_cast %add3A_307 : vector<16xf32> to vector<1x16xf32>
        tpu.vector_store %arg15[%swap3A_308, %swap3A_309], %swap3A_312 {strides = array<i32>} : memref<512x128xf32, #tpu.memory_space<vmem>>, vector<1x16xf32>,
        %mul3A_313 = arith.mulf %broadcast_in_dim3A_287, %get3A_41 : vector<16xf32>
        %add3A_314 = arith.addf %mul3A_313, %get3A_65 : vector<16xf32>
        %swap3A_315 = arith.index_cast %add3A_291 : i32 to index
        %swap3A_316 = arith.constant 112 : index
        %swap3A_317 = tpu.vector_load %arg15[%swap3A_315, %swap3A_316] {strides = array<i32>} : memref<512x128xf32, #tpu.memory_space<vmem>>, vector<1x16xf32>,
        %swap3A_318 = vector.shape_cast %swap3A_317 : vector<1x16xf32> to vector<16xf32>
        %swap3A_319 = vector.shape_cast %add3A_314 : vector<16xf32> to vector<1x16xf32>
        tpu.vector_store %arg15[%swap3A_315, %swap3A_316], %swap3A_319 {strides = array<i32>} : memref<512x128xf32, #tpu.memory_space<vmem>>, vector<1x16xf32>,
        %slice3A_320 = vector.extract_strided_slice %max3A_147 {offsets = [5], sizes = [1], strides = [1]} : vector<16xf32> to vector<1xf32>
        %squeeze3A_321 = vector.extract %slice3A_320[0] : f32 from vector<1xf32>
        %broadcast_in_dim3A_322 = vector.broadcast %squeeze3A_321 : f32 to vector<16xf32>
        %mul3A_323 = arith.constant 16 : i32
        %mul3A_324 = arith.muli %while3A_134, %mul3A_323 : i32
        %add3A_325 = arith.constant 5 : i32
        %add3A_326 = arith.addi %mul3A_324, %add3A_325 : i32
        %mul3A_327 = arith.mulf %broadcast_in_dim3A_322, %get3A_32 : vector<16xf32>
        %add3A_328 = arith.addf %mul3A_327, %get3A_56 : vector<16xf32>
        %swap3A_329 = arith.index_cast %add3A_326 : i32 to index
        %swap3A_330 = arith.constant 64 : index
        %swap3A_331 = tpu.vector_load %arg15[%swap3A_329, %swap3A_330] {strides = array<i32>} : memref<512x128xf32, #tpu.memory_space<vmem>>, vector<1x16xf32>,
        %swap3A_332 = vector.shape_cast %swap3A_331 : vector<1x16xf32> to vector<16xf32>
        %swap3A_333 = vector.shape_cast %add3A_328 : vector<16xf32> to vector<1x16xf32>
        tpu.vector_store %arg15[%swap3A_329, %swap3A_330], %swap3A_333 {strides = array<i32>} : memref<512x128xf32, #tpu.memory_space<vmem>>, vector<1x16xf32>,
        %mul3A_334 = arith.mulf %broadcast_in_dim3A_322, %get3A_35 : vector<16xf32>
        %add3A_335 = arith.addf %mul3A_334, %get3A_59 : vector<16xf32>
        %swap3A_336 = arith.index_cast %add3A_326 : i32 to index
        %swap3A_337 = arith.constant 80 : index
        %swap3A_338 = tpu.vector_load %arg15[%swap3A_336, %swap3A_337] {strides = array<i32>} : memref<512x128xf32, #tpu.memory_space<vmem>>, vector<1x16xf32>,
        %swap3A_339 = vector.shape_cast %swap3A_338 : vector<1x16xf32> to vector<16xf32>
        %swap3A_340 = vector.shape_cast %add3A_335 : vector<16xf32> to vector<1x16xf32>
        tpu.vector_store %arg15[%swap3A_336, %swap3A_337], %swap3A_340 {strides = array<i32>} : memref<512x128xf32, #tpu.memory_space<vmem>>, vector<1x16xf32>,
        %mul3A_341 = arith.mulf %broadcast_in_dim3A_322, %get3A_38 : vector<16xf32>
        %add3A_342 = arith.addf %mul3A_341, %get3A_62 : vector<16xf32>
        %swap3A_343 = arith.index_cast %add3A_326 : i32 to index
        %swap3A_344 = arith.constant 96 : index
        %swap3A_345 = tpu.vector_load %arg15[%swap3A_343, %swap3A_344] {strides = array<i32>} : memref<512x128xf32, #tpu.memory_space<vmem>>, vector<1x16xf32>,
        %swap3A_346 = vector.shape_cast %swap3A_345 : vector<1x16xf32> to vector<16xf32>
        %swap3A_347 = vector.shape_cast %add3A_342 : vector<16xf32> to vector<1x16xf32>
        tpu.vector_store %arg15[%swap3A_343, %swap3A_344], %swap3A_347 {strides = array<i32>} : memref<512x128xf32, #tpu.memory_space<vmem>>, vector<1x16xf32>,
        %mul3A_348 = arith.mulf %broadcast_in_dim3A_322, %get3A_41 : vector<16xf32>
        %add3A_349 = arith.addf %mul3A_348, %get3A_65 : vector<16xf32>
        %swap3A_350 = arith.index_cast %add3A_326 : i32 to index
        %swap3A_351 = arith.constant 112 : index
        %swap3A_352 = tpu.vector_load %arg15[%swap3A_350, %swap3A_351] {strides = array<i32>} : memref<512x128xf32, #tpu.memory_space<vmem>>, vector<1x16xf32>,
        %swap3A_353 = vector.shape_cast %swap3A_352 : vector<1x16xf32> to vector<16xf32>
        %swap3A_354 = vector.shape_cast %add3A_349 : vector<16xf32> to vector<1x16xf32>
        tpu.vector_store %arg15[%swap3A_350, %swap3A_351], %swap3A_354 {strides = array<i32>} : memref<512x128xf32, #tpu.memory_space<vmem>>, vector<1x16xf32>,
        %slice3A_355 = vector.extract_strided_slice %max3A_147 {offsets = [6], sizes = [1], strides = [1]} : vector<16xf32> to vector<1xf32>
        %squeeze3A_356 = vector.extract %slice3A_355[0] : f32 from vector<1xf32>
        %broadcast_in_dim3A_357 = vector.broadcast %squeeze3A_356 : f32 to vector<16xf32>
        %mul3A_358 = arith.constant 16 : i32
        %mul3A_359 = arith.muli %while3A_134, %mul3A_358 : i32
        %add3A_360 = arith.constant 6 : i32
        %add3A_361 = arith.addi %mul3A_359, %add3A_360 : i32
        %mul3A_362 = arith.mulf %broadcast_in_dim3A_357, %get3A_32 : vector<16xf32>
        %add3A_363 = arith.addf %mul3A_362, %get3A_56 : vector<16xf32>
        %swap3A_364 = arith.index_cast %add3A_361 : i32 to index
        %swap3A_365 = arith.constant 64 : index
        %swap3A_366 = tpu.vector_load %arg15[%swap3A_364, %swap3A_365] {strides = array<i32>} : memref<512x128xf32, #tpu.memory_space<vmem>>, vector<1x16xf32>,
        %swap3A_367 = vector.shape_cast %swap3A_366 : vector<1x16xf32> to vector<16xf32>
        %swap3A_368 = vector.shape_cast %add3A_363 : vector<16xf32> to vector<1x16xf32>
        tpu.vector_store %arg15[%swap3A_364, %swap3A_365], %swap3A_368 {strides = array<i32>} : memref<512x128xf32, #tpu.memory_space<vmem>>, vector<1x16xf32>,
        %mul3A_369 = arith.mulf %broadcast_in_dim3A_357, %get3A_35 : vector<16xf32>
        %add3A_370 = arith.addf %mul3A_369, %get3A_59 : vector<16xf32>
        %swap3A_371 = arith.index_cast %add3A_361 : i32 to index
        %swap3A_372 = arith.constant 80 : index
        %swap3A_373 = tpu.vector_load %arg15[%swap3A_371, %swap3A_372] {strides = array<i32>} : memref<512x128xf32, #tpu.memory_space<vmem>>, vector<1x16xf32>,
        %swap3A_374 = vector.shape_cast %swap3A_373 : vector<1x16xf32> to vector<16xf32>
        %swap3A_375 = vector.shape_cast %add3A_370 : vector<16xf32> to vector<1x16xf32>
        tpu.vector_store %arg15[%swap3A_371, %swap3A_372], %swap3A_375 {strides = array<i32>} : memref<512x128xf32, #tpu.memory_space<vmem>>, vector<1x16xf32>,
        %mul3A_376 = arith.mulf %broadcast_in_dim3A_357, %get3A_38 : vector<16xf32>
        %add3A_377 = arith.addf %mul3A_376, %get3A_62 : vector<16xf32>
        %swap3A_378 = arith.index_cast %add3A_361 : i32 to index
        %swap3A_379 = arith.constant 96 : index
        %swap3A_380 = tpu.vector_load %arg15[%swap3A_378, %swap3A_379] {strides = array<i32>} : memref<512x128xf32, #tpu.memory_space<vmem>>, vector<1x16xf32>,
        %swap3A_381 = vector.shape_cast %swap3A_380 : vector<1x16xf32> to vector<16xf32>
        %swap3A_382 = vector.shape_cast %add3A_377 : vector<16xf32> to vector<1x16xf32>
        tpu.vector_store %arg15[%swap3A_378, %swap3A_379], %swap3A_382 {strides = array<i32>} : memref<512x128xf32, #tpu.memory_space<vmem>>, vector<1x16xf32>,
        %mul3A_383 = arith.mulf %broadcast_in_dim3A_357, %get3A_41 : vector<16xf32>
        %add3A_384 = arith.addf %mul3A_383, %get3A_65 : vector<16xf32>
        %swap3A_385 = arith.index_cast %add3A_361 : i32 to index
        %swap3A_386 = arith.constant 112 : index
        %swap3A_387 = tpu.vector_load %arg15[%swap3A_385, %swap3A_386] {strides = array<i32>} : memref<512x128xf32, #tpu.memory_space<vmem>>, vector<1x16xf32>,
        %swap3A_388 = vector.shape_cast %swap3A_387 : vector<1x16xf32> to vector<16xf32>
        %swap3A_389 = vector.shape_cast %add3A_384 : vector<16xf32> to vector<1x16xf32>
        tpu.vector_store %arg15[%swap3A_385, %swap3A_386], %swap3A_389 {strides = array<i32>} : memref<512x128xf32, #tpu.memory_space<vmem>>, vector<1x16xf32>,
        %slice3A_390 = vector.extract_strided_slice %max3A_147 {offsets = [7], sizes = [1], strides = [1]} : vector<16xf32> to vector<1xf32>
        %squeeze3A_391 = vector.extract %slice3A_390[0] : f32 from vector<1xf32>
        %broadcast_in_dim3A_392 = vector.broadcast %squeeze3A_391 : f32 to vector<16xf32>
        %mul3A_393 = arith.constant 16 : i32
        %mul3A_394 = arith.muli %while3A_134, %mul3A_393 : i32
        %add3A_395 = arith.constant 7 : i32
        %add3A_396 = arith.addi %mul3A_394, %add3A_395 : i32
        %mul3A_397 = arith.mulf %broadcast_in_dim3A_392, %get3A_32 : vector<16xf32>
        %add3A_398 = arith.addf %mul3A_397, %get3A_56 : vector<16xf32>
        %swap3A_399 = arith.index_cast %add3A_396 : i32 to index
        %swap3A_400 = arith.constant 64 : index
        %swap3A_401 = tpu.vector_load %arg15[%swap3A_399, %swap3A_400] {strides = array<i32>} : memref<512x128xf32, #tpu.memory_space<vmem>>, vector<1x16xf32>,
        %swap3A_402 = vector.shape_cast %swap3A_401 : vector<1x16xf32> to vector<16xf32>
        %swap3A_403 = vector.shape_cast %add3A_398 : vector<16xf32> to vector<1x16xf32>
        tpu.vector_store %arg15[%swap3A_399, %swap3A_400], %swap3A_403 {strides = array<i32>} : memref<512x128xf32, #tpu.memory_space<vmem>>, vector<1x16xf32>,
        %mul3A_404 = arith.mulf %broadcast_in_dim3A_392, %get3A_35 : vector<16xf32>
        %add3A_405 = arith.addf %mul3A_404, %get3A_59 : vector<16xf32>
        %swap3A_406 = arith.index_cast %add3A_396 : i32 to index
        %swap3A_407 = arith.constant 80 : index
        %swap3A_408 = tpu.vector_load %arg15[%swap3A_406, %swap3A_407] {strides = array<i32>} : memref<512x128xf32, #tpu.memory_space<vmem>>, vector<1x16xf32>,
        %swap3A_409 = vector.shape_cast %swap3A_408 : vector<1x16xf32> to vector<16xf32>
        %swap3A_410 = vector.shape_cast %add3A_405 : vector<16xf32> to vector<1x16xf32>
        tpu.vector_store %arg15[%swap3A_406, %swap3A_407], %swap3A_410 {strides = array<i32>} : memref<512x128xf32, #tpu.memory_space<vmem>>, vector<1x16xf32>,
        %mul3A_411 = arith.mulf %broadcast_in_dim3A_392, %get3A_38 : vector<16xf32>
        %add3A_412 = arith.addf %mul3A_411, %get3A_62 : vector<16xf32>
        %swap3A_413 = arith.index_cast %add3A_396 : i32 to index
        %swap3A_414 = arith.constant 96 : index
        %swap3A_415 = tpu.vector_load %arg15[%swap3A_413, %swap3A_414] {strides = array<i32>} : memref<512x128xf32, #tpu.memory_space<vmem>>, vector<1x16xf32>,
        %swap3A_416 = vector.shape_cast %swap3A_415 : vector<1x16xf32> to vector<16xf32>
        %swap3A_417 = vector.shape_cast %add3A_412 : vector<16xf32> to vector<1x16xf32>
        tpu.vector_store %arg15[%swap3A_413, %swap3A_414], %swap3A_417 {strides = array<i32>} : memref<512x128xf32, #tpu.memory_space<vmem>>, vector<1x16xf32>,
        %mul3A_418 = arith.mulf %broadcast_in_dim3A_392, %get3A_41 : vector<16xf32>
        %add3A_419 = arith.addf %mul3A_418, %get3A_65 : vector<16xf32>
        %swap3A_420 = arith.index_cast %add3A_396 : i32 to index
        %swap3A_421 = arith.constant 112 : index
        %swap3A_422 = tpu.vector_load %arg15[%swap3A_420, %swap3A_421] {strides = array<i32>} : memref<512x128xf32, #tpu.memory_space<vmem>>, vector<1x16xf32>,
        %swap3A_423 = vector.shape_cast %swap3A_422 : vector<1x16xf32> to vector<16xf32>
        %swap3A_424 = vector.shape_cast %add3A_419 : vector<16xf32> to vector<1x16xf32>
        tpu.vector_store %arg15[%swap3A_420, %swap3A_421], %swap3A_424 {strides = array<i32>} : memref<512x128xf32, #tpu.memory_space<vmem>>, vector<1x16xf32>,
        %slice3A_425 = vector.extract_strided_slice %max3A_147 {offsets = [8], sizes = [1], strides = [1]} : vector<16xf32> to vector<1xf32>
        %squeeze3A_426 = vector.extract %slice3A_425[0] : f32 from vector<1xf32>
        %broadcast_in_dim3A_427 = vector.broadcast %squeeze3A_426 : f32 to vector<16xf32>
        %mul3A_428 = arith.constant 16 : i32
        %mul3A_429 = arith.muli %while3A_134, %mul3A_428 : i32
        %add3A_430 = arith.constant 8 : i32
        %add3A_431 = arith.addi %mul3A_429, %add3A_430 : i32
        %mul3A_432 = arith.mulf %broadcast_in_dim3A_427, %get3A_32 : vector<16xf32>
        %add3A_433 = arith.addf %mul3A_432, %get3A_56 : vector<16xf32>
        %swap3A_434 = arith.index_cast %add3A_431 : i32 to index
        %swap3A_435 = arith.constant 64 : index
        %swap3A_436 = tpu.vector_load %arg15[%swap3A_434, %swap3A_435] {strides = array<i32>} : memref<512x128xf32, #tpu.memory_space<vmem>>, vector<1x16xf32>,
        %swap3A_437 = vector.shape_cast %swap3A_436 : vector<1x16xf32> to vector<16xf32>
        %swap3A_438 = vector.shape_cast %add3A_433 : vector<16xf32> to vector<1x16xf32>
        tpu.vector_store %arg15[%swap3A_434, %swap3A_435], %swap3A_438 {strides = array<i32>} : memref<512x128xf32, #tpu.memory_space<vmem>>, vector<1x16xf32>,
        %mul3A_439 = arith.mulf %broadcast_in_dim3A_427, %get3A_35 : vector<16xf32>
        %add3A_440 = arith.addf %mul3A_439, %get3A_59 : vector<16xf32>
        %swap3A_441 = arith.index_cast %add3A_431 : i32 to index
        %swap3A_442 = arith.constant 80 : index
        %swap3A_443 = tpu.vector_load %arg15[%swap3A_441, %swap3A_442] {strides = array<i32>} : memref<512x128xf32, #tpu.memory_space<vmem>>, vector<1x16xf32>,
        %swap3A_444 = vector.shape_cast %swap3A_443 : vector<1x16xf32> to vector<16xf32>
        %swap3A_445 = vector.shape_cast %add3A_440 : vector<16xf32> to vector<1x16xf32>
        tpu.vector_store %arg15[%swap3A_441, %swap3A_442], %swap3A_445 {strides = array<i32>} : memref<512x128xf32, #tpu.memory_space<vmem>>, vector<1x16xf32>,
        %mul3A_446 = arith.mulf %broadcast_in_dim3A_427, %get3A_38 : vector<16xf32>
        %add3A_447 = arith.addf %mul3A_446, %get3A_62 : vector<16xf32>
        %swap3A_448 = arith.index_cast %add3A_431 : i32 to index
        %swap3A_449 = arith.constant 96 : index
        %swap3A_450 = tpu.vector_load %arg15[%swap3A_448, %swap3A_449] {strides = array<i32>} : memref<512x128xf32, #tpu.memory_space<vmem>>, vector<1x16xf32>,
        %swap3A_451 = vector.shape_cast %swap3A_450 : vector<1x16xf32> to vector<16xf32>
        %swap3A_452 = vector.shape_cast %add3A_447 : vector<16xf32> to vector<1x16xf32>
        tpu.vector_store %arg15[%swap3A_448, %swap3A_449], %swap3A_452 {strides = array<i32>} : memref<512x128xf32, #tpu.memory_space<vmem>>, vector<1x16xf32>,
        %mul3A_453 = arith.mulf %broadcast_in_dim3A_427, %get3A_41 : vector<16xf32>
        %add3A_454 = arith.addf %mul3A_453, %get3A_65 : vector<16xf32>
        %swap3A_455 = arith.index_cast %add3A_431 : i32 to index
        %swap3A_456 = arith.constant 112 : index
        %swap3A_457 = tpu.vector_load %arg15[%swap3A_455, %swap3A_456] {strides = array<i32>} : memref<512x128xf32, #tpu.memory_space<vmem>>, vector<1x16xf32>,
        %swap3A_458 = vector.shape_cast %swap3A_457 : vector<1x16xf32> to vector<16xf32>
        %swap3A_459 = vector.shape_cast %add3A_454 : vector<16xf32> to vector<1x16xf32>
        tpu.vector_store %arg15[%swap3A_455, %swap3A_456], %swap3A_459 {strides = array<i32>} : memref<512x128xf32, #tpu.memory_space<vmem>>, vector<1x16xf32>,
        %slice3A_460 = vector.extract_strided_slice %max3A_147 {offsets = [9], sizes = [1], strides = [1]} : vector<16xf32> to vector<1xf32>
        %squeeze3A_461 = vector.extract %slice3A_460[0] : f32 from vector<1xf32>
        %broadcast_in_dim3A_462 = vector.broadcast %squeeze3A_461 : f32 to vector<16xf32>
        %mul3A_463 = arith.constant 16 : i32
        %mul3A_464 = arith.muli %while3A_134, %mul3A_463 : i32
        %add3A_465 = arith.constant 9 : i32
        %add3A_466 = arith.addi %mul3A_464, %add3A_465 : i32
        %mul3A_467 = arith.mulf %broadcast_in_dim3A_462, %get3A_32 : vector<16xf32>
        %add3A_468 = arith.addf %mul3A_467, %get3A_56 : vector<16xf32>
        %swap3A_469 = arith.index_cast %add3A_466 : i32 to index
        %swap3A_470 = arith.constant 64 : index
        %swap3A_471 = tpu.vector_load %arg15[%swap3A_469, %swap3A_470] {strides = array<i32>} : memref<512x128xf32, #tpu.memory_space<vmem>>, vector<1x16xf32>,
        %swap3A_472 = vector.shape_cast %swap3A_471 : vector<1x16xf32> to vector<16xf32>
        %swap3A_473 = vector.shape_cast %add3A_468 : vector<16xf32> to vector<1x16xf32>
        tpu.vector_store %arg15[%swap3A_469, %swap3A_470], %swap3A_473 {strides = array<i32>} : memref<512x128xf32, #tpu.memory_space<vmem>>, vector<1x16xf32>,
        %mul3A_474 = arith.mulf %broadcast_in_dim3A_462, %get3A_35 : vector<16xf32>
        %add3A_475 = arith.addf %mul3A_474, %get3A_59 : vector<16xf32>
        %swap3A_476 = arith.index_cast %add3A_466 : i32 to index
        %swap3A_477 = arith.constant 80 : index
        %swap3A_478 = tpu.vector_load %arg15[%swap3A_476, %swap3A_477] {strides = array<i32>} : memref<512x128xf32, #tpu.memory_space<vmem>>, vector<1x16xf32>,
        %swap3A_479 = vector.shape_cast %swap3A_478 : vector<1x16xf32> to vector<16xf32>
        %swap3A_480 = vector.shape_cast %add3A_475 : vector<16xf32> to vector<1x16xf32>
        tpu.vector_store %arg15[%swap3A_476, %swap3A_477], %swap3A_480 {strides = array<i32>} : memref<512x128xf32, #tpu.memory_space<vmem>>, vector<1x16xf32>,
        %mul3A_481 = arith.mulf %broadcast_in_dim3A_462, %get3A_38 : vector<16xf32>
        %add3A_482 = arith.addf %mul3A_481, %get3A_62 : vector<16xf32>
        %swap3A_483 = arith.index_cast %add3A_466 : i32 to index
        %swap3A_484 = arith.constant 96 : index
        %swap3A_485 = tpu.vector_load %arg15[%swap3A_483, %swap3A_484] {strides = array<i32>} : memref<512x128xf32, #tpu.memory_space<vmem>>, vector<1x16xf32>,
        %swap3A_486 = vector.shape_cast %swap3A_485 : vector<1x16xf32> to vector<16xf32>
        %swap3A_487 = vector.shape_cast %add3A_482 : vector<16xf32> to vector<1x16xf32>
        tpu.vector_store %arg15[%swap3A_483, %swap3A_484], %swap3A_487 {strides = array<i32>} : memref<512x128xf32, #tpu.memory_space<vmem>>, vector<1x16xf32>,
        %mul3A_488 = arith.mulf %broadcast_in_dim3A_462, %get3A_41 : vector<16xf32>
        %add3A_489 = arith.addf %mul3A_488, %get3A_65 : vector<16xf32>
        %swap3A_490 = arith.index_cast %add3A_466 : i32 to index
        %swap3A_491 = arith.constant 112 : index
        %swap3A_492 = tpu.vector_load %arg15[%swap3A_490, %swap3A_491] {strides = array<i32>} : memref<512x128xf32, #tpu.memory_space<vmem>>, vector<1x16xf32>,
        %swap3A_493 = vector.shape_cast %swap3A_492 : vector<1x16xf32> to vector<16xf32>
        %swap3A_494 = vector.shape_cast %add3A_489 : vector<16xf32> to vector<1x16xf32>
        tpu.vector_store %arg15[%swap3A_490, %swap3A_491], %swap3A_494 {strides = array<i32>} : memref<512x128xf32, #tpu.memory_space<vmem>>, vector<1x16xf32>,
        %slice3A_495 = vector.extract_strided_slice %max3A_147 {offsets = [10], sizes = [1], strides = [1]} : vector<16xf32> to vector<1xf32>
        %squeeze3A_496 = vector.extract %slice3A_495[0] : f32 from vector<1xf32>
        %broadcast_in_dim3A_497 = vector.broadcast %squeeze3A_496 : f32 to vector<16xf32>
        %mul3A_498 = arith.constant 16 : i32
        %mul3A_499 = arith.muli %while3A_134, %mul3A_498 : i32
        %add3A_500 = arith.constant 10 : i32
        %add3A_501 = arith.addi %mul3A_499, %add3A_500 : i32
        %mul3A_502 = arith.mulf %broadcast_in_dim3A_497, %get3A_32 : vector<16xf32>
        %add3A_503 = arith.addf %mul3A_502, %get3A_56 : vector<16xf32>
        %swap3A_504 = arith.index_cast %add3A_501 : i32 to index
        %swap3A_505 = arith.constant 64 : index
        %swap3A_506 = tpu.vector_load %arg15[%swap3A_504, %swap3A_505] {strides = array<i32>} : memref<512x128xf32, #tpu.memory_space<vmem>>, vector<1x16xf32>,
        %swap3A_507 = vector.shape_cast %swap3A_506 : vector<1x16xf32> to vector<16xf32>
        %swap3A_508 = vector.shape_cast %add3A_503 : vector<16xf32> to vector<1x16xf32>
        tpu.vector_store %arg15[%swap3A_504, %swap3A_505], %swap3A_508 {strides = array<i32>} : memref<512x128xf32, #tpu.memory_space<vmem>>, vector<1x16xf32>,
        %mul3A_509 = arith.mulf %broadcast_in_dim3A_497, %get3A_35 : vector<16xf32>
        %add3A_510 = arith.addf %mul3A_509, %get3A_59 : vector<16xf32>
        %swap3A_511 = arith.index_cast %add3A_501 : i32 to index
        %swap3A_512 = arith.constant 80 : index
        %swap3A_513 = tpu.vector_load %arg15[%swap3A_511, %swap3A_512] {strides = array<i32>} : memref<512x128xf32, #tpu.memory_space<vmem>>, vector<1x16xf32>,
        %swap3A_514 = vector.shape_cast %swap3A_513 : vector<1x16xf32> to vector<16xf32>
        %swap3A_515 = vector.shape_cast %add3A_510 : vector<16xf32> to vector<1x16xf32>
        tpu.vector_store %arg15[%swap3A_511, %swap3A_512], %swap3A_515 {strides = array<i32>} : memref<512x128xf32, #tpu.memory_space<vmem>>, vector<1x16xf32>,
        %mul3A_516 = arith.mulf %broadcast_in_dim3A_497, %get3A_38 : vector<16xf32>
        %add3A_517 = arith.addf %mul3A_516, %get3A_62 : vector<16xf32>
        %swap3A_518 = arith.index_cast %add3A_501 : i32 to index
        %swap3A_519 = arith.constant 96 : index
        %swap3A_520 = tpu.vector_load %arg15[%swap3A_518, %swap3A_519] {strides = array<i32>} : memref<512x128xf32, #tpu.memory_space<vmem>>, vector<1x16xf32>,
        %swap3A_521 = vector.shape_cast %swap3A_520 : vector<1x16xf32> to vector<16xf32>
        %swap3A_522 = vector.shape_cast %add3A_517 : vector<16xf32> to vector<1x16xf32>
        tpu.vector_store %arg15[%swap3A_518, %swap3A_519], %swap3A_522 {strides = array<i32>} : memref<512x128xf32, #tpu.memory_space<vmem>>, vector<1x16xf32>,
        %mul3A_523 = arith.mulf %broadcast_in_dim3A_497, %get3A_41 : vector<16xf32>
        %add3A_524 = arith.addf %mul3A_523, %get3A_65 : vector<16xf32>
        %swap3A_525 = arith.index_cast %add3A_501 : i32 to index
        %swap3A_526 = arith.constant 112 : index
        %swap3A_527 = tpu.vector_load %arg15[%swap3A_525, %swap3A_526] {strides = array<i32>} : memref<512x128xf32, #tpu.memory_space<vmem>>, vector<1x16xf32>,
        %swap3A_528 = vector.shape_cast %swap3A_527 : vector<1x16xf32> to vector<16xf32>
        %swap3A_529 = vector.shape_cast %add3A_524 : vector<16xf32> to vector<1x16xf32>
        tpu.vector_store %arg15[%swap3A_525, %swap3A_526], %swap3A_529 {strides = array<i32>} : memref<512x128xf32, #tpu.memory_space<vmem>>, vector<1x16xf32>,
        %slice3A_530 = vector.extract_strided_slice %max3A_147 {offsets = [11], sizes = [1], strides = [1]} : vector<16xf32> to vector<1xf32>
        %squeeze3A_531 = vector.extract %slice3A_530[0] : f32 from vector<1xf32>
        %broadcast_in_dim3A_532 = vector.broadcast %squeeze3A_531 : f32 to vector<16xf32>
        %mul3A_533 = arith.constant 16 : i32
        %mul3A_534 = arith.muli %while3A_134, %mul3A_533 : i32
        %add3A_535 = arith.constant 11 : i32
        %add3A_536 = arith.addi %mul3A_534, %add3A_535 : i32
        %mul3A_537 = arith.mulf %broadcast_in_dim3A_532, %get3A_32 : vector<16xf32>
        %add3A_538 = arith.addf %mul3A_537, %get3A_56 : vector<16xf32>
        %swap3A_539 = arith.index_cast %add3A_536 : i32 to index
        %swap3A_540 = arith.constant 64 : index
        %swap3A_541 = tpu.vector_load %arg15[%swap3A_539, %swap3A_540] {strides = array<i32>} : memref<512x128xf32, #tpu.memory_space<vmem>>, vector<1x16xf32>,
        %swap3A_542 = vector.shape_cast %swap3A_541 : vector<1x16xf32> to vector<16xf32>
        %swap3A_543 = vector.shape_cast %add3A_538 : vector<16xf32> to vector<1x16xf32>
        tpu.vector_store %arg15[%swap3A_539, %swap3A_540], %swap3A_543 {strides = array<i32>} : memref<512x128xf32, #tpu.memory_space<vmem>>, vector<1x16xf32>,
        %mul3A_544 = arith.mulf %broadcast_in_dim3A_532, %get3A_35 : vector<16xf32>
        %add3A_545 = arith.addf %mul3A_544, %get3A_59 : vector<16xf32>
        %swap3A_546 = arith.index_cast %add3A_536 : i32 to index
        %swap3A_547 = arith.constant 80 : index
        %swap3A_548 = tpu.vector_load %arg15[%swap3A_546, %swap3A_547] {strides = array<i32>} : memref<512x128xf32, #tpu.memory_space<vmem>>, vector<1x16xf32>,
        %swap3A_549 = vector.shape_cast %swap3A_548 : vector<1x16xf32> to vector<16xf32>
        %swap3A_550 = vector.shape_cast %add3A_545 : vector<16xf32> to vector<1x16xf32>
        tpu.vector_store %arg15[%swap3A_546, %swap3A_547], %swap3A_550 {strides = array<i32>} : memref<512x128xf32, #tpu.memory_space<vmem>>, vector<1x16xf32>,
        %mul3A_551 = arith.mulf %broadcast_in_dim3A_532, %get3A_38 : vector<16xf32>
        %add3A_552 = arith.addf %mul3A_551, %get3A_62 : vector<16xf32>
        %swap3A_553 = arith.index_cast %add3A_536 : i32 to index
        %swap3A_554 = arith.constant 96 : index
        %swap3A_555 = tpu.vector_load %arg15[%swap3A_553, %swap3A_554] {strides = array<i32>} : memref<512x128xf32, #tpu.memory_space<vmem>>, vector<1x16xf32>,
        %swap3A_556 = vector.shape_cast %swap3A_555 : vector<1x16xf32> to vector<16xf32>
        %swap3A_557 = vector.shape_cast %add3A_552 : vector<16xf32> to vector<1x16xf32>
        tpu.vector_store %arg15[%swap3A_553, %swap3A_554], %swap3A_557 {strides = array<i32>} : memref<512x128xf32, #tpu.memory_space<vmem>>, vector<1x16xf32>,
        %mul3A_558 = arith.mulf %broadcast_in_dim3A_532, %get3A_41 : vector<16xf32>
        %add3A_559 = arith.addf %mul3A_558, %get3A_65 : vector<16xf32>
        %swap3A_560 = arith.index_cast %add3A_536 : i32 to index
        %swap3A_561 = arith.constant 112 : index
        %swap3A_562 = tpu.vector_load %arg15[%swap3A_560, %swap3A_561] {strides = array<i32>} : memref<512x128xf32, #tpu.memory_space<vmem>>, vector<1x16xf32>,
        %swap3A_563 = vector.shape_cast %swap3A_562 : vector<1x16xf32> to vector<16xf32>
        %swap3A_564 = vector.shape_cast %add3A_559 : vector<16xf32> to vector<1x16xf32>
        tpu.vector_store %arg15[%swap3A_560, %swap3A_561], %swap3A_564 {strides = array<i32>} : memref<512x128xf32, #tpu.memory_space<vmem>>, vector<1x16xf32>,
        %slice3A_565 = vector.extract_strided_slice %max3A_147 {offsets = [12], sizes = [1], strides = [1]} : vector<16xf32> to vector<1xf32>
        %squeeze3A_566 = vector.extract %slice3A_565[0] : f32 from vector<1xf32>
        %broadcast_in_dim3A_567 = vector.broadcast %squeeze3A_566 : f32 to vector<16xf32>
        %mul3A_568 = arith.constant 16 : i32
        %mul3A_569 = arith.muli %while3A_134, %mul3A_568 : i32
        %add3A_570 = arith.constant 12 : i32
        %add3A_571 = arith.addi %mul3A_569, %add3A_570 : i32
        %mul3A_572 = arith.mulf %broadcast_in_dim3A_567, %get3A_32 : vector<16xf32>
        %add3A_573 = arith.addf %mul3A_572, %get3A_56 : vector<16xf32>
        %swap3A_574 = arith.index_cast %add3A_571 : i32 to index
        %swap3A_575 = arith.constant 64 : index
        %swap3A_576 = tpu.vector_load %arg15[%swap3A_574, %swap3A_575] {strides = array<i32>} : memref<512x128xf32, #tpu.memory_space<vmem>>, vector<1x16xf32>,
        %swap3A_577 = vector.shape_cast %swap3A_576 : vector<1x16xf32> to vector<16xf32>
        %swap3A_578 = vector.shape_cast %add3A_573 : vector<16xf32> to vector<1x16xf32>
        tpu.vector_store %arg15[%swap3A_574, %swap3A_575], %swap3A_578 {strides = array<i32>} : memref<512x128xf32, #tpu.memory_space<vmem>>, vector<1x16xf32>,
        %mul3A_579 = arith.mulf %broadcast_in_dim3A_567, %get3A_35 : vector<16xf32>
        %add3A_580 = arith.addf %mul3A_579, %get3A_59 : vector<16xf32>
        %swap3A_581 = arith.index_cast %add3A_571 : i32 to index
        %swap3A_582 = arith.constant 80 : index
        %swap3A_583 = tpu.vector_load %arg15[%swap3A_581, %swap3A_582] {strides = array<i32>} : memref<512x128xf32, #tpu.memory_space<vmem>>, vector<1x16xf32>,
        %swap3A_584 = vector.shape_cast %swap3A_583 : vector<1x16xf32> to vector<16xf32>
        %swap3A_585 = vector.shape_cast %add3A_580 : vector<16xf32> to vector<1x16xf32>
        tpu.vector_store %arg15[%swap3A_581, %swap3A_582], %swap3A_585 {strides = array<i32>} : memref<512x128xf32, #tpu.memory_space<vmem>>, vector<1x16xf32>,
        %mul3A_586 = arith.mulf %broadcast_in_dim3A_567, %get3A_38 : vector<16xf32>
        %add3A_587 = arith.addf %mul3A_586, %get3A_62 : vector<16xf32>
        %swap3A_588 = arith.index_cast %add3A_571 : i32 to index
        %swap3A_589 = arith.constant 96 : index
        %swap3A_590 = tpu.vector_load %arg15[%swap3A_588, %swap3A_589] {strides = array<i32>} : memref<512x128xf32, #tpu.memory_space<vmem>>, vector<1x16xf32>,
        %swap3A_591 = vector.shape_cast %swap3A_590 : vector<1x16xf32> to vector<16xf32>
        %swap3A_592 = vector.shape_cast %add3A_587 : vector<16xf32> to vector<1x16xf32>
        tpu.vector_store %arg15[%swap3A_588, %swap3A_589], %swap3A_592 {strides = array<i32>} : memref<512x128xf32, #tpu.memory_space<vmem>>, vector<1x16xf32>,
        %mul3A_593 = arith.mulf %broadcast_in_dim3A_567, %get3A_41 : vector<16xf32>
        %add3A_594 = arith.addf %mul3A_593, %get3A_65 : vector<16xf32>
        %swap3A_595 = arith.index_cast %add3A_571 : i32 to index
        %swap3A_596 = arith.constant 112 : index
        %swap3A_597 = tpu.vector_load %arg15[%swap3A_595, %swap3A_596] {strides = array<i32>} : memref<512x128xf32, #tpu.memory_space<vmem>>, vector<1x16xf32>,
        %swap3A_598 = vector.shape_cast %swap3A_597 : vector<1x16xf32> to vector<16xf32>
        %swap3A_599 = vector.shape_cast %add3A_594 : vector<16xf32> to vector<1x16xf32>
        tpu.vector_store %arg15[%swap3A_595, %swap3A_596], %swap3A_599 {strides = array<i32>} : memref<512x128xf32, #tpu.memory_space<vmem>>, vector<1x16xf32>,
        %slice3A_600 = vector.extract_strided_slice %max3A_147 {offsets = [13], sizes = [1], strides = [1]} : vector<16xf32> to vector<1xf32>
        %squeeze3A_601 = vector.extract %slice3A_600[0] : f32 from vector<1xf32>
        %broadcast_in_dim3A_602 = vector.broadcast %squeeze3A_601 : f32 to vector<16xf32>
        %mul3A_603 = arith.constant 16 : i32
        %mul3A_604 = arith.muli %while3A_134, %mul3A_603 : i32
        %add3A_605 = arith.constant 13 : i32
        %add3A_606 = arith.addi %mul3A_604, %add3A_605 : i32
        %mul3A_607 = arith.mulf %broadcast_in_dim3A_602, %get3A_32 : vector<16xf32>
        %add3A_608 = arith.addf %mul3A_607, %get3A_56 : vector<16xf32>
        %swap3A_609 = arith.index_cast %add3A_606 : i32 to index
        %swap3A_610 = arith.constant 64 : index
        %swap3A_611 = tpu.vector_load %arg15[%swap3A_609, %swap3A_610] {strides = array<i32>} : memref<512x128xf32, #tpu.memory_space<vmem>>, vector<1x16xf32>,
        %swap3A_612 = vector.shape_cast %swap3A_611 : vector<1x16xf32> to vector<16xf32>
        %swap3A_613 = vector.shape_cast %add3A_608 : vector<16xf32> to vector<1x16xf32>
        tpu.vector_store %arg15[%swap3A_609, %swap3A_610], %swap3A_613 {strides = array<i32>} : memref<512x128xf32, #tpu.memory_space<vmem>>, vector<1x16xf32>,
        %mul3A_614 = arith.mulf %broadcast_in_dim3A_602, %get3A_35 : vector<16xf32>
        %add3A_615 = arith.addf %mul3A_614, %get3A_59 : vector<16xf32>
        %swap3A_616 = arith.index_cast %add3A_606 : i32 to index
        %swap3A_617 = arith.constant 80 : index
        %swap3A_618 = tpu.vector_load %arg15[%swap3A_616, %swap3A_617] {strides = array<i32>} : memref<512x128xf32, #tpu.memory_space<vmem>>, vector<1x16xf32>,
        %swap3A_619 = vector.shape_cast %swap3A_618 : vector<1x16xf32> to vector<16xf32>
        %swap3A_620 = vector.shape_cast %add3A_615 : vector<16xf32> to vector<1x16xf32>
        tpu.vector_store %arg15[%swap3A_616, %swap3A_617], %swap3A_620 {strides = array<i32>} : memref<512x128xf32, #tpu.memory_space<vmem>>, vector<1x16xf32>,
        %mul3A_621 = arith.mulf %broadcast_in_dim3A_602, %get3A_38 : vector<16xf32>
        %add3A_622 = arith.addf %mul3A_621, %get3A_62 : vector<16xf32>
        %swap3A_623 = arith.index_cast %add3A_606 : i32 to index
        %swap3A_624 = arith.constant 96 : index
        %swap3A_625 = tpu.vector_load %arg15[%swap3A_623, %swap3A_624] {strides = array<i32>} : memref<512x128xf32, #tpu.memory_space<vmem>>, vector<1x16xf32>,
        %swap3A_626 = vector.shape_cast %swap3A_625 : vector<1x16xf32> to vector<16xf32>
        %swap3A_627 = vector.shape_cast %add3A_622 : vector<16xf32> to vector<1x16xf32>
        tpu.vector_store %arg15[%swap3A_623, %swap3A_624], %swap3A_627 {strides = array<i32>} : memref<512x128xf32, #tpu.memory_space<vmem>>, vector<1x16xf32>,
        %mul3A_628 = arith.mulf %broadcast_in_dim3A_602, %get3A_41 : vector<16xf32>
        %add3A_629 = arith.addf %mul3A_628, %get3A_65 : vector<16xf32>
        %swap3A_630 = arith.index_cast %add3A_606 : i32 to index
        %swap3A_631 = arith.constant 112 : index
        %swap3A_632 = tpu.vector_load %arg15[%swap3A_630, %swap3A_631] {strides = array<i32>} : memref<512x128xf32, #tpu.memory_space<vmem>>, vector<1x16xf32>,
        %swap3A_633 = vector.shape_cast %swap3A_632 : vector<1x16xf32> to vector<16xf32>
        %swap3A_634 = vector.shape_cast %add3A_629 : vector<16xf32> to vector<1x16xf32>
        tpu.vector_store %arg15[%swap3A_630, %swap3A_631], %swap3A_634 {strides = array<i32>} : memref<512x128xf32, #tpu.memory_space<vmem>>, vector<1x16xf32>,
        %slice3A_635 = vector.extract_strided_slice %max3A_147 {offsets = [14], sizes = [1], strides = [1]} : vector<16xf32> to vector<1xf32>
        %squeeze3A_636 = vector.extract %slice3A_635[0] : f32 from vector<1xf32>
        %broadcast_in_dim3A_637 = vector.broadcast %squeeze3A_636 : f32 to vector<16xf32>
        %mul3A_638 = arith.constant 16 : i32
        %mul3A_639 = arith.muli %while3A_134, %mul3A_638 : i32
        %add3A_640 = arith.constant 14 : i32
        %add3A_641 = arith.addi %mul3A_639, %add3A_640 : i32
        %mul3A_642 = arith.mulf %broadcast_in_dim3A_637, %get3A_32 : vector<16xf32>
        %add3A_643 = arith.addf %mul3A_642, %get3A_56 : vector<16xf32>
        %swap3A_644 = arith.index_cast %add3A_641 : i32 to index
        %swap3A_645 = arith.constant 64 : index
        %swap3A_646 = tpu.vector_load %arg15[%swap3A_644, %swap3A_645] {strides = array<i32>} : memref<512x128xf32, #tpu.memory_space<vmem>>, vector<1x16xf32>,
        %swap3A_647 = vector.shape_cast %swap3A_646 : vector<1x16xf32> to vector<16xf32>
        %swap3A_648 = vector.shape_cast %add3A_643 : vector<16xf32> to vector<1x16xf32>
        tpu.vector_store %arg15[%swap3A_644, %swap3A_645], %swap3A_648 {strides = array<i32>} : memref<512x128xf32, #tpu.memory_space<vmem>>, vector<1x16xf32>,
        %mul3A_649 = arith.mulf %broadcast_in_dim3A_637, %get3A_35 : vector<16xf32>
        %add3A_650 = arith.addf %mul3A_649, %get3A_59 : vector<16xf32>
        %swap3A_651 = arith.index_cast %add3A_641 : i32 to index
        %swap3A_652 = arith.constant 80 : index
        %swap3A_653 = tpu.vector_load %arg15[%swap3A_651, %swap3A_652] {strides = array<i32>} : memref<512x128xf32, #tpu.memory_space<vmem>>, vector<1x16xf32>,
        %swap3A_654 = vector.shape_cast %swap3A_653 : vector<1x16xf32> to vector<16xf32>
        %swap3A_655 = vector.shape_cast %add3A_650 : vector<16xf32> to vector<1x16xf32>
        tpu.vector_store %arg15[%swap3A_651, %swap3A_652], %swap3A_655 {strides = array<i32>} : memref<512x128xf32, #tpu.memory_space<vmem>>, vector<1x16xf32>,
        %mul3A_656 = arith.mulf %broadcast_in_dim3A_637, %get3A_38 : vector<16xf32>
        %add3A_657 = arith.addf %mul3A_656, %get3A_62 : vector<16xf32>
        %swap3A_658 = arith.index_cast %add3A_641 : i32 to index
        %swap3A_659 = arith.constant 96 : index
        %swap3A_660 = tpu.vector_load %arg15[%swap3A_658, %swap3A_659] {strides = array<i32>} : memref<512x128xf32, #tpu.memory_space<vmem>>, vector<1x16xf32>,
        %swap3A_661 = vector.shape_cast %swap3A_660 : vector<1x16xf32> to vector<16xf32>
        %swap3A_662 = vector.shape_cast %add3A_657 : vector<16xf32> to vector<1x16xf32>
        tpu.vector_store %arg15[%swap3A_658, %swap3A_659], %swap3A_662 {strides = array<i32>} : memref<512x128xf32, #tpu.memory_space<vmem>>, vector<1x16xf32>,
        %mul3A_663 = arith.mulf %broadcast_in_dim3A_637, %get3A_41 : vector<16xf32>
        %add3A_664 = arith.addf %mul3A_663, %get3A_65 : vector<16xf32>
        %swap3A_665 = arith.index_cast %add3A_641 : i32 to index
        %swap3A_666 = arith.constant 112 : index
        %swap3A_667 = tpu.vector_load %arg15[%swap3A_665, %swap3A_666] {strides = array<i32>} : memref<512x128xf32, #tpu.memory_space<vmem>>, vector<1x16xf32>,
        %swap3A_668 = vector.shape_cast %swap3A_667 : vector<1x16xf32> to vector<16xf32>
        %swap3A_669 = vector.shape_cast %add3A_664 : vector<16xf32> to vector<1x16xf32>
        tpu.vector_store %arg15[%swap3A_665, %swap3A_666], %swap3A_669 {strides = array<i32>} : memref<512x128xf32, #tpu.memory_space<vmem>>, vector<1x16xf32>,
        %slice3A_670 = vector.extract_strided_slice %max3A_147 {offsets = [15], sizes = [1], strides = [1]} : vector<16xf32> to vector<1xf32>
        %squeeze3A_671 = vector.extract %slice3A_670[0] : f32 from vector<1xf32>
        %broadcast_in_dim3A_672 = vector.broadcast %squeeze3A_671 : f32 to vector<16xf32>
        %mul3A_673 = arith.constant 16 : i32
        %mul3A_674 = arith.muli %while3A_134, %mul3A_673 : i32
        %add3A_675 = arith.constant 15 : i32
        %add3A_676 = arith.addi %mul3A_674, %add3A_675 : i32
        %mul3A_677 = arith.mulf %broadcast_in_dim3A_672, %get3A_32 : vector<16xf32>
        %add3A_678 = arith.addf %mul3A_677, %get3A_56 : vector<16xf32>
        %swap3A_679 = arith.index_cast %add3A_676 : i32 to index
        %swap3A_680 = arith.constant 64 : index
        %swap3A_681 = tpu.vector_load %arg15[%swap3A_679, %swap3A_680] {strides = array<i32>} : memref<512x128xf32, #tpu.memory_space<vmem>>, vector<1x16xf32>,
        %swap3A_682 = vector.shape_cast %swap3A_681 : vector<1x16xf32> to vector<16xf32>
        %swap3A_683 = vector.shape_cast %add3A_678 : vector<16xf32> to vector<1x16xf32>
        tpu.vector_store %arg15[%swap3A_679, %swap3A_680], %swap3A_683 {strides = array<i32>} : memref<512x128xf32, #tpu.memory_space<vmem>>, vector<1x16xf32>,
        %mul3A_684 = arith.mulf %broadcast_in_dim3A_672, %get3A_35 : vector<16xf32>
        %add3A_685 = arith.addf %mul3A_684, %get3A_59 : vector<16xf32>
        %swap3A_686 = arith.index_cast %add3A_676 : i32 to index
        %swap3A_687 = arith.constant 80 : index
        %swap3A_688 = tpu.vector_load %arg15[%swap3A_686, %swap3A_687] {strides = array<i32>} : memref<512x128xf32, #tpu.memory_space<vmem>>, vector<1x16xf32>,
        %swap3A_689 = vector.shape_cast %swap3A_688 : vector<1x16xf32> to vector<16xf32>
        %swap3A_690 = vector.shape_cast %add3A_685 : vector<16xf32> to vector<1x16xf32>
        tpu.vector_store %arg15[%swap3A_686, %swap3A_687], %swap3A_690 {strides = array<i32>} : memref<512x128xf32, #tpu.memory_space<vmem>>, vector<1x16xf32>,
        %mul3A_691 = arith.mulf %broadcast_in_dim3A_672, %get3A_38 : vector<16xf32>
        %add3A_692 = arith.addf %mul3A_691, %get3A_62 : vector<16xf32>
        %swap3A_693 = arith.index_cast %add3A_676 : i32 to index
        %swap3A_694 = arith.constant 96 : index
        %swap3A_695 = tpu.vector_load %arg15[%swap3A_693, %swap3A_694] {strides = array<i32>} : memref<512x128xf32, #tpu.memory_space<vmem>>, vector<1x16xf32>,
        %swap3A_696 = vector.shape_cast %swap3A_695 : vector<1x16xf32> to vector<16xf32>
        %swap3A_697 = vector.shape_cast %add3A_692 : vector<16xf32> to vector<1x16xf32>
        tpu.vector_store %arg15[%swap3A_693, %swap3A_694], %swap3A_697 {strides = array<i32>} : memref<512x128xf32, #tpu.memory_space<vmem>>, vector<1x16xf32>,
        %mul3A_698 = arith.mulf %broadcast_in_dim3A_672, %get3A_41 : vector<16xf32>
        %add3A_699 = arith.addf %mul3A_698, %get3A_65 : vector<16xf32>
        %swap3A_700 = arith.index_cast %add3A_676 : i32 to index
        %swap3A_701 = arith.constant 112 : index
        %swap3A_702 = tpu.vector_load %arg15[%swap3A_700, %swap3A_701] {strides = array<i32>} : memref<512x128xf32, #tpu.memory_space<vmem>>, vector<1x16xf32>,
        %swap3A_703 = vector.shape_cast %swap3A_702 : vector<1x16xf32> to vector<16xf32>
        %swap3A_704 = vector.shape_cast %add3A_699 : vector<16xf32> to vector<1x16xf32>
        tpu.vector_store %arg15[%swap3A_700, %swap3A_701], %swap3A_704 {strides = array<i32>} : memref<512x128xf32, #tpu.memory_space<vmem>>, vector<1x16xf32>,
        %while3A_705 = arith.constant 0 : i32
        scf.yield %while3A_705 : i32
      }
      %mul3A_115 = arith.constant 128 : i32
      %mul3A_116 = arith.muli %scan3A_80, %mul3A_115 : i32
      %mul3A_117 = arith.constant 128 : i32
      %mul3A_118 = arith.muli %scan3A_80, %mul3A_117 : i32
      %mul3A_119 = arith.constant 128 : i32
      %mul3A_120 = arith.muli %scan3A_80, %mul3A_119 : i32
      %dma_start3A_121 = arith.constant 0 : i32
      %dma_start3A_122 = tpu.memref_slice %arg15[%mul3A_116, %dma_start3A_121] : memref<512x128xf32, #tpu.memory_space<vmem>> -> memref<128x128xf32, #tpu.memory_space<vmem>>
      %dma_start3A_123 = tpu.memref_slice %arg10[%mul3A_118] : memref<512xi32, #tpu.memory_space<vmem>> -> memref<128xi32, #tpu.memory_space<vmem>>
      %dma_start3A_124 = arith.constant 0 : i32
      %dma_start3A_125 = arith.constant 0 : i32
      %dma_start3A_126 = tpu.memref_slice %arg5[%dma_start3A_124, %dma_start3A_125] : memref<100000x128xf32, #tpu.memory_space<hbm>> -> memref<100000x128xf32, #tpu.memory_space<hbm>>
      tpu.enqueue_indirect_dma source(%dma_start3A_126 : memref<100000x128xf32, #tpu.memory_space<hbm>>) target(%dma_start3A_122 : memref<128x128xf32, #tpu.memory_space<vmem>>) offsets(%dma_start3A_123 : memref<128xi32, #tpu.memory_space<vmem>>) semaphore(%arg17 : memref<!tpu.dma_semaphore, #tpu.memory_space<semaphore_mem>>) {add = true}
      %dma_start3A_127 = arith.constant 0 : i32
      %dma_start3A_128 = tpu.memref_slice %arg15[%mul3A_116, %dma_start3A_127] : memref<512x128xf32, #tpu.memory_space<vmem>> -> memref<128x128xf32, #tpu.memory_space<vmem>>
      %dma_start3A_129 = tpu.memref_slice %arg11[%mul3A_120] : memref<512xi32, #tpu.memory_space<vmem>> -> memref<128xi32, #tpu.memory_space<vmem>>
      %dma_start3A_130 = arith.constant 0 : i32
      %dma_start3A_131 = arith.constant 0 : i32
      %dma_start3A_132 = tpu.memref_slice %arg6[%dma_start3A_130, %dma_start3A_131] : memref<1001x128xf32, #tpu.memory_space<hbm>> -> memref<1001x128xf32, #tpu.memory_space<hbm>>
      tpu.enqueue_indirect_dma source(%dma_start3A_132 : memref<1001x128xf32, #tpu.memory_space<hbm>>) target(%dma_start3A_128 : memref<128x128xf32, #tpu.memory_space<vmem>>) offsets(%dma_start3A_129 : memref<128xi32, #tpu.memory_space<vmem>>) semaphore(%arg17 : memref<!tpu.dma_semaphore, #tpu.memory_space<semaphore_mem>>) {add = true}
      %scan3A_133 = arith.constant 0 : i32
      scf.yield %scan3A_133 : i32
    }
    %scan3A_72 = arith.constant 4 : i32
    %scan3A_73 = arith.constant 0 : i32
    %scan3A_74 = arith.constant 0 : i32
    %scan3A_75 = arith.constant 4 : i32
    %scan3A_76 = arith.addi %scan3A_74, %scan3A_75 : i32
    %scan3A_77 = arith.constant 1 : i32
    %scan3A_78 = scf.for %scan3A_80 = %scan3A_74 to %scan3A_76 step %scan3A_77 iter_args(%scan3A_81 = %scan3A_73) -> (i32)  : i32 {
      %mul3A_82 = arith.constant 128 : i32
      %mul3A_83 = arith.muli %scan3A_80, %mul3A_82 : i32
      %mul3A_84 = arith.constant 128 : i32
      %mul3A_85 = arith.muli %scan3A_80, %mul3A_84 : i32
      %mul3A_86 = arith.constant 128 : i32
      %mul3A_87 = arith.muli %scan3A_80, %mul3A_86 : i32
      %dma_wait3A_88 = arith.constant 0 : i32
      %dma_wait3A_89 = tpu.memref_slice %arg15[%mul3A_83, %dma_wait3A_88] : memref<512x128xf32, #tpu.memory_space<vmem>> -> memref<128x128xf32, #tpu.memory_space<vmem>>
      %dma_wait3A_90 = tpu.memref_slice %arg10[%mul3A_85] : memref<512xi32, #tpu.memory_space<vmem>> -> memref<128xi32, #tpu.memory_space<vmem>>
      %dma_wait3A_91 = arith.constant 0 : i32
      %dma_wait3A_92 = arith.constant 0 : i32
      %dma_wait3A_93 = tpu.memref_slice %arg5[%dma_wait3A_91, %dma_wait3A_92] : memref<100000x128xf32, #tpu.memory_space<hbm>> -> memref<100000x128xf32, #tpu.memory_space<hbm>>
      tpu.wait_indirect_dma semaphore(%arg17 : memref<!tpu.dma_semaphore, #tpu.memory_space<semaphore_mem>>) src(%dma_wait3A_93 : memref<100000x128xf32, #tpu.memory_space<hbm>>) dst(%dma_wait3A_89 : memref<128x128xf32, #tpu.memory_space<vmem>>)
      %dma_wait3A_94 = arith.constant 0 : i32
      %dma_wait3A_95 = tpu.memref_slice %arg15[%mul3A_83, %dma_wait3A_94] : memref<512x128xf32, #tpu.memory_space<vmem>> -> memref<128x128xf32, #tpu.memory_space<vmem>>
      %dma_wait3A_96 = tpu.memref_slice %arg11[%mul3A_87] : memref<512xi32, #tpu.memory_space<vmem>> -> memref<128xi32, #tpu.memory_space<vmem>>
      %dma_wait3A_97 = arith.constant 0 : i32
      %dma_wait3A_98 = arith.constant 0 : i32
      %dma_wait3A_99 = tpu.memref_slice %arg6[%dma_wait3A_97, %dma_wait3A_98] : memref<1001x128xf32, #tpu.memory_space<hbm>> -> memref<1001x128xf32, #tpu.memory_space<hbm>>
      tpu.wait_indirect_dma semaphore(%arg17 : memref<!tpu.dma_semaphore, #tpu.memory_space<semaphore_mem>>) src(%dma_wait3A_99 : memref<1001x128xf32, #tpu.memory_space<hbm>>) dst(%dma_wait3A_95 : memref<128x128xf32, #tpu.memory_space<vmem>>)
      %scan3A_100 = arith.constant 0 : i32
      scf.yield %scan3A_100 : i32
    }
    %scan3A_79 = arith.constant 4 : i32
    "tpu.region"() ({
      %run_scoped3A = tpu.sem_alloc : memref<!tpu.dma_semaphore, #tpu.memory_space<semaphore_mem>>
      %dma_start3A_80 = arith.constant 0 : i32
      %dma_start3A_81 = tpu.memref_slice %arg9[%mul3A_2, %dma_start3A_80] : memref<16384x128xf32, #tpu.memory_space<hbm>> -> memref<512x128xf32, #tpu.memory_space<hbm>>
      %dma_start3A_82 = arith.constant 0 : i32
      %dma_start3A_83 = tpu.memref_slice %arg9[%mul3A_2, %dma_start3A_82] : memref<16384x128xf32, #tpu.memory_space<hbm>> -> memref<512x128xf32, #tpu.memory_space<hbm>>
      tpu.enqueue_dma source(%arg15 : memref<512x128xf32, #tpu.memory_space<vmem>>) target(%dma_start3A_83 : memref<512x128xf32, #tpu.memory_space<hbm>>) target_semaphore(%run_scoped3A : memref<!tpu.dma_semaphore, #tpu.memory_space<semaphore_mem>>)
      %dma_wait3A_84 = arith.constant 0 : i32
      %dma_wait3A_85 = tpu.memref_slice %arg9[%mul3A_2, %dma_wait3A_84] : memref<16384x128xf32, #tpu.memory_space<hbm>> -> memref<512x128xf32, #tpu.memory_space<hbm>>
      %dma_wait3A_86 = arith.constant 0 : i32
      %dma_wait3A_87 = tpu.memref_slice %arg9[%mul3A_2, %dma_wait3A_86] : memref<16384x128xf32, #tpu.memory_space<hbm>> -> memref<512x128xf32, #tpu.memory_space<hbm>>
      tpu.wait_dma2 semaphore(%run_scoped3A : memref<!tpu.dma_semaphore, #tpu.memory_space<semaphore_mem>>) src(%arg15 : memref<512x128xf32, #tpu.memory_space<vmem>>) dst(%dma_wait3A_87 : memref<512x128xf32, #tpu.memory_space<hbm>>)
      tpu.yield
    }) : () -> ()
    return
  }
}

</mosaic_0001>

<sc_bundles>
// kernel: kernel.3.cloned.1.call-start
scs
__scs_entry_jumppad:
0x0: {  	(pc) =	sbr.rel $0x88, $3  }
0x1: {  	(tag) =	ssettag $0x0;
	lr =	simm.s32 $0x1  }
0x2: {  	[smem:$0x3F9A] =	sst lr;
	_ =	strace $0xD0000000  }
0x3: {  	_ = 	snop  }
0x4: {  	_ = 	snop  }
0x5: {  	_ = 	snop  }
0x6: {  	_ = 	snop  }
0x7: {  	_ = 	snop  }
__scs_overlays_trampoline_lowered:
0x8: {  	[smem:$0x3FA9] =	sst s0  }
0x9: {  	[smem:$0x3FAA] =	sst s1  }
0xa: {  	[smem:$0x3FAB] =	sst s2  }
0xb: {  	[smem:$0x3FAC] =	sst s3  }
0xc: {  	[smem:$0x3FAD] =	sst s4  }
0xd: {  	[smem:$0x3FAE] =	sst s5  }
0xe: {  	[smem:$0x3FAF] =	sst s6  }
0xf: {  	[smem:$0x3FB0] =	sst s7  }
0x10: {  	[smem:$0x3FB1] =	sst s8  }
0x11: {  	[smem:$0x3FB2] =	sst s9;
	s0 =	simm.s32 @!p0 $0x0  }
0x12: {  	s1 =	sld [smem:$0x3F98];
	s0 =	simm.s32 @p0 $0x1  }
0x13: {  	[smem:$0x3FB3] =	sst s0;
	s0 =	simm.s32 @!p1 $0x0  }
0x14: {  	s2 =	sld [smem:$0x3F97];
	s0 =	simm.s32 @p1 $0x1  }
0x15: {  	[smem:$0x3FB4] =	sst s0;
	s0 =	simm.s32 @!p2 $0x0  }
0x16: {  	s3 =	sld [smem:$0x3FDB];
	s0 =	simm.s32 @p2 $0x1  }
0x17: {  	s4 =	simm.s32 $0x1BF5;
	[smem:$0x3FB6] =	sst s0  }
0x18: {  	s0 =	sld [smem:$0x3F99];
	_ =	swait.ge [sflag:s4], $0x0  }
0x19: {  	s7 =	sld [smem:$0x3F9A]  }
0x1a: {  	s8 =	sadd.s32 $0xFFFFE003, lr  }
0x1b: {  	s9 =	sadd.s32 $0xFFFFFEF7, lr;
	s5 =	simm.s32 $0xFFFFFFFF;
	p2 =	slt.u32 s8, $0xFFFFF086  }
0x1c: {  	p1 =	slt.u32 s9, $0xF7A;
	s5 =	simm.s32 @!p2 $0x0  }
0x1d: {  	s5 =	simm.s32 @p1 $0x1;
	p0 =	seq.s32 s7, s2  }
0x1e: {  	s7 =	smul.u32 @!p0 $0xF7A, s2;
	p2 =	seq.s32 @!p0 s5, $0x0  }
0x1f: {  	s9 =	smul.u32 $0xF7A, s1;
	s8 =	simm.s32 @!p0 $0x1BF5;
	p2 =	por !p2, p0  }
0x20: {  	[sflag:s8] =	ssyncset.s32 @!p0 $0xFFFFF086;
	s6 =	sadd.s32 @!p0 s3, s7;
	s7 =	simm.s32 @!p0 $0x108  }
0x21: {  	s3 =	sadd.s32 s3, s9;
	s6 =	sadd.s32 @!p0 $0x88, s6;
	s7 =	simm.s32 @p2 $0x1082  }
0x22: {  	[simem:s7], [sflag:s8] =	dma.local @!p0 [hbm:s6], $0xF7A  }
0x23: {  	s9 =	sor.u32 $0xD0000000, s2;
	s6 =	simm.s32 $0x108;
	_ =	swait.ge @!p0 [sflag:s8], $0x0  }
0x24: {  	s3 =	sadd.s32 $0x88, s3;
	s6 =	simm.s32 @!p1 $0x1082;
	[sflag:s4] =	ssyncset.s32 $0xFFFFF086  }
0x25: {  	[simem:s6], [sflag:s4] =	dma.local [hbm:s3], $0xF7A  }
0x26: {  	[smem:$0x3F9A] =	sst s1;
	(tag) =	ssettag s2;
	_ =	strace s9  }
0x27: {  	s1 =	sld [smem:$0x3FAA]  }
0x28: {  	s2 =	sld [smem:$0x3FAB]  }
0x29: {  	s4 =	sld [smem:$0x3FAD]  }
0x2a: {  	p0 =	seq.s32 s5, $0x0;
	s5 =	sld [smem:$0x3FAE]  }
0x2b: {  	s6 =	sld [smem:$0x3FAF]  }
0x2c: {  	s7 =	sld [smem:$0x3FB0]  }
0x2d: {  	s3 =	simm.s32 $0x108;
	s8 =	sld [smem:$0x3FB1]  }
0x2e: {  	s3 =	simm.s32 @!p0 $0x1082;
	s9 =	sld [smem:$0x3FB2]  }
0x2f: {  	lr =	sadd.s32 s0, s3;
	s0 =	sld [smem:$0x3FA9]  }
0x30: {  	s3 =	sld [smem:$0x3FAC]  }
0x31: {  	[smem:$0x3FB5] =	sst s10  }
0x32: {  	s10 =	sld [smem:$0x3FB3];
	_ =	sdelay $0x3  }
0x33: {  	p0 =	seq.s32 s10, $0x1;
	s10 =	sld [smem:$0x3FB5];
	_ =	sdelay $0x3  }
0x34: {  	[smem:$0x3FB5] =	sst s10  }
0x35: {  	s10 =	sld [smem:$0x3FB4];
	_ =	sdelay $0x3  }
0x36: {  	p1 =	seq.s32 s10, $0x1;
	s10 =	sld [smem:$0x3FB5];
	_ =	sdelay $0x3  }
0x37: {  	[smem:$0x3FB5] =	sst s10  }
0x38: {  	s10 =	sld [smem:$0x3FB6]  }
0x39: {  	_ = 	snop;
	(pc) =	sbr.ind lr, $3  }
0x3a: {  	_ = 	snop  }
0x3b: {  	_ = 	snop  }
0x3c: {  	p2 =	seq.s32 s10, $0x1;
	s10 =	sld [smem:$0x3FB5]  }
0x3d: {  	_ =	shalt  }
0x3e: {  	_ =	shalt  }
0x3f: {  	_ =	shalt  }
0x40: {  	_ =	shalt  }
0x41: {  	_ =	shalt  }
0x42: {  	_ =	shalt  }
0x43: {  	_ =	shalt  }
0x44: {  	_ =	shalt  }
0x45: {  	_ =	shalt  }
0x46: {  	_ =	shalt  }
0x47: {  	_ =	shalt  }
0x48: {  	_ =	shalt  }
0x49: {  	_ =	shalt  }
0x4a: {  	_ =	shalt  }
0x4b: {  	_ =	shalt  }
0x4c: {  	_ =	shalt  }
0x4d: {  	_ =	shalt  }
0x4e: {  	_ =	shalt  }
0x4f: {  	_ =	shalt  }
0x50: {  	_ =	shalt  }
0x51: {  	_ =	shalt  }
0x52: {  	_ =	shalt  }
0x53: {  	_ =	shalt  }
0x54: {  	_ =	shalt  }
0x55: {  	_ =	shalt  }
0x56: {  	_ =	shalt  }
0x57: {  	_ =	shalt  }
0x58: {  	_ =	shalt  }
0x59: {  	_ =	shalt  }
0x5a: {  	_ =	shalt  }
0x5b: {  	_ =	shalt  }
0x5c: {  	_ =	shalt  }
0x5d: {  	_ =	shalt  }
0x5e: {  	_ =	shalt  }
0x5f: {  	_ =	shalt  }
0x60: {  	_ =	shalt  }
0x61: {  	_ =	shalt  }
0x62: {  	_ =	shalt  }
0x63: {  	_ =	shalt  }
0x64: {  	_ =	shalt  }
0x65: {  	_ =	shalt  }
0x66: {  	_ =	shalt  }
0x67: {  	_ =	shalt  }
0x68: {  	_ =	shalt  }
0x69: {  	_ =	shalt  }
0x6a: {  	_ =	shalt  }
0x6b: {  	_ =	shalt  }
0x6c: {  	_ =	shalt  }
0x6d: {  	_ =	shalt  }
0x6e: {  	_ =	shalt  }
0x6f: {  	_ =	shalt  }
0x70: {  	_ =	shalt  }
0x71: {  	_ =	shalt  }
0x72: {  	_ =	shalt  }
0x73: {  	_ =	shalt  }
0x74: {  	_ =	shalt  }
0x75: {  	_ =	shalt  }
0x76: {  	_ =	shalt  }
0x77: {  	_ =	shalt  }
0x78: {  	_ =	shalt  }
0x79: {  	_ =	shalt  }
0x7a: {  	_ =	shalt  }
0x7b: {  	_ =	shalt  }
0x7c: {  	_ =	shalt  }
0x7d: {  	_ =	shalt  }
0x7e: {  	_ =	shalt  }
0x7f: {  	_ =	shalt  }
0x80: {  	_ =	shalt  }
0x81: {  	_ =	shalt  }
0x82: {  	_ =	shalt  }
0x83: {  	_ =	shalt  }
0x84: {  	_ =	shalt  }
0x85: {  	_ =	shalt  }
0x86: {  	_ =	shalt  }
0x87: {  	_ =	shalt  }
.Lfunc_end0:
.L_simem_size_0:
called_computation_lowered:
.L_overlay_start_0:
0x88: {  	s2 =	sld [smem:$0x3FD9]  }
0x89: {  	s3 =	sld [smem:$0x3FFE];
	_ =	sdelay $0x1  }
0x8a: {  	s1 =	srdreg.scid  }
0x8b: {  	s0 =	sand.u32 $0x1, s1  }
0x8c: {  	s18 =	sshll.u32 s0, $0xA;
	s2 =	sadd.s32 s3, s2  }
0x8d: {  	s2 =	sadd.s32 s2, s18  }
0x8e: {  	[smem:$0x3FC1] =	sst s2  }
0x8f: {  	_ = 	snop  }
0x90: {  	s2 =	sld [smem:$0x3FC9]  }
0x91: {  	s19 =	sld [smem:$0x3FC8]  }
0x92: {  	s4 =	sld [smem:$0x3FC7]  }
0x93: {  	s5 =	sld [smem:$0x3FC6]  }
0x94: {  	s6 =	sld [smem:$0x3FC5]  }
0x95: {  	s7 =	sld [smem:$0x3FC4]  }
0x96: {  	s8 =	sld [smem:$0x3FC3]  }
0x97: {  	s9 =	sld [smem:$0x3FD0];
	(tm) =	ssettm $0x1  }
0x98: {  	s10 =	sld [smem:$0x3FFB];
	_ =	sdelay $0x3  }
0x99: {  	_ =	strace s10  }
0x9a: {  	s10 =	sld [smem:$0x3FFC];
	_ =	sdelay $0x3  }
0x9b: {  	_ =	strace s10  }
0x9c: {  	s10 =	sld [smem:$0x3FFD];
	_ =	sdelay $0x3  }
0x9d: {  	_ =	strace s10  }
0x9e: {  	_ =	strace $0x8FFFFFFF  }
0x9f: {  	s20 =	sld [smem:$0x3FDB];
	_ =	sdelay $0x1  }
0xa0: {  	s11 =	simm.s32 $_scs_section_size  }
0xa1: {  	s12 =	simm.s32 $_size__tile_overlayer_lowered;
	s13 =	simm.s32 $_tile_overlayer_lowered  }
0xa2: {  	s23 =	simm.s32 $0x1BFF;
	s22 =	sshll.u32 s13, $0x1;
	s10 =	sadd.s32 s11, s20  }
0xa3: {  	s14 =	simm.s32 $0x0;
	s21 =	sshll.u32 s12, $0x1;
	s12 =	sadd.s32 s22, s10  }
0xa4: {  	[timem:s14], [sflag:s23] =	dma.local [hbm:s12], s21  }
0xa5: {  	_ =	swait.ge [sflag:s23], s21  }
0xa6: {  	s11 =	ssub.s32 $0x0, s21;
	[sflag:s23] =	ssyncset.done $0x0  }
0xa7: {  	[sflag:s23] =	ssyncadd.s32 s11;
	_ =	sdelay $0x1  }
0xa8: {  	s24 =	simm.s32 $0x1B8B  }
0xa9: {  	_ =	swait.ge [sflag:s24], $0x1  }
0xaa: {  	[sflag:s24] =	ssyncset.done $0x0  }
0xab: {  	s25 =	simm.s32 $0x1B8E;
	[sflag:s24] =	ssyncadd.s32 $0xFFFFFFFF  }
0xac: {  	s26 =	simm.s32 $execute0_lowered;
	[smem:$0x3FD2] =	sst s25  }
0xad: {  	s11 =	sshll.u32 s26, $0x1;
	_ =	strace $0x80000046;
	[dreg:$0x1] =	wrdreg $0xFFFFFFFF  }
0xae: {  	s28 =	simm.s32 $_size_execute0_lowered;
	s10 =	sadd.s32 s10, s11;
	[dreg:$0x0] =	wrdreg $0x0  }
0xaf: {  	s11 =	sshll.u32 s28, $0x1;
	[dreg:$0x2] =	wrdreg s10  }
0xb0: {  	[dreg:$0x3] =	wrdreg s11  }
0xb1: {  	[dreg:$0x4] =	wrdreg $0xC0  }
0xb2: {  	_ =	task [dreg:s14], $0x5FFFF  }
0xb3: {  	[dreg:$0x1] =	wrdreg $0xFFFFFFFF  }
0xb4: {  	[dreg:$0x0] =	wrdreg $0x60  }
0xb5: {  	[dreg:$0x2] =	wrdreg s2  }
0xb6: {  	[dreg:$0x3] =	wrdreg s19  }
0xb7: {  	[dreg:$0x4] =	wrdreg s4  }
0xb8: {  	[dreg:$0x5] =	wrdreg s5  }
0xb9: {  	[dreg:$0x6] =	wrdreg s6  }
0xba: {  	[dreg:$0x7] =	wrdreg s7  }
0xbb: {  	[dreg:$0x8] =	wrdreg s8  }
0xbc: {  	[dreg:$0x9] =	wrdreg s9  }
0xbd: {  	[dreg:$0xa] =	wrdreg $0x9  }
0xbe: {  	_ =	task.clear_ibuf [dreg:s14], $0xBFFFF;
	_ =	strace $0x90000046  }
0xbf: {  	s29 =	simm.s32 $0x9;
	_ =	strace $0x80000048  }
0xc0: {  	_ =	swait.ge [sflag:s29], $0x1  }
0xc1: {  	[sflag:s29] =	ssyncadd.s32 $0xFFFFFFFF  }
0xc2: {  	_ =	strace $0x90000048  }
0xc3: {  	_ =	sfence  }
0xc4: {  	s30 =	sld [smem:$0x0];
	_ =	sdelay $0x2  }
0xc5: {  	s31 =	sshll.u32 s1, $0xD;
	s1 =	sshrl.u32 s1, $0x2  }
0xc6: {  	s3 =	sand.u32 $0x4000, s31;
	s1 =	sadd.s32 s1, s30  }
0xc7: {  	s0 =	sor.u32 s3, s0;
	s1 =	sshll.u32 s1, $0x11  }
0xc8: {  	s0 =	sor.u32 s1, s0  }
0xc9: {  	s0 =	sadd.s32 $0x8F2B, s0  }
0xca: {  	[sflag:s0] =	ssyncadd.remote.s32 $0x1  }
0xcb: {  	_ =	sfence.sel $0xFFFF  }
0xcc: {  	[dreg:$0x0] =	wrdreg $0xFFFFFFFF;
	(pc) =	sbr.abs _section_cstart, $3  }
0xcd: {  	[dreg:$0x1] =	wrdreg $0xFFFFFFFF  }
0xce: {  	_ =	task.clear_ibuf [dreg:s14], $0x2FFFF;
	_ =	strace $0x9FFFFFFF  }
0xcf: {  	(tm) =	ssettm $0x7FFFFFFF  }
tec
execute0_lowered:
.L_overlay_start_1:
0x0: {  	(tag) =	ssettag $0x1  }
0x1: {  	s7 =	rddreg [dreg:$0x0]  }
0x2: {  	s8 =	rddreg [dreg:$0x1]  }
0x3: {  	s9 =	rddreg [dreg:$0x2]  }
0x4: {  	s0 =	rddreg [dreg:$0x3]  }
0x5: {  	s1 =	rddreg [dreg:$0x4]  }
0x6: {  	s4 =	rddreg [dreg:$0x5]  }
0x7: {  	s5 =	rddreg [dreg:$0x6];
	s2 =	srdreg.scid  }
0x8: {  	s10 =	rddreg [dreg:$0x7];
	s3 =	stileid.u32;
	s6 =	simm.s32 $0x0  }
0x9: {  	s15 =	simm.s32 $0x680;
	s16 =	simm.s32 $0x1;
	s17 =	simm.s32 $0x80  }
0xa: {  	s18 =	simm.s32 $0x2;
	s19 =	simm.s32 $0x700;
	s20 =	simm.s32 $0x3  }
0xb: {  	s21 =	simm.s32 $0x0;
	s11 =	sand.u32 $0x1, s2;
	s2 =	rddreg [dreg:$0x8]  }
0xc: {  	s12 =	sshll.u32 s3, $0xA;
	[smem:$0x7FF] =	sst s6;
	s13 =	sshll.u32 s11, $0x9  }
0xd: {  	s11 =	ssub.s32 $0x2, s11;
	_ =	strace $0x80000047;
	s12 =	sor.u32 s13, s12  }
0xe: {  	s31 =	sshrl.u32 s11, $0x1;
	s13 =	simm.s32 $0x400;
	s14 =	sshrl.u32 s12, $0x3  }
0xf: {  	s11 =	ssub.s32 s11, s31;
	s12 =	sshll.u32 s12, $0x4;
	s7 =	sadd.s32 s7, s14  }
0x10: {  	s8 =	sadd.s32 s8, s14;
	s9 =	sadd.s32 s9, s14;
	s10 =	sadd.s32 s10, s12  }
0x11: {  	s11 =	smax.u32 s11, $0x1;
	s12 =	simm.s32 $0x200;
	s14 =	simm.s32 $0x600  }
.LBB2_1:
0x12: {  	[tilespmem:s6], [sflag:$0x1] =	stream.linear.gather [hbm4b:s7+s6], $0x200, $0x38;
	[tilespmem:$0x10700] =	vst v63  }
0x13: {  	_ = 	snop  }
0x14: {  	[tilespmem:s12], [sflag:$0x1] =	stream.linear.gather [hbm4b:s8+s6], $0x200, $0x38;
	[tilespmem:$0x10700] =	vst v63  }
0x15: {  	_ = 	snop  }
0x16: {  	[tilespmem:s13], [sflag:$0x1] =	stream.linear.gather [hbm4b:s9+s6], $0x200, $0x38;
	[tilespmem:$0x10700] =	vst v63  }
0x17: {  	_ = 	snop  }
0x18: {  	[tilespmem:s14], [sflag:$0x1] =	stream.linear.gather [hbm4b:s4+s6], $0x80, $0x38;
	[tilespmem:$0x10700] =	vst v63  }
0x19: {  	_ = 	snop  }
0x1a: {  	[tilespmem:s15], [sflag:$0x1] =	stream.linear.gather [hbm4b:s5+s6], $0x80, $0x38;
	[tilespmem:$0x10700] =	vst v63  }
0x1b: {  	_ =	swait.ge [sflag:s16], $0x200  }
0x1c: {  	[sflag:s16] =	ssyncset.done $0x0  }
0x1d: {  	[sflag:s16] =	ssyncadd.s32 $0xFFFFFE00  }
0x1e: {  	_ =	swait.ge [sflag:s16], $0x200  }
0x1f: {  	[sflag:s16] =	ssyncset.done $0x0  }
0x20: {  	[sflag:s16] =	ssyncadd.s32 $0xFFFFFE00  }
0x21: {  	_ =	swait.ge [sflag:s16], $0x200  }
0x22: {  	[sflag:s16] =	ssyncset.done $0x0  }
0x23: {  	[sflag:s16] =	ssyncadd.s32 $0xFFFFFE00  }
0x24: {  	_ =	swait.ge [sflag:s16], $0x80  }
0x25: {  	[sflag:s16] =	ssyncset.done $0x0  }
0x26: {  	[sflag:s16] =	ssyncadd.s32 $0xFFFFFF80  }
0x27: {  	_ =	swait.ge [sflag:s16], $0x80  }
0x28: {  	[sflag:s16] =	ssyncset.done $0x0  }
0x29: {  	s22 =	simm.s32 $0x0;
	s23 =	simm.s32 $0x40;
	[sflag:s16] =	ssyncadd.s32 $0xFFFFFF80  }
.LBB2_2:
0x2a: {  	p0 =	sne.s32 s23, $0x7C0;
	v0 =	vld [tilespmem:s22+$0x200];
	_ =	sdelay $0x4  }
.Ltmp0:
0x2b: {  	vm0 =	vgt.s32 v0, $0x0;
	(pc) =	sbr.rel @p0 .LBB2_2-.Ltmp0, $4  }
0x2c: {  	vm1 =	vgt.s32 v0, $0x3E7;
	vm2 =	veq.s32 v0, $0xFFFFFFFF;
	v0 =	vnsel vm0, $0x0, v0  }
0x2d: {  	vm0 =	vmor vm1, vm2;
	v0 =	vmin.u32 v0, $0x3E8  }
0x2e: {  	v0 =	vsel vm0, $0x3E8, v0  }
0x2f: {  	[tilespmem:s22+$0x200] =	vst v0;
	s22 =	sshra.s32 s23, $0x2;
	s23 =	sadd.s32 $0x40, s23  }
0x30: {  	v0 =	vld [tilespmem:s22+$0x200];
	_ =	sdelay $0x4  }
0x31: {  	vm0 =	vgt.s32 v0, $0x0  }
0x32: {  	vm1 =	vgt.s32 v0, $0x3E7;
	vm2 =	veq.s32 v0, $0xFFFFFFFF;
	v0 =	vnsel vm0, $0x0, v0  }
0x33: {  	vm15 =	vmor vm1, vm2;
	v0 =	vmin.u32 v0, $0x3E8  }
0x34: {  	v0 =	vsel vm15, $0x3E8, v0  }
0x35: {  	[tilespmem:s22+$0x200] =	vst v0  }
0x36: {  	v0 =	vld [tilespmem:$0x600]  }
0x37: {  	v1 =	vld [tilespmem:$0x610]  }
0x38: {  	v2 =	vld [tilespmem:$0x620]  }
0x39: {  	v3 =	vld [tilespmem:$0x630]  }
0x3a: {  	v4 =	vld [tilespmem:$0x640]  }
0x3b: {  	v5 =	vld [tilespmem:$0x650]  }
0x3c: {  	v6 =	vld [tilespmem:$0x660]  }
0x3d: {  	v7 =	vld [tilespmem:$0x670]  }
0x3e: {  	v8 =	vld [tilespmem:$0x680]  }
0x3f: {  	v9 =	vld [tilespmem:$0x690]  }
0x40: {  	v10 =	vld [tilespmem:$0x6A0]  }
0x41: {  	v11 =	vld [tilespmem:$0x6B0]  }
0x42: {  	v12 =	vld [tilespmem:$0x6C0]  }
0x43: {  	v13 =	vld [tilespmem:$0x6D0]  }
0x44: {  	s25 =	simm.s32 $0x0;
	v14 =	vld [tilespmem:$0x6E0]  }
0x45: {  	s23 =	simm.s32 $0xB00;
	s24 =	simm.s32 $0xB40;
	s22 =	simm.s32 $0x400;
	v15 =	vld [tilespmem:$0x6F0]  }
.LBB2_4:
0x46: {  	v16 =	vmov s22;
	_ =	sdelay $0x3  }
0x47: {  	s26 =	simm.s32 $0x0  }
0x48: {  	v17 =	vld.idx.msk [tilespmem:v16+s26+$0x0 ss:$0x1], $0xffff;
	_ =	sdelay $0x4  }
0x49: {  	v18 =	vmul.f32 $0.0e+00, v17;
	_ =	sdelay $0x1  }
0x4a: {  	v17 =	vmax.f32 v17, $1.000000000e+00;
	vm0 =	veq.f32 v18, $0.0e+00  }
0x4b: {  	v17 =	vnsel vm0, $0x3F800000, v17  }
0x4c: {  	v18 =	vbroadcast v17, $0x0;
	_ =	sdelay $0x1  }
0x4d: {  	v19 =	vmul.f32 v18, v0  }
0x4e: {  	v20 =	vmul.f32 v18, v1  }
0x4f: {  	v21 =	vbroadcast v17, $0x1;
	v22 =	vmul.f32 v18, v2;
	v19 =	vadd.f32 v19, v8  }
0x50: {  	v18 =	vmul.f32 v18, v3;
	v20 =	vadd.f32 v20, v9  }
0x51: {  	v48 =	vbroadcast v17, $0x2;
	v23 =	vmul.f32 v21, v0;
	v22 =	vadd.f32 v22, v10;
	[tilespmem:s23+$0xFFFFFC00] =	vst v19  }
0x52: {  	v24 =	vmul.f32 v21, v2;
	v18 =	vadd.f32 v18, v11;
	[tilespmem:s23+$0xFFFFFC10] =	vst v20  }
0x53: {  	v31 =	vbroadcast v17, $0x7;
	v50 =	vmul.f32 v48, v1;
	v23 =	vadd.f32 v23, v8;
	[tilespmem:s23+$0xFFFFFC20] =	vst v22  }
0x54: {  	v56 =	vbroadcast v17, $0x4;
	v51 =	vmul.f32 v48, v2;
	v49 =	vadd.f32 v24, v10;
	[tilespmem:s23+$0xFFFFFC30] =	vst v18  }
0x55: {  	v35 =	vmul.f32 v31, v2;
	v52 =	vadd.f32 v50, v9;
	[tilespmem:s23+$0xFFFFFC80] =	vst v23  }
0x56: {  	v59 =	vmul.f32 v56, v1;
	v53 =	vadd.f32 v51, v10;
	[tilespmem:s23+$0xFFFFFCA0] =	vst v49  }
0x57: {  	v37 =	vadd.f32 v35, v10;
	v19 =	vmul.f32 v21, v1;
	[tilespmem:s23+$0xFFFFFD10] =	vst v52  }
0x58: {  	v21 =	vmul.f32 v21, v3;
	[tilespmem:s23+$0xFFFFFD20] =	vst v53;
	v22 =	vadd.f32 v59, v9  }
0x59: {  	v28 =	vbroadcast v17, $0x6;
	v18 =	vmul.f32 v48, v0;
	[tilespmem:s23+$0xFFFFFFA0] =	vst v37;
	v19 =	vadd.f32 v19, v9  }
0x5a: {  	v20 =	vmul.f32 v48, v3;
	v21 =	vadd.f32 v21, v11;
	[tilespmem:s23+$0xFFFFFE10] =	vst v22  }
0x5b: {  	v30 =	vmul.f32 v28, v0;
	v18 =	vadd.f32 v18, v8;
	[tilespmem:s23+$0xFFFFFC90] =	vst v19  }
0x5c: {  	v58 =	vmul.f32 v56, v0;
	v20 =	vadd.f32 v20, v11;
	[tilespmem:s23+$0xFFFFFCB0] =	vst v21  }
0x5d: {  	v61 =	vmul.f32 v56, v3;
	v22 =	vadd.f32 v30, v8;
	[tilespmem:s23+$0xFFFFFD00] =	vst v18  }
0x5e: {  	v39 =	vbroadcast v17, $0x9;
	v34 =	vmul.f32 v31, v1;
	[tilespmem:s23+$0xFFFFFD30] =	vst v20;
	v21 =	vadd.f32 v58, v8  }
0x5f: {  	v33 =	vmul.f32 v28, v3;
	v19 =	vbroadcast v17, $0x3;
	v20 =	vadd.f32 v61, v11;
	[tilespmem:s23+$0xFFFFFF00] =	vst v22  }
0x60: {  	v41 =	vmul.f32 v39, v0;
	v22 =	vadd.f32 v34, v9;
	[tilespmem:s23+$0xFFFFFE00] =	vst v21  }
0x61: {  	v18 =	vmul.f32 v19, v1;
	[tilespmem:s23+$0xFFFFFE30] =	vst v20;
	v20 =	vadd.f32 v33, v11  }
0x62: {  	v54 =	vmul.f32 v19, v0;
	[tilespmem:s23+$0xFFFFFF90] =	vst v22;
	v22 =	vadd.f32 v41, v8  }
0x63: {  	v55 =	vmul.f32 v19, v2;
	v19 =	vmul.f32 v19, v3;
	v18 =	vadd.f32 v18, v9;
	[tilespmem:s23+$0xFFFFFF30] =	vst v20  }
0x64: {  	v60 =	vmul.f32 v56, v2;
	v23 =	vadd.f32 v54, v8;
	[tilespmem:s23+$0x80] =	vst v22  }
0x65: {  	v19 =	vadd.f32 v19, v11;
	[tilespmem:s23+$0xFFFFFD90] =	vst v18;
	v18 =	vbroadcast v17, $0x5  }
0x66: {  	v32 =	vmul.f32 v28, v2;
	[tilespmem:s23+$0xFFFFFD80] =	vst v23;
	v23 =	vadd.f32 v60, v10  }
0x67: {  	v57 =	vadd.f32 v55, v10;
	[tilespmem:s23+$0xFFFFFDB0] =	vst v19;
	v19 =	vmul.f32 v18, v0  }
0x68: {  	v62 =	vmul.f32 v18, v1;
	[tilespmem:s23+$0xFFFFFE20] =	vst v23;
	v23 =	vadd.f32 v32, v10  }
0x69: {  	[tilespmem:s23+$0xFFFFFDA0] =	vst v57;
	v63 =	vmul.f32 v18, v2;
	v19 =	vadd.f32 v19, v8  }
0x6a: {  	v43 =	vmul.f32 v39, v2;
	v50 =	vbroadcast v17, $0xC;
	v21 =	vadd.f32 v62, v9;
	[tilespmem:s23+$0xFFFFFF20] =	vst v23  }
0x6b: {  	v18 =	vmul.f32 v18, v3;
	v29 =	vadd.f32 v63, v10;
	[tilespmem:s23+$0xFFFFFE80] =	vst v19  }
0x6c: {  	v52 =	vmul.f32 v50, v0;
	v23 =	vadd.f32 v43, v10;
	[tilespmem:s23+$0xFFFFFE90] =	vst v21  }
0x6d: {  	v18 =	vadd.f32 v18, v11;
	v19 =	vmul.f32 v28, v1;
	[tilespmem:s23+$0xFFFFFEA0] =	vst v29  }
0x6e: {  	v21 =	vmul.f32 v31, v3;
	[tilespmem:s23+$0xA0] =	vst v23;
	v23 =	vadd.f32 v52, v8  }
0x6f: {  	v54 =	vbroadcast v17, $0xD;
	[tilespmem:s23+$0xFFFFFEB0] =	vst v18;
	v18 =	vmul.f32 v31, v0;
	v19 =	vadd.f32 v19, v9  }
0x70: {  	v46 =	vbroadcast v17, $0xB;
	v44 =	vmul.f32 v39, v3;
	v21 =	vadd.f32 v21, v11;
	[tilespmem:s23+$0x200] =	vst v23  }
0x71: {  	v58 =	vmul.f32 v54, v2;
	v18 =	vadd.f32 v18, v8;
	[tilespmem:s23+$0xFFFFFF10] =	vst v19;
	v19 =	vbroadcast v17, $0x8  }
0x72: {  	v48 =	vmul.f32 v46, v0;
	[tilespmem:s23+$0xFFFFFFB0] =	vst v21;
	v21 =	vadd.f32 v44, v11  }
0x73: {  	v23 =	vadd.f32 v58, v10;
	[tilespmem:s23+$0xFFFFFF80] =	vst v18;
	v18 =	vmul.f32 v19, v1  }
0x74: {  	v36 =	vmul.f32 v19, v0;
	[tilespmem:s23+$0xB0] =	vst v21;
	v21 =	vadd.f32 v48, v8  }
0x75: {  	[tilespmem:s23+$0x2A0] =	vst v23;
	v38 =	vmul.f32 v19, v2;
	v19 =	vmul.f32 v19, v3;
	v18 =	vadd.f32 v18, v9  }
0x76: {  	v20 =	vadd.f32 v36, v8;
	[tilespmem:s23+$0x180] =	vst v21  }
0x77: {  	v53 =	vmul.f32 v50, v1;
	v19 =	vadd.f32 v19, v11;
	[tilespmem:s23+$0x10] =	vst v18;
	v18 =	vbroadcast v17, $0xA  }
0x78: {  	v42 =	vmul.f32 v39, v1;
	v40 =	vadd.f32 v38, v10;
	[tilespmem:s23+$0x0] =	vst v20  }
0x79: {  	v21 =	vadd.f32 v53, v9;
	[tilespmem:s23+$0x30] =	vst v19;
	v19 =	vmul.f32 v18, v0  }
0x7a: {  	v57 =	vbroadcast v17, $0xE;
	[tilespmem:s23+$0x20] =	vst v40;
	v20 =	vadd.f32 v42, v9;
	v45 =	vmul.f32 v18, v1  }
0x7b: {  	[tilespmem:s23+$0x210] =	vst v21;
	v17 =	vbroadcast v17, $0xF;
	v47 =	vmul.f32 v18, v2;
	v19 =	vadd.f32 v19, v8  }
0x7c: {  	[tilespmem:s23+$0x90] =	vst v20;
	v18 =	vmul.f32 v18, v3;
	v20 =	vmul.f32 v46, v3;
	v22 =	vadd.f32 v45, v9  }
0x7d: {  	v61 =	vmul.f32 v17, v0;
	v62 =	vmul.f32 v17, v1;
	v49 =	vadd.f32 v47, v10;
	[tilespmem:s23+$0x100] =	vst v19  }
0x7e: {  	v63 =	vmul.f32 v17, v2;
	v17 =	vmul.f32 v17, v3;
	v18 =	vadd.f32 v18, v11;
	[tilespmem:s23+$0x110] =	vst v22  }
0x7f: {  	v51 =	vmul.f32 v46, v2;
	v20 =	vadd.f32 v20, v11;
	[tilespmem:s23+$0x120] =	vst v49  }
0x80: {  	v17 =	vadd.f32 v17, v11;
	v19 =	vmul.f32 v46, v1;
	[tilespmem:s23+$0x130] =	vst v18  }
0x81: {  	v55 =	vmul.f32 v54, v0;
	v18 =	vadd.f32 v51, v10;
	[tilespmem:s23+$0x1B0] =	vst v20  }
0x82: {  	v56 =	vmul.f32 v54, v1;
	[tilespmem:s23+$0x3B0] =	vst v17;
	v19 =	vadd.f32 v19, v9  }
0x83: {  	v20 =	vadd.f32 v55, v8;
	[tilespmem:s23+$0x1A0] =	vst v18;
	v18 =	vmul.f32 v50, v3  }
0x84: {  	v22 =	vadd.f32 v56, v9;
	[tilespmem:s23+$0x190] =	vst v19;
	v19 =	vmul.f32 v50, v2  }
0x85: {  	v59 =	vmul.f32 v57, v1;
	[tilespmem:s23+$0x280] =	vst v20;
	v18 =	vadd.f32 v18, v11  }
0x86: {  	[tilespmem:s23+$0x290] =	vst v22;
	v19 =	vadd.f32 v19, v10  }
0x87: {  	v20 =	vadd.f32 v59, v9;
	[tilespmem:s23+$0x230] =	vst v18;
	v18 =	vmul.f32 v57, v0  }
0x88: {  	v22 =	vadd.f32 v61, v8;
	[tilespmem:s23+$0x220] =	vst v19;
	v19 =	vmul.f32 v54, v3  }
0x89: {  	v21 =	vmul.f32 v57, v3;
	[tilespmem:s23+$0x310] =	vst v20;
	v18 =	vadd.f32 v18, v8  }
0x8a: {  	v60 =	vmul.f32 v57, v2;
	[tilespmem:s23+$0x380] =	vst v22;
	v19 =	vadd.f32 v19, v11  }
0x8b: {  	[tilespmem:s23+$0x300] =	vst v18;
	v18 =	vadd.f32 v21, v11  }
0x8c: {  	[tilespmem:s23+$0x2B0] =	vst v19;
	v19 =	vadd.f32 v60, v10  }
0x8d: {  	[tilespmem:s23+$0x330] =	vst v18;
	v18 =	vadd.f32 v63, v10  }
0x8e: {  	[tilespmem:s23+$0x320] =	vst v19;
	v19 =	vadd.f32 v62, v9  }
0x8f: {  	[tilespmem:s23+$0x3A0] =	vst v18  }
0x90: {  	s29 =	simm.s32 $0x10;
	s28 =	simm.s32 $0x80;
	s26 =	smov.u32 s23;
	[tilespmem:s23+$0x390] =	vst v19  }
.LBB2_5:
0x91: {  	p0 =	sne.s32 s28, $0x1C0;
	v17 =	vld.idx.msk [tilespmem:v16+s29+$0x0 ss:$0x1], $0xffff;
	_ =	sdelay $0x5  }
0x92: {  	v18 =	vmul.f32 $0.0e+00, v17;
	_ =	sdelay $0x1  }
0x93: {  	v17 =	vmax.f32 v17, $1.000000000e+00;
	vm0 =	veq.f32 v18, $0.0e+00  }
0x94: {  	v17 =	vnsel vm0, $0x3F800000, v17  }
0x95: {  	v18 =	vbroadcast v17, $0x0;
	v19 =	vbroadcast v17, $0x1  }
0x96: {  	v20 =	vbroadcast v17, $0x2;
	v21 =	vbroadcast v17, $0x3  }
0x97: {  	v22 =	vmul.f32 v18, v0;
	v23 =	vmul.f32 v18, v1  }
0x98: {  	v24 =	vmul.f32 v18, v2;
	v18 =	vmul.f32 v18, v3  }
0x99: {  	v25 =	vmul.f32 v19, v0;
	v22 =	vadd.f32 v22, v8;
	v23 =	vadd.f32 v23, v9  }
0x9a: {  	s26 =	sadd.s32 $0x800, s26;
	v26 =	vmul.f32 v19, v1;
	v24 =	vadd.f32 v24, v10;
	v18 =	vadd.f32 v18, v11  }
0x9b: {  	[tilespmem:s26+$0xFFFFFC00] =	vst v22;
	v22 =	vadd.f32 v25, v8;
	v25 =	vmul.f32 v19, v2;
	v19 =	vmul.f32 v19, v3  }
0x9c: {  	v27 =	vmul.f32 v20, v1;
	[tilespmem:s26+$0xFFFFFC10] =	vst v23;
	v23 =	vadd.f32 v26, v9;
	v26 =	vmul.f32 v20, v0  }
0x9d: {  	[tilespmem:s26+$0xFFFFFC20] =	vst v24;
	v24 =	vadd.f32 v25, v10;
	v19 =	vadd.f32 v19, v11;
	v25 =	vmul.f32 v20, v2  }
0x9e: {  	v20 =	vmul.f32 v20, v3;
	[tilespmem:s26+$0xFFFFFC30] =	vst v18;
	v18 =	vadd.f32 v26, v8;
	v26 =	vadd.f32 v27, v9  }
0x9f: {  	v27 =	vmul.f32 v21, v1;
	[tilespmem:s26+$0xFFFFFC80] =	vst v22;
	v22 =	vadd.f32 v25, v10;
	v25 =	vmul.f32 v21, v0  }
0xa0: {  	v20 =	vadd.f32 v20, v11;
	[tilespmem:s26+$0xFFFFFC90] =	vst v23;
	v23 =	vmul.f32 v21, v2;
	v21 =	vmul.f32 v21, v3  }
0xa1: {  	[tilespmem:s26+$0xFFFFFCA0] =	vst v24;
	v24 =	vadd.f32 v25, v8;
	v25 =	vadd.f32 v27, v9;
	v27 =	vbroadcast v17, $0x4  }
0xa2: {  	[tilespmem:s26+$0xFFFFFCB0] =	vst v19;
	v19 =	vadd.f32 v23, v10;
	v21 =	vadd.f32 v21, v11;
	v23 =	vbroadcast v17, $0x5  }
0xa3: {  	[tilespmem:s26+$0xFFFFFD00] =	vst v18;
	v18 =	vmul.f32 v27, v0;
	v28 =	vmul.f32 v27, v1  }
0xa4: {  	[tilespmem:s26+$0xFFFFFD10] =	vst v26;
	v26 =	vmul.f32 v27, v2;
	v27 =	vmul.f32 v27, v3  }
0xa5: {  	[tilespmem:s26+$0xFFFFFD20] =	vst v22;
	v18 =	vadd.f32 v18, v8;
	v22 =	vadd.f32 v28, v9;
	v28 =	vmul.f32 v23, v0  }
0xa6: {  	[tilespmem:s26+$0xFFFFFD30] =	vst v20;
	v20 =	vadd.f32 v26, v10;
	v26 =	vadd.f32 v27, v11;
	v27 =	vmul.f32 v23, v1  }
0xa7: {  	[tilespmem:s26+$0xFFFFFD80] =	vst v24;
	v24 =	vadd.f32 v28, v8;
	v28 =	vmul.f32 v23, v2;
	v23 =	vmul.f32 v23, v3  }
0xa8: {  	v29 =	vbroadcast v17, $0x7;
	[tilespmem:s26+$0xFFFFFD90] =	vst v25;
	v25 =	vadd.f32 v27, v9;
	v27 =	vbroadcast v17, $0x6  }
0xa9: {  	[tilespmem:s26+$0xFFFFFDA0] =	vst v19;
	v19 =	vadd.f32 v28, v10;
	v23 =	vadd.f32 v23, v11;
	v28 =	vbroadcast v17, $0x8  }
0xaa: {  	[tilespmem:s26+$0xFFFFFDB0] =	vst v21;
	v21 =	vmul.f32 v27, v0;
	v30 =	vmul.f32 v27, v1  }
0xab: {  	[tilespmem:s26+$0xFFFFFE00] =	vst v18;
	v18 =	vmul.f32 v27, v2;
	v27 =	vmul.f32 v27, v3  }
0xac: {  	[tilespmem:s26+$0xFFFFFE10] =	vst v22;
	v21 =	vadd.f32 v21, v8;
	v22 =	vadd.f32 v30, v9;
	v30 =	vmul.f32 v29, v0  }
0xad: {  	[tilespmem:s26+$0xFFFFFE20] =	vst v20;
	v18 =	vadd.f32 v18, v10;
	v20 =	vadd.f32 v27, v11;
	v27 =	vmul.f32 v29, v1  }
0xae: {  	[tilespmem:s26+$0xFFFFFE30] =	vst v26;
	v26 =	vadd.f32 v30, v8;
	v30 =	vmul.f32 v29, v2;
	v29 =	vmul.f32 v29, v3  }
0xaf: {  	v31 =	vmul.f32 v28, v1;
	[tilespmem:s26+$0xFFFFFE80] =	vst v24;
	v24 =	vadd.f32 v27, v9;
	v27 =	vmul.f32 v28, v0  }
0xb0: {  	[tilespmem:s26+$0xFFFFFE90] =	vst v25;
	v25 =	vadd.f32 v30, v10;
	v29 =	vadd.f32 v29, v11;
	v30 =	vmul.f32 v28, v2  }
0xb1: {  	v28 =	vmul.f32 v28, v3;
	[tilespmem:s26+$0xFFFFFEA0] =	vst v19;
	v19 =	vadd.f32 v27, v8;
	v27 =	vadd.f32 v31, v9  }
0xb2: {  	v31 =	vbroadcast v17, $0xA;
	[tilespmem:s26+$0xFFFFFEB0] =	vst v23;
	v23 =	vadd.f32 v30, v10;
	v30 =	vbroadcast v17, $0x9  }
0xb3: {  	v32 =	vbroadcast v17, $0xC;
	[tilespmem:s26+$0xFFFFFF00] =	vst v21;
	v21 =	vadd.f32 v28, v11;
	v28 =	vbroadcast v17, $0xB  }
0xb4: {  	[tilespmem:s26+$0xFFFFFF10] =	vst v22;
	v22 =	vmul.f32 v30, v0;
	v33 =	vmul.f32 v30, v1  }
0xb5: {  	[tilespmem:s26+$0xFFFFFF20] =	vst v18;
	v18 =	vmul.f32 v30, v2;
	v30 =	vmul.f32 v30, v3  }
0xb6: {  	[tilespmem:s26+$0xFFFFFF30] =	vst v20;
	v20 =	vadd.f32 v22, v8;
	v22 =	vadd.f32 v33, v9;
	v33 =	vmul.f32 v31, v0  }
0xb7: {  	[tilespmem:s26+$0xFFFFFF80] =	vst v26;
	v18 =	vadd.f32 v18, v10;
	v26 =	vadd.f32 v30, v11;
	v30 =	vmul.f32 v31, v1  }
0xb8: {  	[tilespmem:s26+$0xFFFFFF90] =	vst v24;
	v24 =	vadd.f32 v33, v8;
	v33 =	vmul.f32 v31, v2;
	v31 =	vmul.f32 v31, v3  }
0xb9: {  	v34 =	vmul.f32 v28, v1;
	[tilespmem:s26+$0xFFFFFFA0] =	vst v25;
	v25 =	vadd.f32 v30, v9;
	v30 =	vmul.f32 v28, v0  }
0xba: {  	[tilespmem:s26+$0xFFFFFFB0] =	vst v29;
	v29 =	vadd.f32 v33, v10;
	v31 =	vadd.f32 v31, v11;
	v33 =	vmul.f32 v28, v2  }
0xbb: {  	v28 =	vmul.f32 v28, v3;
	[tilespmem:s26+$0x0] =	vst v19;
	v19 =	vadd.f32 v30, v8;
	v30 =	vadd.f32 v34, v9  }
0xbc: {  	v34 =	vmul.f32 v32, v1;
	[tilespmem:s26+$0x10] =	vst v27;
	v27 =	vadd.f32 v33, v10;
	v33 =	vmul.f32 v32, v0  }
0xbd: {  	[tilespmem:s26+$0x20] =	vst v23;
	v23 =	vadd.f32 v28, v11;
	v28 =	vmul.f32 v32, v2;
	v32 =	vmul.f32 v32, v3  }
0xbe: {  	[tilespmem:s26+$0x30] =	vst v21;
	v21 =	vadd.f32 v33, v8;
	v33 =	vadd.f32 v34, v9;
	v34 =	vbroadcast v17, $0xD  }
0xbf: {  	[tilespmem:s26+$0x80] =	vst v20;
	v20 =	vadd.f32 v28, v10;
	v28 =	vadd.f32 v32, v11;
	v32 =	vbroadcast v17, $0xE  }
0xc0: {  	[tilespmem:s26+$0x90] =	vst v22;
	v22 =	vmul.f32 v34, v0;
	v35 =	vmul.f32 v34, v1  }
0xc1: {  	[tilespmem:s26+$0xA0] =	vst v18;
	v18 =	vmul.f32 v34, v2;
	v34 =	vmul.f32 v34, v3  }
0xc2: {  	[tilespmem:s26+$0xB0] =	vst v26;
	v22 =	vadd.f32 v22, v8;
	v26 =	vadd.f32 v35, v9;
	v35 =	vmul.f32 v32, v0  }
0xc3: {  	[tilespmem:s26+$0x100] =	vst v24;
	v18 =	vadd.f32 v18, v10;
	v24 =	vadd.f32 v34, v11;
	v34 =	vmul.f32 v32, v1  }
0xc4: {  	[tilespmem:s26+$0x110] =	vst v25;
	v25 =	vadd.f32 v35, v8;
	v35 =	vmul.f32 v32, v2;
	v32 =	vmul.f32 v32, v3  }
0xc5: {  	v17 =	vbroadcast v17, $0xF;
	[tilespmem:s26+$0x120] =	vst v29;
	v29 =	vadd.f32 v34, v9  }
0xc6: {  	[tilespmem:s26+$0x130] =	vst v31;
	v31 =	vadd.f32 v35, v10;
	v32 =	vadd.f32 v32, v11  }
0xc7: {  	v34 =	vmul.f32 v17, v1;
	[tilespmem:s26+$0x180] =	vst v19;
	v19 =	vmul.f32 v17, v0  }
0xc8: {  	[tilespmem:s26+$0x190] =	vst v30;
	v30 =	vmul.f32 v17, v2;
	v17 =	vmul.f32 v17, v3  }
0xc9: {  	[tilespmem:s26+$0x1A0] =	vst v27;
	v19 =	vadd.f32 v19, v8;
	v27 =	vadd.f32 v34, v9  }
0xca: {  	[tilespmem:s26+$0x1B0] =	vst v23;
	v23 =	vadd.f32 v30, v10;
	v17 =	vadd.f32 v17, v11  }
0xcb: {  	[tilespmem:s26+$0x200] =	vst v21  }
0xcc: {  	[tilespmem:s26+$0x210] =	vst v33  }
0xcd: {  	[tilespmem:s26+$0x220] =	vst v20  }
0xce: {  	[tilespmem:s26+$0x230] =	vst v28  }
0xcf: {  	[tilespmem:s26+$0x280] =	vst v22  }
0xd0: {  	[tilespmem:s26+$0x290] =	vst v26  }
0xd1: {  	[tilespmem:s26+$0x2A0] =	vst v18  }
0xd2: {  	[tilespmem:s26+$0x2B0] =	vst v24  }
0xd3: {  	[tilespmem:s26+$0x300] =	vst v25  }
0xd4: {  	[tilespmem:s26+$0x310] =	vst v29  }
0xd5: {  	[tilespmem:s26+$0x320] =	vst v31  }
.Ltmp1:
0xd6: {  	[tilespmem:s26+$0x330] =	vst v32;
	(pc) =	sbr.rel @p0 .LBB2_5-.Ltmp1, $4  }
0xd7: {  	[tilespmem:s26+$0x380] =	vst v19  }
0xd8: {  	[tilespmem:s26+$0x390] =	vst v27  }
0xd9: {  	[tilespmem:s26+$0x3A0] =	vst v23  }
0xda: {  	s29 =	sshra.s32 s28, $0x2;
	s28 =	sadd.s32 $0x40, s28;
	[tilespmem:s26+$0x3B0] =	vst v17  }
0xdb: {  	_ =	sdelay $0x3  }
0xdc: {  	v17 =	vld.idx.msk [tilespmem:v16+s29+$0x0 ss:$0x1], $0xffff;
	_ =	sdelay $0x4  }
0xdd: {  	v18 =	vmul.f32 $0.0e+00, v17;
	_ =	sdelay $0x1  }
0xde: {  	v17 =	vmax.f32 v17, $1.000000000e+00;
	vm0 =	veq.f32 v18, $0.0e+00  }
0xdf: {  	v17 =	vnsel vm0, $0x3F800000, v17  }
0xe0: {  	v18 =	vbroadcast v17, $0x0;
	_ =	sdelay $0x1  }
0xe1: {  	v19 =	vmul.f32 v18, v0  }
0xe2: {  	v20 =	vmul.f32 v18, v1  }
0xe3: {  	v21 =	vbroadcast v17, $0x1;
	v22 =	vmul.f32 v18, v2;
	v19 =	vadd.f32 v19, v8  }
0xe4: {  	s26 =	sadd.s32 $0x800, s26;
	v18 =	vmul.f32 v18, v3;
	v20 =	vadd.f32 v20, v9  }
0xe5: {  	v63 =	vbroadcast v17, $0x2;
	v23 =	vmul.f32 v21, v0;
	v22 =	vadd.f32 v22, v10;
	[tilespmem:s26+$0xFFFFFC00] =	vst v19  }
0xe6: {  	v24 =	vmul.f32 v21, v2;
	v18 =	vadd.f32 v18, v11;
	[tilespmem:s26+$0xFFFFFC10] =	vst v20  }
0xe7: {  	v46 =	vbroadcast v17, $0x7;
	v29 =	vmul.f32 v63, v1;
	v23 =	vadd.f32 v23, v8;
	[tilespmem:s26+$0xFFFFFC20] =	vst v22  }
0xe8: {  	v35 =	vbroadcast v17, $0x4;
	v30 =	vmul.f32 v63, v2;
	v28 =	vadd.f32 v24, v10;
	[tilespmem:s26+$0xFFFFFC30] =	vst v18  }
0xe9: {  	v50 =	vmul.f32 v46, v2;
	v31 =	vadd.f32 v29, v9;
	[tilespmem:s26+$0xFFFFFC80] =	vst v23  }
0xea: {  	v38 =	vmul.f32 v35, v1;
	v32 =	vadd.f32 v30, v10;
	[tilespmem:s26+$0xFFFFFCA0] =	vst v28  }
0xeb: {  	v52 =	vadd.f32 v50, v10;
	v19 =	vmul.f32 v21, v1;
	[tilespmem:s26+$0xFFFFFD10] =	vst v31  }
0xec: {  	v21 =	vmul.f32 v21, v3;
	[tilespmem:s26+$0xFFFFFD20] =	vst v32;
	v22 =	vadd.f32 v38, v9  }
0xed: {  	v43 =	vbroadcast v17, $0x6;
	v18 =	vmul.f32 v63, v0;
	[tilespmem:s26+$0xFFFFFFA0] =	vst v52;
	v19 =	vadd.f32 v19, v9  }
0xee: {  	v20 =	vmul.f32 v63, v3;
	v21 =	vadd.f32 v21, v11;
	[tilespmem:s26+$0xFFFFFE10] =	vst v22  }
0xef: {  	v45 =	vmul.f32 v43, v0;
	v18 =	vadd.f32 v18, v8;
	[tilespmem:s26+$0xFFFFFC90] =	vst v19  }
0xf0: {  	v37 =	vmul.f32 v35, v0;
	v20 =	vadd.f32 v20, v11;
	[tilespmem:s26+$0xFFFFFCB0] =	vst v21  }
0xf1: {  	v40 =	vmul.f32 v35, v3;
	v22 =	vadd.f32 v45, v8;
	[tilespmem:s26+$0xFFFFFD00] =	vst v18  }
0xf2: {  	v54 =	vbroadcast v17, $0x9;
	v49 =	vmul.f32 v46, v1;
	[tilespmem:s26+$0xFFFFFD30] =	vst v20;
	v21 =	vadd.f32 v37, v8  }
0xf3: {  	v48 =	vmul.f32 v43, v3;
	v19 =	vbroadcast v17, $0x3;
	v20 =	vadd.f32 v40, v11;
	[tilespmem:s26+$0xFFFFFF00] =	vst v22  }
0xf4: {  	v56 =	vmul.f32 v54, v0;
	v22 =	vadd.f32 v49, v9;
	[tilespmem:s26+$0xFFFFFE00] =	vst v21  }
0xf5: {  	v18 =	vmul.f32 v19, v1;
	[tilespmem:s26+$0xFFFFFE30] =	vst v20;
	v20 =	vadd.f32 v48, v11  }
0xf6: {  	v33 =	vmul.f32 v19, v0;
	[tilespmem:s26+$0xFFFFFF90] =	vst v22;
	v22 =	vadd.f32 v56, v8  }
0xf7: {  	v34 =	vmul.f32 v19, v2;
	v19 =	vmul.f32 v19, v3;
	v18 =	vadd.f32 v18, v9;
	[tilespmem:s26+$0xFFFFFF30] =	vst v20  }
0xf8: {  	v39 =	vmul.f32 v35, v2;
	v23 =	vadd.f32 v33, v8;
	[tilespmem:s26+$0x80] =	vst v22  }
0xf9: {  	v19 =	vadd.f32 v19, v11;
	[tilespmem:s26+$0xFFFFFD90] =	vst v18;
	v18 =	vbroadcast v17, $0x5  }
0xfa: {  	v47 =	vmul.f32 v43, v2;
	[tilespmem:s26+$0xFFFFFD80] =	vst v23;
	v23 =	vadd.f32 v39, v10  }
0xfb: {  	v36 =	vadd.f32 v34, v10;
	[tilespmem:s26+$0xFFFFFDB0] =	vst v19;
	v19 =	vmul.f32 v18, v0  }
0xfc: {  	v41 =	vmul.f32 v18, v1;
	[tilespmem:s26+$0xFFFFFE20] =	vst v23;
	v23 =	vadd.f32 v47, v10  }
0xfd: {  	[tilespmem:s26+$0xFFFFFDA0] =	vst v36;
	v42 =	vmul.f32 v18, v2;
	v19 =	vadd.f32 v19, v8  }
0xfe: {  	v58 =	vmul.f32 v54, v2;
	v29 =	vbroadcast v17, $0xC;
	v21 =	vadd.f32 v41, v9;
	[tilespmem:s26+$0xFFFFFF20] =	vst v23  }
0xff: {  	v18 =	vmul.f32 v18, v3;
	v44 =	vadd.f32 v42, v10;
	[tilespmem:s26+$0xFFFFFE80] =	vst v19  }
0x100: {  	v31 =	vmul.f32 v29, v0;
	v23 =	vadd.f32 v58, v10;
	[tilespmem:s26+$0xFFFFFE90] =	vst v21  }
0x101: {  	v18 =	vadd.f32 v18, v11;
	v19 =	vmul.f32 v43, v1;
	[tilespmem:s26+$0xFFFFFEA0] =	vst v44  }
0x102: {  	v21 =	vmul.f32 v46, v3;
	[tilespmem:s26+$0xA0] =	vst v23;
	v23 =	vadd.f32 v31, v8  }
0x103: {  	v33 =	vbroadcast v17, $0xD;
	[tilespmem:s26+$0xFFFFFEB0] =	vst v18;
	v18 =	vmul.f32 v46, v0;
	v19 =	vadd.f32 v19, v9  }
0x104: {  	v61 =	vbroadcast v17, $0xB;
	v59 =	vmul.f32 v54, v3;
	v21 =	vadd.f32 v21, v11;
	[tilespmem:s26+$0x200] =	vst v23  }
0x105: {  	v37 =	vmul.f32 v33, v2;
	v18 =	vadd.f32 v18, v8;
	[tilespmem:s26+$0xFFFFFF10] =	vst v19;
	v19 =	vbroadcast v17, $0x8  }
0x106: {  	v63 =	vmul.f32 v61, v0;
	[tilespmem:s26+$0xFFFFFFB0] =	vst v21;
	v21 =	vadd.f32 v59, v11  }
0x107: {  	v23 =	vadd.f32 v37, v10;
	[tilespmem:s26+$0xFFFFFF80] =	vst v18;
	v18 =	vmul.f32 v19, v1  }
0x108: {  	v51 =	vmul.f32 v19, v0;
	[tilespmem:s26+$0xB0] =	vst v21;
	v21 =	vadd.f32 v63, v8  }
0x109: {  	[tilespmem:s26+$0x2A0] =	vst v23;
	v53 =	vmul.f32 v19, v2;
	v19 =	vmul.f32 v19, v3;
	v18 =	vadd.f32 v18, v9  }
0x10a: {  	v20 =	vadd.f32 v51, v8;
	[tilespmem:s26+$0x180] =	vst v21  }
0x10b: {  	v32 =	vmul.f32 v29, v1;
	v19 =	vadd.f32 v19, v11;
	[tilespmem:s26+$0x10] =	vst v18;
	v18 =	vbroadcast v17, $0xA  }
0x10c: {  	v57 =	vmul.f32 v54, v1;
	v55 =	vadd.f32 v53, v10;
	[tilespmem:s26+$0x0] =	vst v20  }
0x10d: {  	v21 =	vadd.f32 v32, v9;
	[tilespmem:s26+$0x30] =	vst v19;
	v19 =	vmul.f32 v18, v0  }
0x10e: {  	v36 =	vbroadcast v17, $0xE;
	[tilespmem:s26+$0x20] =	vst v55;
	v20 =	vadd.f32 v57, v9;
	v60 =	vmul.f32 v18, v1  }
0x10f: {  	[tilespmem:s26+$0x210] =	vst v21;
	v17 =	vbroadcast v17, $0xF;
	v62 =	vmul.f32 v18, v2;
	v19 =	vadd.f32 v19, v8  }
0x110: {  	[tilespmem:s26+$0x90] =	vst v20;
	v18 =	vmul.f32 v18, v3;
	v20 =	vmul.f32 v61, v3;
	v22 =	vadd.f32 v60, v9  }
0x111: {  	v40 =	vmul.f32 v17, v0;
	v41 =	vmul.f32 v17, v1;
	v28 =	vadd.f32 v62, v10;
	[tilespmem:s26+$0x100] =	vst v19  }
0x112: {  	v42 =	vmul.f32 v17, v2;
	v17 =	vmul.f32 v17, v3;
	v18 =	vadd.f32 v18, v11;
	[tilespmem:s26+$0x110] =	vst v22  }
0x113: {  	v30 =	vmul.f32 v61, v2;
	v20 =	vadd.f32 v20, v11;
	[tilespmem:s26+$0x120] =	vst v28  }
0x114: {  	v17 =	vadd.f32 v17, v11;
	v19 =	vmul.f32 v61, v1;
	[tilespmem:s26+$0x130] =	vst v18  }
0x115: {  	v34 =	vmul.f32 v33, v0;
	v18 =	vadd.f32 v30, v10;
	[tilespmem:s26+$0x1B0] =	vst v20  }
0x116: {  	v35 =	vmul.f32 v33, v1;
	[tilespmem:s26+$0x3B0] =	vst v17;
	v19 =	vadd.f32 v19, v9  }
0x117: {  	v20 =	vadd.f32 v34, v8;
	[tilespmem:s26+$0x1A0] =	vst v18;
	v18 =	vmul.f32 v29, v3  }
0x118: {  	v22 =	vadd.f32 v35, v9;
	[tilespmem:s26+$0x190] =	vst v19;
	v19 =	vmul.f32 v29, v2  }
0x119: {  	v38 =	vmul.f32 v36, v1;
	[tilespmem:s26+$0x280] =	vst v20;
	v18 =	vadd.f32 v18, v11  }
0x11a: {  	[tilespmem:s26+$0x290] =	vst v22;
	v19 =	vadd.f32 v19, v10  }
0x11b: {  	v20 =	vadd.f32 v38, v9;
	[tilespmem:s26+$0x230] =	vst v18;
	v18 =	vmul.f32 v36, v0  }
0x11c: {  	v22 =	vadd.f32 v40, v8;
	[tilespmem:s26+$0x220] =	vst v19;
	v19 =	vmul.f32 v33, v3  }
0x11d: {  	v21 =	vmul.f32 v36, v3;
	[tilespmem:s26+$0x310] =	vst v20;
	v18 =	vadd.f32 v18, v8  }
0x11e: {  	v39 =	vmul.f32 v36, v2;
	[tilespmem:s26+$0x380] =	vst v22;
	v19 =	vadd.f32 v19, v11  }
0x11f: {  	[tilespmem:s26+$0x300] =	vst v18;
	v18 =	vadd.f32 v21, v11  }
0x120: {  	[tilespmem:s26+$0x2B0] =	vst v19;
	v19 =	vadd.f32 v39, v10  }
0x121: {  	[tilespmem:s26+$0x330] =	vst v18;
	v18 =	vadd.f32 v42, v10  }
0x122: {  	[tilespmem:s26+$0x320] =	vst v19;
	v19 =	vadd.f32 v41, v9  }
0x123: {  	[tilespmem:s26+$0x3A0] =	vst v18  }
0x124: {  	s31 =	simm.s32 $0x0;
	[tilespmem:s26+$0x390] =	vst v19  }
0x125: {  	v17 =	vld.idx.msk [tilespmem:v16+s31+$0x0 ss:$0x1], $0xffff;
	_ =	sdelay $0x4  }
0x126: {  	v18 =	vmul.f32 $0.0e+00, v17;
	_ =	sdelay $0x1  }
0x127: {  	v17 =	vmax.f32 v17, $1.000000000e+00;
	vm15 =	veq.f32 v18, $0.0e+00  }
0x128: {  	v17 =	vnsel vm15, $0x3F800000, v17  }
0x129: {  	v18 =	vbroadcast v17, $0x0;
	_ =	sdelay $0x1  }
0x12a: {  	v19 =	vmul.f32 v18, v4  }
0x12b: {  	v43 =	vmul.f32 v18, v5  }
0x12c: {  	v44 =	vbroadcast v17, $0x1;
	v45 =	vmul.f32 v18, v6;
	v19 =	vadd.f32 v19, v12  }
0x12d: {  	v18 =	vmul.f32 v18, v7;
	v20 =	vadd.f32 v43, v13  }
0x12e: {  	v46 =	vmul.f32 v44, v4;
	v22 =	vadd.f32 v45, v14;
	[tilespmem:s24+$0xFFFFFC00] =	vst v19  }
0x12f: {  	v47 =	vbroadcast v17, $0x2;
	v48 =	vmul.f32 v44, v6;
	v18 =	vadd.f32 v18, v15;
	[tilespmem:s24+$0xFFFFFC10] =	vst v20  }
0x130: {  	v21 =	vmul.f32 v44, v7;
	v23 =	vadd.f32 v46, v12;
	[tilespmem:s24+$0xFFFFFC20] =	vst v22  }
0x131: {  	v31 =	vbroadcast v17, $0x7;
	v50 =	vmul.f32 v47, v5;
	v49 =	vadd.f32 v48, v14;
	[tilespmem:s24+$0xFFFFFC30] =	vst v18  }
0x132: {  	v56 =	vbroadcast v17, $0x4;
	v51 =	vmul.f32 v47, v6;
	v21 =	vadd.f32 v21, v15;
	[tilespmem:s24+$0xFFFFFC80] =	vst v23  }
0x133: {  	v35 =	vmul.f32 v31, v6;
	v52 =	vadd.f32 v50, v13;
	[tilespmem:s24+$0xFFFFFCA0] =	vst v49  }
0x134: {  	v58 =	vmul.f32 v56, v4;
	v53 =	vadd.f32 v51, v14;
	[tilespmem:s24+$0xFFFFFCB0] =	vst v21  }
0x135: {  	v59 =	vmul.f32 v56, v5;
	v37 =	vadd.f32 v35, v14;
	[tilespmem:s24+$0xFFFFFD10] =	vst v52  }
0x136: {  	v19 =	vmul.f32 v44, v5;
	[tilespmem:s24+$0xFFFFFD20] =	vst v53;
	v21 =	vadd.f32 v58, v12  }
0x137: {  	v28 =	vbroadcast v17, $0x6;
	v18 =	vmul.f32 v47, v4;
	v22 =	vadd.f32 v59, v13;
	[tilespmem:s24+$0xFFFFFFA0] =	vst v37  }
0x138: {  	v20 =	vmul.f32 v47, v7;
	v19 =	vadd.f32 v19, v13;
	[tilespmem:s24+$0xFFFFFE00] =	vst v21  }
0x139: {  	v30 =	vmul.f32 v28, v4;
	v18 =	vadd.f32 v18, v12;
	[tilespmem:s24+$0xFFFFFE10] =	vst v22  }
0x13a: {  	v61 =	vmul.f32 v56, v7;
	v20 =	vadd.f32 v20, v15;
	[tilespmem:s24+$0xFFFFFC90] =	vst v19  }
0x13b: {  	v39 =	vbroadcast v17, $0x9;
	v34 =	vmul.f32 v31, v5;
	v22 =	vadd.f32 v30, v12;
	[tilespmem:s24+$0xFFFFFD00] =	vst v18  }
0x13c: {  	v33 =	vmul.f32 v28, v7;
	v19 =	vbroadcast v17, $0x3;
	[tilespmem:s24+$0xFFFFFD30] =	vst v20;
	v20 =	vadd.f32 v61, v15  }
0x13d: {  	v41 =	vmul.f32 v39, v4;
	[tilespmem:s24+$0xFFFFFF00] =	vst v22;
	v22 =	vadd.f32 v34, v13  }
0x13e: {  	v18 =	vmul.f32 v19, v5;
	[tilespmem:s24+$0xFFFFFE30] =	vst v20;
	v20 =	vadd.f32 v33, v15  }
0x13f: {  	v54 =	vmul.f32 v19, v4;
	[tilespmem:s24+$0xFFFFFF90] =	vst v22;
	v22 =	vadd.f32 v41, v12  }
0x140: {  	v55 =	vmul.f32 v19, v6;
	v19 =	vmul.f32 v19, v7;
	v18 =	vadd.f32 v18, v13;
	[tilespmem:s24+$0xFFFFFF30] =	vst v20  }
0x141: {  	v60 =	vmul.f32 v56, v6;
	v23 =	vadd.f32 v54, v12;
	[tilespmem:s24+$0x80] =	vst v22  }
0x142: {  	v19 =	vadd.f32 v19, v15;
	[tilespmem:s24+$0xFFFFFD90] =	vst v18;
	v18 =	vbroadcast v17, $0x5  }
0x143: {  	v32 =	vmul.f32 v28, v6;
	[tilespmem:s24+$0xFFFFFD80] =	vst v23;
	v23 =	vadd.f32 v60, v14  }
0x144: {  	v57 =	vadd.f32 v55, v14;
	[tilespmem:s24+$0xFFFFFDB0] =	vst v19;
	v19 =	vmul.f32 v18, v4  }
0x145: {  	v62 =	vmul.f32 v18, v5;
	[tilespmem:s24+$0xFFFFFE20] =	vst v23;
	v23 =	vadd.f32 v32, v14  }
0x146: {  	[tilespmem:s24+$0xFFFFFDA0] =	vst v57;
	v63 =	vmul.f32 v18, v6;
	v19 =	vadd.f32 v19, v12  }
0x147: {  	v43 =	vmul.f32 v39, v6;
	v50 =	vbroadcast v17, $0xC;
	v21 =	vadd.f32 v62, v13;
	[tilespmem:s24+$0xFFFFFF20] =	vst v23  }
0x148: {  	v18 =	vmul.f32 v18, v7;
	v29 =	vadd.f32 v63, v14;
	[tilespmem:s24+$0xFFFFFE80] =	vst v19  }
0x149: {  	v52 =	vmul.f32 v50, v4;
	v23 =	vadd.f32 v43, v14;
	[tilespmem:s24+$0xFFFFFE90] =	vst v21  }
0x14a: {  	v18 =	vadd.f32 v18, v15;
	v19 =	vmul.f32 v28, v5;
	[tilespmem:s24+$0xFFFFFEA0] =	vst v29  }
0x14b: {  	v21 =	vmul.f32 v31, v7;
	[tilespmem:s24+$0xA0] =	vst v23;
	v23 =	vadd.f32 v52, v12  }
0x14c: {  	v54 =	vbroadcast v17, $0xD;
	[tilespmem:s24+$0xFFFFFEB0] =	vst v18;
	v18 =	vmul.f32 v31, v4;
	v19 =	vadd.f32 v19, v13  }
0x14d: {  	v46 =	vbroadcast v17, $0xB;
	v44 =	vmul.f32 v39, v7;
	v21 =	vadd.f32 v21, v15;
	[tilespmem:s24+$0x200] =	vst v23  }
0x14e: {  	v58 =	vmul.f32 v54, v6;
	v18 =	vadd.f32 v18, v12;
	[tilespmem:s24+$0xFFFFFF10] =	vst v19;
	v19 =	vbroadcast v17, $0x8  }
0x14f: {  	v48 =	vmul.f32 v46, v4;
	[tilespmem:s24+$0xFFFFFFB0] =	vst v21;
	v21 =	vadd.f32 v44, v15  }
0x150: {  	v23 =	vadd.f32 v58, v14;
	[tilespmem:s24+$0xFFFFFF80] =	vst v18;
	v18 =	vmul.f32 v19, v5  }
0x151: {  	v36 =	vmul.f32 v19, v4;
	[tilespmem:s24+$0xB0] =	vst v21;
	v21 =	vadd.f32 v48, v12  }
0x152: {  	[tilespmem:s24+$0x2A0] =	vst v23;
	v38 =	vmul.f32 v19, v6;
	v19 =	vmul.f32 v19, v7;
	v18 =	vadd.f32 v18, v13  }
0x153: {  	v20 =	vadd.f32 v36, v12;
	[tilespmem:s24+$0x180] =	vst v21  }
0x154: {  	v53 =	vmul.f32 v50, v5;
	v19 =	vadd.f32 v19, v15;
	[tilespmem:s24+$0x10] =	vst v18;
	v18 =	vbroadcast v17, $0xA  }
0x155: {  	v42 =	vmul.f32 v39, v5;
	v40 =	vadd.f32 v38, v14;
	[tilespmem:s24+$0x0] =	vst v20  }
0x156: {  	v21 =	vadd.f32 v53, v13;
	[tilespmem:s24+$0x30] =	vst v19;
	v19 =	vmul.f32 v18, v4  }
0x157: {  	v57 =	vbroadcast v17, $0xE;
	[tilespmem:s24+$0x20] =	vst v40;
	v20 =	vadd.f32 v42, v13;
	v45 =	vmul.f32 v18, v5  }
0x158: {  	[tilespmem:s24+$0x210] =	vst v21;
	v17 =	vbroadcast v17, $0xF;
	v47 =	vmul.f32 v18, v6;
	v19 =	vadd.f32 v19, v12  }
0x159: {  	[tilespmem:s24+$0x90] =	vst v20;
	v18 =	vmul.f32 v18, v7;
	v20 =	vmul.f32 v46, v7;
	v22 =	vadd.f32 v45, v13  }
0x15a: {  	v61 =	vmul.f32 v17, v4;
	v62 =	vmul.f32 v17, v5;
	v49 =	vadd.f32 v47, v14;
	[tilespmem:s24+$0x100] =	vst v19  }
0x15b: {  	v63 =	vmul.f32 v17, v6;
	v17 =	vmul.f32 v17, v7;
	v18 =	vadd.f32 v18, v15;
	[tilespmem:s24+$0x110] =	vst v22  }
0x15c: {  	v51 =	vmul.f32 v46, v6;
	v20 =	vadd.f32 v20, v15;
	[tilespmem:s24+$0x120] =	vst v49  }
0x15d: {  	v17 =	vadd.f32 v17, v15;
	v19 =	vmul.f32 v46, v5;
	[tilespmem:s24+$0x130] =	vst v18  }
0x15e: {  	v55 =	vmul.f32 v54, v4;
	v18 =	vadd.f32 v51, v14;
	[tilespmem:s24+$0x1B0] =	vst v20  }
0x15f: {  	v56 =	vmul.f32 v54, v5;
	[tilespmem:s24+$0x3B0] =	vst v17;
	v19 =	vadd.f32 v19, v13  }
0x160: {  	v20 =	vadd.f32 v55, v12;
	[tilespmem:s24+$0x1A0] =	vst v18;
	v18 =	vmul.f32 v50, v7  }
0x161: {  	v22 =	vadd.f32 v56, v13;
	[tilespmem:s24+$0x190] =	vst v19;
	v19 =	vmul.f32 v50, v6  }
0x162: {  	v59 =	vmul.f32 v57, v5;
	[tilespmem:s24+$0x280] =	vst v20;
	v18 =	vadd.f32 v18, v15  }
0x163: {  	[tilespmem:s24+$0x290] =	vst v22;
	v19 =	vadd.f32 v19, v14  }
0x164: {  	v20 =	vadd.f32 v59, v13;
	[tilespmem:s24+$0x230] =	vst v18;
	v18 =	vmul.f32 v57, v4  }
0x165: {  	v22 =	vadd.f32 v61, v12;
	[tilespmem:s24+$0x220] =	vst v19;
	v19 =	vmul.f32 v54, v7  }
0x166: {  	v21 =	vmul.f32 v57, v7;
	[tilespmem:s24+$0x310] =	vst v20;
	v18 =	vadd.f32 v18, v12  }
0x167: {  	v60 =	vmul.f32 v57, v6;
	[tilespmem:s24+$0x380] =	vst v22;
	v19 =	vadd.f32 v19, v15  }
0x168: {  	[tilespmem:s24+$0x300] =	vst v18;
	v18 =	vadd.f32 v21, v15  }
0x169: {  	[tilespmem:s24+$0x2B0] =	vst v19;
	v19 =	vadd.f32 v60, v14  }
0x16a: {  	[tilespmem:s24+$0x330] =	vst v18;
	v18 =	vadd.f32 v63, v14  }
0x16b: {  	[tilespmem:s24+$0x320] =	vst v19;
	v19 =	vadd.f32 v62, v13  }
0x16c: {  	[tilespmem:s24+$0x3A0] =	vst v18  }
0x16d: {  	s29 =	simm.s32 $0x10;
	s28 =	simm.s32 $0x80;
	s26 =	smov.u32 s24;
	[tilespmem:s24+$0x390] =	vst v19  }
.LBB2_7:
0x16e: {  	p0 =	sne.s32 s28, $0x1C0;
	v17 =	vld.idx.msk [tilespmem:v16+s29+$0x0 ss:$0x1], $0xffff;
	_ =	sdelay $0x5  }
0x16f: {  	v18 =	vmul.f32 $0.0e+00, v17;
	_ =	sdelay $0x1  }
0x170: {  	v17 =	vmax.f32 v17, $1.000000000e+00;
	vm0 =	veq.f32 v18, $0.0e+00  }
0x171: {  	v17 =	vnsel vm0, $0x3F800000, v17  }
0x172: {  	v18 =	vbroadcast v17, $0x0;
	v19 =	vbroadcast v17, $0x1  }
0x173: {  	v20 =	vbroadcast v17, $0x2;
	v21 =	vbroadcast v17, $0x3  }
0x174: {  	v22 =	vmul.f32 v18, v4;
	v23 =	vmul.f32 v18, v5  }
0x175: {  	v24 =	vmul.f32 v18, v6;
	v18 =	vmul.f32 v18, v7  }
0x176: {  	v25 =	vmul.f32 v19, v4;
	v22 =	vadd.f32 v22, v12;
	v23 =	vadd.f32 v23, v13  }
0x177: {  	s26 =	sadd.s32 $0x800, s26;
	v26 =	vmul.f32 v19, v5;
	v24 =	vadd.f32 v24, v14;
	v18 =	vadd.f32 v18, v15  }
0x178: {  	[tilespmem:s26+$0xFFFFFC00] =	vst v22;
	v22 =	vadd.f32 v25, v12;
	v25 =	vmul.f32 v19, v6;
	v19 =	vmul.f32 v19, v7  }
0x179: {  	v27 =	vmul.f32 v20, v5;
	[tilespmem:s26+$0xFFFFFC10] =	vst v23;
	v23 =	vadd.f32 v26, v13;
	v26 =	vmul.f32 v20, v4  }
0x17a: {  	[tilespmem:s26+$0xFFFFFC20] =	vst v24;
	v24 =	vadd.f32 v25, v14;
	v19 =	vadd.f32 v19, v15;
	v25 =	vmul.f32 v20, v6  }
0x17b: {  	v20 =	vmul.f32 v20, v7;
	[tilespmem:s26+$0xFFFFFC30] =	vst v18;
	v18 =	vadd.f32 v26, v12;
	v26 =	vadd.f32 v27, v13  }
0x17c: {  	v27 =	vmul.f32 v21, v5;
	[tilespmem:s26+$0xFFFFFC80] =	vst v22;
	v22 =	vadd.f32 v25, v14;
	v25 =	vmul.f32 v21, v4  }
0x17d: {  	v20 =	vadd.f32 v20, v15;
	[tilespmem:s26+$0xFFFFFC90] =	vst v23;
	v23 =	vmul.f32 v21, v6;
	v21 =	vmul.f32 v21, v7  }
0x17e: {  	[tilespmem:s26+$0xFFFFFCA0] =	vst v24;
	v24 =	vadd.f32 v25, v12;
	v25 =	vadd.f32 v27, v13;
	v27 =	vbroadcast v17, $0x4  }
0x17f: {  	[tilespmem:s26+$0xFFFFFCB0] =	vst v19;
	v19 =	vadd.f32 v23, v14;
	v21 =	vadd.f32 v21, v15;
	v23 =	vbroadcast v17, $0x5  }
0x180: {  	[tilespmem:s26+$0xFFFFFD00] =	vst v18;
	v18 =	vmul.f32 v27, v4;
	v28 =	vmul.f32 v27, v5  }
0x181: {  	[tilespmem:s26+$0xFFFFFD10] =	vst v26;
	v26 =	vmul.f32 v27, v6;
	v27 =	vmul.f32 v27, v7  }
0x182: {  	[tilespmem:s26+$0xFFFFFD20] =	vst v22;
	v18 =	vadd.f32 v18, v12;
	v22 =	vadd.f32 v28, v13;
	v28 =	vmul.f32 v23, v4  }
0x183: {  	[tilespmem:s26+$0xFFFFFD30] =	vst v20;
	v20 =	vadd.f32 v26, v14;
	v26 =	vadd.f32 v27, v15;
	v27 =	vmul.f32 v23, v5  }
0x184: {  	[tilespmem:s26+$0xFFFFFD80] =	vst v24;
	v24 =	vadd.f32 v28, v12;
	v28 =	vmul.f32 v23, v6;
	v23 =	vmul.f32 v23, v7  }
0x185: {  	v29 =	vbroadcast v17, $0x7;
	[tilespmem:s26+$0xFFFFFD90] =	vst v25;
	v25 =	vadd.f32 v27, v13;
	v27 =	vbroadcast v17, $0x6  }
0x186: {  	[tilespmem:s26+$0xFFFFFDA0] =	vst v19;
	v19 =	vadd.f32 v28, v14;
	v23 =	vadd.f32 v23, v15;
	v28 =	vbroadcast v17, $0x8  }
0x187: {  	[tilespmem:s26+$0xFFFFFDB0] =	vst v21;
	v21 =	vmul.f32 v27, v4;
	v30 =	vmul.f32 v27, v5  }
0x188: {  	[tilespmem:s26+$0xFFFFFE00] =	vst v18;
	v18 =	vmul.f32 v27, v6;
	v27 =	vmul.f32 v27, v7  }
0x189: {  	[tilespmem:s26+$0xFFFFFE10] =	vst v22;
	v21 =	vadd.f32 v21, v12;
	v22 =	vadd.f32 v30, v13;
	v30 =	vmul.f32 v29, v4  }
0x18a: {  	[tilespmem:s26+$0xFFFFFE20] =	vst v20;
	v18 =	vadd.f32 v18, v14;
	v20 =	vadd.f32 v27, v15;
	v27 =	vmul.f32 v29, v5  }
0x18b: {  	[tilespmem:s26+$0xFFFFFE30] =	vst v26;
	v26 =	vadd.f32 v30, v12;
	v30 =	vmul.f32 v29, v6;
	v29 =	vmul.f32 v29, v7  }
0x18c: {  	v31 =	vmul.f32 v28, v5;
	[tilespmem:s26+$0xFFFFFE80] =	vst v24;
	v24 =	vadd.f32 v27, v13;
	v27 =	vmul.f32 v28, v4  }
0x18d: {  	[tilespmem:s26+$0xFFFFFE90] =	vst v25;
	v25 =	vadd.f32 v30, v14;
	v29 =	vadd.f32 v29, v15;
	v30 =	vmul.f32 v28, v6  }
0x18e: {  	v28 =	vmul.f32 v28, v7;
	[tilespmem:s26+$0xFFFFFEA0] =	vst v19;
	v19 =	vadd.f32 v27, v12;
	v27 =	vadd.f32 v31, v13  }
0x18f: {  	v31 =	vbroadcast v17, $0xA;
	[tilespmem:s26+$0xFFFFFEB0] =	vst v23;
	v23 =	vadd.f32 v30, v14;
	v30 =	vbroadcast v17, $0x9  }
0x190: {  	v32 =	vbroadcast v17, $0xC;
	[tilespmem:s26+$0xFFFFFF00] =	vst v21;
	v21 =	vadd.f32 v28, v15;
	v28 =	vbroadcast v17, $0xB  }
0x191: {  	[tilespmem:s26+$0xFFFFFF10] =	vst v22;
	v22 =	vmul.f32 v30, v4;
	v33 =	vmul.f32 v30, v5  }
0x192: {  	[tilespmem:s26+$0xFFFFFF20] =	vst v18;
	v18 =	vmul.f32 v30, v6;
	v30 =	vmul.f32 v30, v7  }
0x193: {  	[tilespmem:s26+$0xFFFFFF30] =	vst v20;
	v20 =	vadd.f32 v22, v12;
	v22 =	vadd.f32 v33, v13;
	v33 =	vmul.f32 v31, v4  }
0x194: {  	[tilespmem:s26+$0xFFFFFF80] =	vst v26;
	v18 =	vadd.f32 v18, v14;
	v26 =	vadd.f32 v30, v15;
	v30 =	vmul.f32 v31, v5  }
0x195: {  	[tilespmem:s26+$0xFFFFFF90] =	vst v24;
	v24 =	vadd.f32 v33, v12;
	v33 =	vmul.f32 v31, v6;
	v31 =	vmul.f32 v31, v7  }
0x196: {  	v34 =	vmul.f32 v28, v5;
	[tilespmem:s26+$0xFFFFFFA0] =	vst v25;
	v25 =	vadd.f32 v30, v13;
	v30 =	vmul.f32 v28, v4  }
0x197: {  	[tilespmem:s26+$0xFFFFFFB0] =	vst v29;
	v29 =	vadd.f32 v33, v14;
	v31 =	vadd.f32 v31, v15;
	v33 =	vmul.f32 v28, v6  }
0x198: {  	v28 =	vmul.f32 v28, v7;
	[tilespmem:s26+$0x0] =	vst v19;
	v19 =	vadd.f32 v30, v12;
	v30 =	vadd.f32 v34, v13  }
0x199: {  	v34 =	vmul.f32 v32, v5;
	[tilespmem:s26+$0x10] =	vst v27;
	v27 =	vadd.f32 v33, v14;
	v33 =	vmul.f32 v32, v4  }
0x19a: {  	[tilespmem:s26+$0x20] =	vst v23;
	v23 =	vadd.f32 v28, v15;
	v28 =	vmul.f32 v32, v6;
	v32 =	vmul.f32 v32, v7  }
0x19b: {  	[tilespmem:s26+$0x30] =	vst v21;
	v21 =	vadd.f32 v33, v12;
	v33 =	vadd.f32 v34, v13;
	v34 =	vbroadcast v17, $0xD  }
0x19c: {  	[tilespmem:s26+$0x80] =	vst v20;
	v20 =	vadd.f32 v28, v14;
	v28 =	vadd.f32 v32, v15;
	v32 =	vbroadcast v17, $0xE  }
0x19d: {  	[tilespmem:s26+$0x90] =	vst v22;
	v22 =	vmul.f32 v34, v4;
	v35 =	vmul.f32 v34, v5  }
0x19e: {  	[tilespmem:s26+$0xA0] =	vst v18;
	v18 =	vmul.f32 v34, v6;
	v34 =	vmul.f32 v34, v7  }
0x19f: {  	[tilespmem:s26+$0xB0] =	vst v26;
	v22 =	vadd.f32 v22, v12;
	v26 =	vadd.f32 v35, v13;
	v35 =	vmul.f32 v32, v4  }
0x1a0: {  	[tilespmem:s26+$0x100] =	vst v24;
	v18 =	vadd.f32 v18, v14;
	v24 =	vadd.f32 v34, v15;
	v34 =	vmul.f32 v32, v5  }
0x1a1: {  	[tilespmem:s26+$0x110] =	vst v25;
	v25 =	vadd.f32 v35, v12;
	v35 =	vmul.f32 v32, v6;
	v32 =	vmul.f32 v32, v7  }
0x1a2: {  	v17 =	vbroadcast v17, $0xF;
	[tilespmem:s26+$0x120] =	vst v29;
	v29 =	vadd.f32 v34, v13  }
0x1a3: {  	[tilespmem:s26+$0x130] =	vst v31;
	v31 =	vadd.f32 v35, v14;
	v32 =	vadd.f32 v32, v15  }
0x1a4: {  	v34 =	vmul.f32 v17, v5;
	[tilespmem:s26+$0x180] =	vst v19;
	v19 =	vmul.f32 v17, v4  }
0x1a5: {  	[tilespmem:s26+$0x190] =	vst v30;
	v30 =	vmul.f32 v17, v6;
	v17 =	vmul.f32 v17, v7  }
0x1a6: {  	[tilespmem:s26+$0x1A0] =	vst v27;
	v19 =	vadd.f32 v19, v12;
	v27 =	vadd.f32 v34, v13  }
0x1a7: {  	[tilespmem:s26+$0x1B0] =	vst v23;
	v23 =	vadd.f32 v30, v14;
	v17 =	vadd.f32 v17, v15  }
0x1a8: {  	[tilespmem:s26+$0x200] =	vst v21  }
0x1a9: {  	[tilespmem:s26+$0x210] =	vst v33  }
0x1aa: {  	[tilespmem:s26+$0x220] =	vst v20  }
0x1ab: {  	[tilespmem:s26+$0x230] =	vst v28  }
0x1ac: {  	[tilespmem:s26+$0x280] =	vst v22  }
0x1ad: {  	[tilespmem:s26+$0x290] =	vst v26  }
0x1ae: {  	[tilespmem:s26+$0x2A0] =	vst v18  }
0x1af: {  	[tilespmem:s26+$0x2B0] =	vst v24  }
0x1b0: {  	[tilespmem:s26+$0x300] =	vst v25  }
0x1b1: {  	[tilespmem:s26+$0x310] =	vst v29  }
0x1b2: {  	[tilespmem:s26+$0x320] =	vst v31  }
.Ltmp2:
0x1b3: {  	[tilespmem:s26+$0x330] =	vst v32;
	(pc) =	sbr.rel @p0 .LBB2_7-.Ltmp2, $4  }
0x1b4: {  	[tilespmem:s26+$0x380] =	vst v19  }
0x1b5: {  	[tilespmem:s26+$0x390] =	vst v27  }
0x1b6: {  	[tilespmem:s26+$0x3A0] =	vst v23  }
0x1b7: {  	s29 =	sshra.s32 s28, $0x2;
	s28 =	sadd.s32 $0x40, s28;
	[tilespmem:s26+$0x3B0] =	vst v17  }
0x1b8: {  	_ =	sdelay $0x3  }
0x1b9: {  	v16 =	vld.idx.msk [tilespmem:v16+s29+$0x0 ss:$0x1], $0xffff;
	_ =	sdelay $0x4  }
0x1ba: {  	v17 =	vmul.f32 $0.0e+00, v16;
	_ =	sdelay $0x1  }
0x1bb: {  	v16 =	vmax.f32 v16, $1.000000000e+00;
	vm0 =	veq.f32 v17, $0.0e+00  }
0x1bc: {  	v16 =	vnsel vm0, $0x3F800000, v16  }
0x1bd: {  	v17 =	vbroadcast v16, $0x0;
	_ =	sdelay $0x1  }
0x1be: {  	v18 =	vmul.f32 v17, v4  }
0x1bf: {  	v19 =	vmul.f32 v17, v5  }
0x1c0: {  	v20 =	vbroadcast v16, $0x1;
	v21 =	vmul.f32 v17, v6;
	v18 =	vadd.f32 v18, v12  }
0x1c1: {  	s26 =	sadd.s32 $0x800, s26;
	v17 =	vmul.f32 v17, v7;
	v19 =	vadd.f32 v19, v13  }
0x1c2: {  	v22 =	vmul.f32 v20, v4;
	v21 =	vadd.f32 v21, v14;
	[tilespmem:s26+$0xFFFFFC00] =	vst v18  }
0x1c3: {  	v42 =	vbroadcast v16, $0x2;
	v23 =	vmul.f32 v20, v6;
	v17 =	vadd.f32 v17, v15;
	[tilespmem:s26+$0xFFFFFC10] =	vst v19  }
0x1c4: {  	v41 =	vmul.f32 v20, v5;
	v20 =	vmul.f32 v20, v7;
	v22 =	vadd.f32 v22, v12;
	[tilespmem:s26+$0xFFFFFC20] =	vst v21  }
0x1c5: {  	v45 =	vbroadcast v16, $0x3;
	v44 =	vmul.f32 v42, v5;
	v43 =	vadd.f32 v23, v14;
	[tilespmem:s26+$0xFFFFFC30] =	vst v17  }
0x1c6: {  	v24 =	vbroadcast v16, $0x7;
	v46 =	vmul.f32 v42, v6;
	v20 =	vadd.f32 v20, v15;
	[tilespmem:s26+$0xFFFFFC80] =	vst v22  }
0x1c7: {  	v28 =	vbroadcast v16, $0x8;
	v50 =	vmul.f32 v45, v6;
	v47 =	vadd.f32 v44, v13;
	[tilespmem:s26+$0xFFFFFCA0] =	vst v43  }
0x1c8: {  	v29 =	vmul.f32 v24, v6;
	v48 =	vadd.f32 v46, v14;
	[tilespmem:s26+$0xFFFFFCB0] =	vst v20  }
0x1c9: {  	v32 =	vmul.f32 v28, v6;
	v52 =	vadd.f32 v50, v14;
	[tilespmem:s26+$0xFFFFFD10] =	vst v47  }
0x1ca: {  	v51 =	vbroadcast v16, $0x4;
	v31 =	vadd.f32 v29, v14;
	[tilespmem:s26+$0xFFFFFD20] =	vst v48  }
0x1cb: {  	v49 =	vmul.f32 v45, v4;
	v34 =	vadd.f32 v32, v14;
	[tilespmem:s26+$0xFFFFFDA0] =	vst v52  }
0x1cc: {  	v53 =	vmul.f32 v51, v4;
	v18 =	vadd.f32 v41, v13;
	[tilespmem:s26+$0xFFFFFFA0] =	vst v31  }
0x1cd: {  	v54 =	vmul.f32 v51, v5;
	v22 =	vadd.f32 v49, v12;
	[tilespmem:s26+$0x20] =	vst v34  }
0x1ce: {  	v17 =	vmul.f32 v42, v4;
	v20 =	vadd.f32 v53, v12;
	[tilespmem:s26+$0xFFFFFC90] =	vst v18  }
0x1cf: {  	v60 =	vbroadcast v16, $0x6;
	v19 =	vmul.f32 v42, v7;
	v21 =	vadd.f32 v54, v13;
	[tilespmem:s26+$0xFFFFFD80] =	vst v22  }
0x1d0: {  	v55 =	vmul.f32 v51, v6;
	v17 =	vadd.f32 v17, v12;
	[tilespmem:s26+$0xFFFFFE00] =	vst v20  }
0x1d1: {  	v62 =	vmul.f32 v60, v4;
	v19 =	vadd.f32 v19, v15;
	[tilespmem:s26+$0xFFFFFE10] =	vst v21  }
0x1d2: {  	v18 =	vmul.f32 v45, v7;
	v22 =	vadd.f32 v55, v14;
	[tilespmem:s26+$0xFFFFFD00] =	vst v17  }
0x1d3: {  	v56 =	vmul.f32 v51, v7;
	v21 =	vadd.f32 v62, v12;
	[tilespmem:s26+$0xFFFFFD30] =	vst v19  }
0x1d4: {  	v25 =	vmul.f32 v60, v6;
	v18 =	vadd.f32 v18, v15;
	[tilespmem:s26+$0xFFFFFE20] =	vst v22  }
0x1d5: {  	v27 =	vmul.f32 v24, v5;
	v19 =	vadd.f32 v56, v15;
	[tilespmem:s26+$0xFFFFFF00] =	vst v21  }
0x1d6: {  	v33 =	vbroadcast v16, $0x9;
	v17 =	vmul.f32 v45, v5;
	v22 =	vadd.f32 v25, v14;
	[tilespmem:s26+$0xFFFFFDB0] =	vst v18  }
0x1d7: {  	v26 =	vmul.f32 v60, v7;
	v21 =	vadd.f32 v27, v13;
	[tilespmem:s26+$0xFFFFFE30] =	vst v19  }
0x1d8: {  	v35 =	vmul.f32 v33, v4;
	v17 =	vadd.f32 v17, v13;
	[tilespmem:s26+$0xFFFFFF20] =	vst v22  }
0x1d9: {  	v37 =	vmul.f32 v33, v6;
	v46 =	vbroadcast v16, $0xC;
	v19 =	vadd.f32 v26, v15;
	[tilespmem:s26+$0xFFFFFF90] =	vst v21  }
0x1da: {  	v30 =	vmul.f32 v28, v4;
	v21 =	vadd.f32 v35, v12;
	[tilespmem:s26+$0xFFFFFD90] =	vst v17  }
0x1db: {  	v51 =	vbroadcast v16, $0xD;
	v48 =	vmul.f32 v46, v4;
	v22 =	vadd.f32 v37, v14;
	[tilespmem:s26+$0xFFFFFF30] =	vst v19  }
0x1dc: {  	v36 =	vmul.f32 v33, v5;
	v17 =	vbroadcast v16, $0x5;
	v19 =	vadd.f32 v30, v12;
	[tilespmem:s26+$0x80] =	vst v21  }
0x1dd: {  	v55 =	vmul.f32 v51, v6;
	[tilespmem:s26+$0xA0] =	vst v22;
	v22 =	vadd.f32 v48, v12  }
0x1de: {  	v57 =	vmul.f32 v17, v4;
	[tilespmem:s26+$0x0] =	vst v19;
	v19 =	vadd.f32 v36, v13  }
0x1df: {  	v58 =	vmul.f32 v17, v5;
	[tilespmem:s26+$0x200] =	vst v22;
	v22 =	vadd.f32 v55, v14  }
0x1e0: {  	v59 =	vmul.f32 v17, v6;
	v17 =	vmul.f32 v17, v7;
	v18 =	vadd.f32 v57, v12;
	[tilespmem:s26+$0x90] =	vst v19  }
0x1e1: {  	v41 =	vbroadcast v16, $0xB;
	v20 =	vadd.f32 v58, v13;
	[tilespmem:s26+$0x2A0] =	vst v22  }
0x1e2: {  	v63 =	vmul.f32 v60, v5;
	v17 =	vadd.f32 v17, v15;
	[tilespmem:s26+$0xFFFFFE80] =	vst v18  }
0x1e3: {  	v54 =	vbroadcast v16, $0xE;
	v61 =	vadd.f32 v59, v14;
	v19 =	vmul.f32 v41, v7;
	[tilespmem:s26+$0xFFFFFE90] =	vst v20  }
0x1e4: {  	v18 =	vadd.f32 v63, v13;
	[tilespmem:s26+$0xFFFFFEB0] =	vst v17;
	v17 =	vmul.f32 v24, v4  }
0x1e5: {  	v58 =	vmul.f32 v54, v6;
	[tilespmem:s26+$0xFFFFFEA0] =	vst v61;
	v19 =	vadd.f32 v19, v15  }
0x1e6: {  	v20 =	vmul.f32 v24, v7;
	[tilespmem:s26+$0xFFFFFF10] =	vst v18;
	v17 =	vadd.f32 v17, v12  }
0x1e7: {  	v52 =	vmul.f32 v51, v4;
	v59 =	vadd.f32 v58, v14;
	[tilespmem:s26+$0x1B0] =	vst v19  }
0x1e8: {  	v20 =	vadd.f32 v20, v15;
	[tilespmem:s26+$0xFFFFFF80] =	vst v17;
	v17 =	vmul.f32 v28, v5  }
0x1e9: {  	v38 =	vmul.f32 v33, v7;
	v19 =	vadd.f32 v52, v12;
	[tilespmem:s26+$0x320] =	vst v59  }
0x1ea: {  	v18 =	vmul.f32 v28, v7;
	[tilespmem:s26+$0xFFFFFFB0] =	vst v20;
	v17 =	vadd.f32 v17, v13  }
0x1eb: {  	v43 =	vmul.f32 v41, v4;
	v20 =	vadd.f32 v38, v15;
	[tilespmem:s26+$0x280] =	vst v19  }
0x1ec: {  	v57 =	vmul.f32 v54, v5;
	v18 =	vadd.f32 v18, v15;
	[tilespmem:s26+$0x10] =	vst v17;
	v17 =	vbroadcast v16, $0xA  }
0x1ed: {  	v49 =	vmul.f32 v46, v5;
	[tilespmem:s26+$0xB0] =	vst v20;
	v20 =	vadd.f32 v43, v12  }
0x1ee: {  	v19 =	vadd.f32 v57, v13;
	[tilespmem:s26+$0x30] =	vst v18;
	v39 =	vmul.f32 v17, v4;
	v40 =	vmul.f32 v17, v5  }
0x1ef: {  	[tilespmem:s26+$0x180] =	vst v20;
	v20 =	vadd.f32 v49, v13;
	v42 =	vmul.f32 v17, v6;
	v17 =	vmul.f32 v17, v7  }
0x1f0: {  	[tilespmem:s26+$0x310] =	vst v19;
	v18 =	vadd.f32 v39, v12  }
0x1f1: {  	v47 =	vmul.f32 v41, v6;
	v16 =	vbroadcast v16, $0xF;
	[tilespmem:s26+$0x210] =	vst v20;
	v17 =	vadd.f32 v17, v15  }
0x1f2: {  	v21 =	vadd.f32 v40, v13;
	[tilespmem:s26+$0x100] =	vst v18  }
0x1f3: {  	v60 =	vmul.f32 v16, v4;
	v61 =	vmul.f32 v16, v5;
	[tilespmem:s26+$0x130] =	vst v17;
	v17 =	vadd.f32 v47, v14  }
0x1f4: {  	v62 =	vmul.f32 v16, v6;
	v16 =	vmul.f32 v16, v7;
	v44 =	vadd.f32 v42, v14;
	[tilespmem:s26+$0x110] =	vst v21  }
0x1f5: {  	v63 =	vadd.f32 v61, v13;
	[tilespmem:s26+$0x1A0] =	vst v17;
	v17 =	vmul.f32 v46, v7  }
0x1f6: {  	v45 =	vmul.f32 v41, v5;
	v16 =	vadd.f32 v16, v15;
	[tilespmem:s26+$0x120] =	vst v44  }
0x1f7: {  	v53 =	vmul.f32 v51, v5;
	[tilespmem:s26+$0x390] =	vst v63;
	v17 =	vadd.f32 v17, v15  }
0x1f8: {  	v50 =	vmul.f32 v46, v6;
	v18 =	vadd.f32 v45, v13;
	[tilespmem:s26+$0x3B0] =	vst v16  }
0x1f9: {  	v21 =	vadd.f32 v53, v13;
	[tilespmem:s26+$0x230] =	vst v17;
	v17 =	vmul.f32 v54, v4  }
0x1fa: {  	[tilespmem:s26+$0x190] =	vst v18;
	v18 =	vadd.f32 v50, v14  }
0x1fb: {  	v20 =	vmul.f32 v54, v7;
	[tilespmem:s26+$0x290] =	vst v21;
	v17 =	vadd.f32 v17, v12  }
0x1fc: {  	v56 =	vmul.f32 v51, v7;
	v21 =	vadd.f32 v60, v12;
	[tilespmem:s26+$0x220] =	vst v18  }
0x1fd: {  	[tilespmem:s26+$0x300] =	vst v17;
	v17 =	vadd.f32 v20, v15  }
0x1fe: {  	s28 =	sshll.u32 s25, $0xE;
	s31 =	sshll.u32 s25, $0x7;
	s25 =	sadd.s32 $0x1, s25;
	v18 =	vadd.f32 v56, v15;
	[tilespmem:s26+$0x380] =	vst v21  }
0x1ff: {  	p0 =	sne.s32 s25, $0x4;
	[tilespmem:s26+$0x330] =	vst v17;
	v17 =	vadd.f32 v62, v14  }
.Ltmp3:
0x200: {  	s28 =	sand.u32 $0x3FFFC000, s28;
	[tilespmem:s26+$0x2B0] =	vst v18;
	(pc) =	sbr.rel @p0 .LBB2_4-.Ltmp3, $4  }
0x201: {  	s22 =	sadd.s32 $0x80, s22;
	s30 =	sor.u32 $0x700, s28;
	[tilespmem:s26+$0x3A0] =	vst v17  }
0x202: {  	[tilespmem:s30], [sflag:$0x2] =	stream.indirect.gather.add.f32 [hbm:s0], $0x80, s31, s17, $0xb8;
	[tilespmem:$0x10700] =	vst v63  }
0x203: {  	s23 =	sadd.s32 $0x4000, s23;
	s24 =	sadd.s32 $0x4000, s24;
	s28 =	sadd.s32 $0x200, s31  }
0x204: {  	[tilespmem:s30], [sflag:$0x2] =	stream.indirect.gather.add.f32 [hbm:s1], $0x80, s28, s17, $0xb8;
	[tilespmem:$0x10700] =	vst v63  }
0x205: {  	_ =	swait.ge [sflag:s18], $0x4000  }
0x206: {  	[sflag:s18] =	ssyncset.done $0x0  }
0x207: {  	[sflag:s18] =	ssyncadd.s32 $0xFFFFC000  }
0x208: {  	_ =	swait.ge [sflag:s18], $0x4000  }
0x209: {  	[sflag:s18] =	ssyncset.done $0x0  }
0x20a: {  	[sflag:s18] =	ssyncadd.s32 $0xFFFFC000  }
0x20b: {  	_ =	swait.ge [sflag:s18], $0x4000  }
0x20c: {  	[sflag:s18] =	ssyncset.done $0x0  }
0x20d: {  	[sflag:s18] =	ssyncadd.s32 $0xFFFFC000  }
0x20e: {  	_ =	swait.ge [sflag:s18], $0x4000  }
0x20f: {  	[sflag:s18] =	ssyncset.done $0x0  }
0x210: {  	[sflag:s18] =	ssyncadd.s32 $0xFFFFC000  }
0x211: {  	_ =	swait.ge [sflag:s18], $0x4000  }
0x212: {  	[sflag:s18] =	ssyncset.done $0x0  }
0x213: {  	[sflag:s18] =	ssyncadd.s32 $0xFFFFC000  }
0x214: {  	_ =	swait.ge [sflag:s18], $0x4000  }
0x215: {  	[sflag:s18] =	ssyncset.done $0x0  }
0x216: {  	[sflag:s18] =	ssyncadd.s32 $0xFFFFC000  }
0x217: {  	_ =	swait.ge [sflag:s18], $0x4000  }
0x218: {  	[sflag:s18] =	ssyncset.done $0x0  }
0x219: {  	[sflag:s18] =	ssyncadd.s32 $0xFFFFC000  }
0x21a: {  	s21 =	sadd.s32 $0x1, s21;
	_ =	swait.ge [sflag:s18], $0x4000  }
0x21b: {  	p0 =	sne.s32 s21, s11;
	[sflag:s18] =	ssyncset.done $0x0  }
.Ltmp4:
0x21c: {  	[sflag:s18] =	ssyncadd.s32 $0xFFFFC000;
	(pc) =	sbr.rel @p0 .LBB2_1-.Ltmp4, $4  }
0x21d: {  	[hbm4b:s10+s6] =	stream.linear.scatter [tilespmem:s19], [sflag:$0x3], $0x10000, $0x38;
	[tilespmem:$0x10700] =	vst v63  }
0x21e: {  	_ =	swait.ge [sflag:s20], $0x10000  }
0x21f: {  	[sflag:s20] =	ssyncset.done $0x0  }
0x220: {  	[sflag:s20] =	ssyncadd.s32 $0xFFFF0000  }
0x221: {  	_ =	sfence.sel $0x180000  }
0x222: {  	[bflag:$0x0] =	sbarrier.arrive $0xFFFF  }
0x223: {  	p0 =	sne.s32 s3, $0x0;
	_ =	strace $0x90000047  }
0x224: {  	s0 =	sadd.s32 @!p0 $0x100000, s2;
	[bflag:$0x2] =	sbarrier.arrive $0xFFFF  }
0x225: {  	[sflag:s0] =	ssyncadd.tile.s32 @!p0 $0x1;
	_ =	shalt  }
.Lfunc_end2:
_tile_overlayer_lowered:
.L_overlay_start_2:
0x226: {  	(tag) =	ssettag $0x2  }
0x227: {  	s0 =	rddreg [dreg:$0x0];
	s2 =	stileid.u32  }
0x228: {  	s1 =	rddreg [dreg:$0x1];
	p0 =	sne.s32 s2, $0x0  }
0x229: {  	s3 =	rddreg [dreg:$0x2];
	[bflag:$0x3] =	sbarrier.arrive $0xFFFF;
	s2 =	simm.s32 @!p0 $0x1C03  }
0x22a: {  	[timem:s3], [sflag:s2] =	dma.local @!p0 [hbm:s0], s1  }
0x22b: {  	s0 =	simm.s32 @!p0 $0x3  }
0x22c: {  	_ =	swait.ge @!p0 [sflag:s0], s1  }
0x22d: {  	s1 =	ssub.s32 @!p0 $0x0, s1;
	[sflag:s0] =	ssyncset.done @!p0 $0x0  }
0x22e: {  	[sflag:s0] =	ssyncadd.s32 @!p0 s1  }
0x22f: {  	[bflag:$0x3] =	sbarrier.arrive $0xFFFF  }
0x230: {  	_ =	shalt  }

</sc_bundles>
